<compile_context>
chip_gen: v7x
topology: tpu7x:2x2x1
jax: 0.10.2.dev20260603
libtpu: 0.0.44.dev20260713+nightly
codegen_flags: <defaults>
</compile_context>

<pallas_src>
import functools

import jax
import jax.numpy as jnp
from jax import lax
from jax.experimental import pallas as pl
from jax.experimental.pallas import tpu as pltpu
from jax.experimental.pallas import tpu_sc as plsc

_N = 10000
_E = 320000
_D = 128
_H = 128
_MH = 64
_G = 64

_NC = 2
_NS = 16
_NT = _NC * _NS
_EW = _E // _NT
_CH = 64
_NCH = _EW // _CH
_TAIL = _EW - _NCH * _CH
_RPT = 624


def _dot(a, b):
    return lax.dot_general(a, b, (((1,), (0,)), ((), ())),
                           preferred_element_type=jnp.float32)




def _make_sc_msg(w):
    out_type = [jax.ShapeDtypeStruct((_NC, _N, w), jnp.float32)]
    scratch = [
        pltpu.VMEM((_CH,), jnp.int32),
        pltpu.VMEM((_CH,), jnp.int32),
        pltpu.VMEM((_CH, w), jnp.float32),
        pltpu.VMEM((_CH,), jnp.int32),
        pltpu.VMEM((_CH,), jnp.int32),
        pltpu.VMEM((_CH, w), jnp.float32),
        pltpu.VMEM((_TAIL,), jnp.int32),
        pltpu.VMEM((_TAIL,), jnp.int32),
        pltpu.VMEM((_TAIL, w), jnp.float32),
        pltpu.VMEM((48, w), jnp.float32),
        pltpu.SemaphoreType.DMA,
        pltpu.SemaphoreType.DMA,
        pltpu.VMEM_SHARED((_N, w), jnp.float32),
    ]

    mesh = plsc.VectorSubcoreMesh(core_axis_name="c", subcore_axis_name="s")

    @functools.partial(pl.kernel, mesh=mesh, out_type=out_type,
                       scratch_types=scratch)
    def sc_msg(h_hbm, src_hbm, dst_hbm, msg_out, src_v0, dst_v0, rows_v0,
               src_v1, dst_v1, rows_v1, src_t, dst_t, rows_t, stage_v,
               gsem0, gsem1, msg_sh):
        cid = lax.axis_index("c")
        sid = lax.axis_index("s")
        wid = cid * _NS + sid
        row0 = sid * _RPT

        zv = jnp.zeros((16,), jnp.float32)

        @pl.loop(0, _TAIL)
        def _(i):
            @pl.loop(0, w // 16)
            def _(j):
                rows_t[i, pl.ds(j * 16, 16)] = zv

        @pl.loop(0, _RPT // 16)
        def _(i):
            pltpu.sync_copy(rows_t, msg_sh.at[pl.ds(row0 + i * 16, 16)])

        @pl.when(sid == _NS - 1)
        def _():
            pltpu.sync_copy(rows_t, msg_sh.at[pl.ds(_NS * _RPT, 16)])

        plsc.subcore_barrier()

        base = wid * _EW
        npair = _NCH // 2

        def load_idx(c, sv, dv):
            off = base + c * _CH
            pltpu.sync_copy(src_hbm.at[pl.ds(off, _CH)], sv)
            pltpu.sync_copy(dst_hbm.at[pl.ds(off, _CH)], dv)

        load_idx(0, src_v0, dst_v0)
        pltpu.async_copy(h_hbm.at[src_v0], rows_v0, gsem0)

        @pl.loop(0, npair)
        def _(i2):
            c0 = 2 * i2
            load_idx(c0 + 1, src_v1, dst_v1)
            pltpu.async_copy(h_hbm.at[src_v1], rows_v1, gsem1)
            pltpu.make_async_copy(h_hbm.at[src_v0], rows_v0, gsem0).wait()
            pltpu.sync_copy(rows_v0, msg_sh.at[dst_v0], add=True)

            @pl.when(i2 < npair - 1)
            def _():
                load_idx(c0 + 2, src_v0, dst_v0)
                pltpu.async_copy(h_hbm.at[src_v0], rows_v0, gsem0)

            pltpu.make_async_copy(h_hbm.at[src_v1], rows_v1, gsem1).wait()
            pltpu.sync_copy(rows_v1, msg_sh.at[dst_v1], add=True)

        toff = base + _NCH * _CH
        pltpu.sync_copy(src_hbm.at[pl.ds(toff, _TAIL)], src_t)
        pltpu.sync_copy(dst_hbm.at[pl.ds(toff, _TAIL)], dst_t)
        pltpu.async_copy(h_hbm.at[src_t], rows_t, gsem0).wait()
        pltpu.sync_copy(rows_t, msg_sh.at[dst_t], add=True)

        plsc.subcore_barrier()

        sr = 48

        @pl.loop(0, _RPT // 48)
        def _(i):
            r = row0 + i * sr
            pltpu.sync_copy(msg_sh.at[pl.ds(r, sr)], stage_v)
            pltpu.sync_copy(stage_v, msg_out.at[cid, pl.ds(r, sr)])

        @pl.when(sid == _NS - 1)
        def _():
            pltpu.sync_copy(msg_sh.at[pl.ds(_NS * _RPT, 16)], rows_t)
            pltpu.sync_copy(rows_t, msg_out.at[cid, pl.ds(_NS * _RPT, 16)])

    return sc_msg


_sc_msg = _make_sc_msg(_H)


def _make_sc_deg():
    mesh = plsc.VectorSubcoreMesh(core_axis_name="c", subcore_axis_name="s")

    @functools.partial(
        pl.kernel, mesh=mesh,
        out_type=[jax.ShapeDtypeStruct((_NC, _N, _H), jnp.float32)],
        scratch_types=[
            pltpu.VMEM((_CH,), jnp.int32),
            pltpu.VMEM((_CH,), jnp.int32),
            pltpu.VMEM((_CH, _H), jnp.float32),
            pltpu.VMEM((_TAIL,), jnp.int32),
            pltpu.VMEM((_TAIL, _H), jnp.float32),
            pltpu.VMEM((48, _H), jnp.float32),
            pltpu.SemaphoreType.DMA,
            pltpu.SemaphoreType.DMA,
            pltpu.VMEM_SHARED((_N, _H), jnp.float32),
        ])
    def sc_deg(dst_hbm, deg_out, dst_v0, dst_v1, ones_v, dst_t, z16, stage_v,
               ssem0, ssem1, deg_sh):
        cid = lax.axis_index("c")
        sid = lax.axis_index("s")
        wid = cid * _NS + sid
        row0 = sid * _RPT

        zv = jnp.zeros((16,), jnp.float32)
        ov = jnp.full((16,), 1.0, jnp.float32)

        @pl.loop(0, _TAIL)
        def _(i):
            @pl.loop(0, _H // 16)
            def _(j):
                z16[i, pl.ds(j * 16, 16)] = zv

        @pl.loop(0, _CH)
        def _(i):
            @pl.loop(0, _H // 16)
            def _(j):
                ones_v[i, pl.ds(j * 16, 16)] = ov

        @pl.loop(0, _RPT // 16)
        def _(i):
            pltpu.sync_copy(z16, deg_sh.at[pl.ds(row0 + i * 16, 16)])

        @pl.when(sid == _NS - 1)
        def _():
            pltpu.sync_copy(z16, deg_sh.at[pl.ds(_NS * _RPT, 16)])

        plsc.subcore_barrier()

        base = wid * _EW
        npair = _NCH // 2

        pltpu.sync_copy(dst_hbm.at[pl.ds(base, _CH)], dst_v0)
        pltpu.async_copy(ones_v, deg_sh.at[dst_v0], ssem0, add=True)

        @pl.loop(0, npair)
        def _(i2):
            c0 = 2 * i2
            pltpu.sync_copy(dst_hbm.at[pl.ds(base + (c0 + 1) * _CH, _CH)],
                            dst_v1)
            pltpu.async_copy(ones_v, deg_sh.at[dst_v1], ssem1, add=True)
            pltpu.make_async_copy(ones_v, deg_sh.at[dst_v0], ssem0).wait()

            @pl.when(i2 < npair - 1)
            def _():
                pltpu.sync_copy(dst_hbm.at[pl.ds(base + (c0 + 2) * _CH, _CH)],
                                dst_v0)
                pltpu.async_copy(ones_v, deg_sh.at[dst_v0], ssem0, add=True)

            pltpu.make_async_copy(ones_v, deg_sh.at[dst_v1], ssem1).wait()

        pltpu.sync_copy(dst_hbm.at[pl.ds(base + _NCH * _CH, _TAIL)], dst_t)
        pltpu.sync_copy(ones_v.at[pl.ds(0, _TAIL)], deg_sh.at[dst_t], add=True)

        plsc.subcore_barrier()

        sr = 48

        @pl.loop(0, _RPT // 48)
        def _(i):
            r = row0 + i * sr
            pltpu.sync_copy(deg_sh.at[pl.ds(r, sr)], stage_v)
            pltpu.sync_copy(stage_v, deg_out.at[cid, pl.ds(r, sr)])

        @pl.when(sid == _NS - 1)
        def _():
            pltpu.sync_copy(deg_sh.at[pl.ds(_NS * _RPT, 16)], z16)
            pltpu.sync_copy(z16, deg_out.at[cid, pl.ds(_NS * _RPT, 16)])

    return sc_deg


_sc_deg = _make_sc_deg()



_RB = 1000
_NB = _N // _RB


def _ln(x, g, b, eps=1e-5):
    m = jnp.mean(x, axis=-1, keepdims=True)
    v = jnp.mean((x - m) ** 2, axis=-1, keepdims=True)
    return (x - m) / jnp.sqrt(v + eps) * g + b


def _enc_pre_body(x_ref, w0, b0, w1, b1, w2, b2, out_ref):
    x = x_ref[...]
    h = jnp.maximum(_dot(x, w0[...]) + b0[...], 0.0)
    h = jnp.maximum(_dot(h, w1[...]) + b1[...], 0.0)
    out_ref[...] = jnp.maximum(_dot(h, w2[...]) + b2[...], 0.0)


def _enc_post_body(x_ref, w3, b3, out_ref):
    out_ref[...] = _dot(x_ref[...], w3[...]) + b3[...]


def _encode(x, p):
    full = lambda s: pl.BlockSpec(s, lambda i: (0,) * len(s))
    pre = pl.pallas_call(
        _enc_pre_body,
        grid=(_NB,),
        in_specs=[
            pl.BlockSpec((_RB, _D), lambda i: (i, 0)),
            full((_D, _MH)), full((1, _MH)),
            full((_MH, _MH)), full((1, _MH)),
            full((_MH, _MH)), full((1, _MH)),
        ],
        out_specs=pl.BlockSpec((_RB, _MH), lambda i: (i, 0)),
        out_shape=jax.ShapeDtypeStruct((_N, _MH), jnp.float32),
    )(x, p['w0'], p['b0'].reshape(1, -1), p['w1'], p['b1'].reshape(1, -1),
      p['w2'], p['b2'].reshape(1, -1))
    ln = _ln(pre, p['ln_g'], p['ln_b'])
    return pl.pallas_call(
        _enc_post_body,
        grid=(_NB,),
        in_specs=[
            pl.BlockSpec((_RB, _MH), lambda i: (i, 0)),
            full((_MH, _H)), full((1, _H)),
        ],
        out_specs=pl.BlockSpec((_RB, _H), lambda i: (i, 0)),
        out_shape=jax.ShapeDtypeStruct((_N, _H), jnp.float32),
    )(ln, p['w3'], p['b3'].reshape(1, -1))


def _combine1_body(msgp_ref, degp_ref, h_ref, wl_ref, wr_ref, bl_ref,
                   out_ref, deg_ref):
    m = msgp_ref[...]
    d = degp_ref[...]
    msg = m[0] + m[1]
    deg = (d[0] + d[1])[:, 0:1]
    deg_ref[...] = deg
    mean = msg / jnp.maximum(deg, 1.0)
    out_ref[...] = jnp.maximum(
        _dot(mean, wl_ref[...]) + bl_ref[...] + _dot(h_ref[...], wr_ref[...]),
        0.0)


def _combine1(msgp, degp, h, p):
    full = lambda s: pl.BlockSpec(s, lambda i: (0,) * len(s))
    return pl.pallas_call(
        _combine1_body,
        grid=(_NB,),
        in_specs=[
            pl.BlockSpec((_NC, _RB, _H), lambda i: (0, i, 0)),
            pl.BlockSpec((_NC, _RB, _H), lambda i: (0, i, 0)),
            pl.BlockSpec((_RB, _H), lambda i: (i, 0)),
            full((_H, _H)), full((_H, _H)), full((1, _H)),
        ],
        out_specs=[pl.BlockSpec((_RB, _H), lambda i: (i, 0)),
                   pl.BlockSpec((_RB, 1), lambda i: (i, 0))],
        out_shape=[jax.ShapeDtypeStruct((_N, _H), jnp.float32),
                   jax.ShapeDtypeStruct((_N, 1), jnp.float32)],
    )(msgp, degp, h, p['wl'], p['wr'], p['bl'].reshape(1, -1))


def _combine_body(msgp_ref, deg_ref, h_ref, wl_ref, wr_ref, bl_ref, out_ref):
    m = msgp_ref[...]
    mean = (m[0] + m[1]) / jnp.maximum(deg_ref[...], 1.0)
    out_ref[...] = jnp.maximum(
        _dot(mean, wl_ref[...]) + bl_ref[...] + _dot(h_ref[...], wr_ref[...]),
        0.0)


def _combine(msgp, deg, h, p):
    full = lambda s: pl.BlockSpec(s, lambda i: (0,) * len(s))
    return pl.pallas_call(
        _combine_body,
        grid=(_NB,),
        in_specs=[
            pl.BlockSpec((_NC, _RB, _H), lambda i: (0, i, 0)),
            pl.BlockSpec((_RB, 1), lambda i: (i, 0)),
            pl.BlockSpec((_RB, _H), lambda i: (i, 0)),
            full((_H, _H)), full((_H, _H)), full((1, _H)),
        ],
        out_specs=pl.BlockSpec((_RB, _H), lambda i: (i, 0)),
        out_shape=jax.ShapeDtypeStruct((_N, _H), jnp.float32),
    )(msgp, deg, h, p['wl'], p['wr'], p['bl'].reshape(1, -1))


def _pool_body(h_ref, batch_ref, out_ref):
    i = pl.program_id(0)

    @pl.when(i == 0)
    def _():
        out_ref[...] = jnp.zeros_like(out_ref)

    b = batch_ref[0, 0, :]
    mask = (b[:, None] == lax.broadcasted_iota(jnp.int32, (1, _G), 1)
            ).astype(jnp.float32)
    out_ref[...] += lax.dot_general(
        mask, h_ref[...], (((0,), (0,)), ((), ())),
        precision=lax.Precision.HIGHEST,
        preferred_element_type=jnp.float32)


def _pool(h, batch3):
    return pl.pallas_call(
        _pool_body,
        grid=(_NB,),
        in_specs=[
            pl.BlockSpec((_RB, _H), lambda i: (i, 0)),
            pl.BlockSpec((1, 1, _RB), lambda i: (i, 0, 0)),
        ],
        out_specs=pl.BlockSpec((_G, _H), lambda i: (0, 0)),
        out_shape=jax.ShapeDtypeStruct((_G, _H), jnp.float32),
    )(h, batch3)


def _dec_mm_body(xa_ref, wa_ref, ba_ref, xb_ref, wb_ref, bb_ref,
                 oa_ref, ob_ref):
    oa_ref[...] = jnp.maximum(_dot(xa_ref[...], wa_ref[...]) + ba_ref[...],
                              0.0)
    ob_ref[...] = jnp.maximum(_dot(xb_ref[...], wb_ref[...]) + bb_ref[...],
                              0.0)


def _dec_mm(xa, pa, xb, pb):
    oa = jax.ShapeDtypeStruct((_G, pa['w'].shape[1]), jnp.float32)
    ob = jax.ShapeDtypeStruct((_G, pb['w'].shape[1]), jnp.float32)
    return pl.pallas_call(_dec_mm_body, out_shape=[oa, ob])(
        xa, pa['w'], pa['b'].reshape(1, -1), xb, pb['w'],
        pb['b'].reshape(1, -1))


def _decode(pooled, dec):
    ha, hb = dec
    xa = _ln(pooled, ha[0]['ln_g'], ha[0]['ln_b'])
    xb = _ln(pooled, hb[0]['ln_g'], hb[0]['ln_b'])
    xa, xb = _dec_mm(xa, ha[0], xb, hb[0])
    xa = _ln(xa, ha[1]['ln_g'], ha[1]['ln_b'])
    xb = _ln(xb, hb[1]['ln_g'], hb[1]['ln_b'])
    xa, xb = _dec_mm(xa, ha[1], xb, hb[1])
    return jnp.concatenate([xa, xb], axis=1)




def kernel(x, params, edge_index, batch):
    src = edge_index[0]
    dst = edge_index[1]
    r = _sc_deg(dst)
    degp = r[0] if isinstance(r, (list, tuple)) else r
    h = _encode(x, params['enc'])
    r = _sc_msg(h, src, dst)
    msgp = r[0] if isinstance(r, (list, tuple)) else r
    h, deg = _combine1(msgp, degp, h, params['convs'][0])
    for cp in params['convs'][1:]:
        r = _sc_msg(h, src, dst)
        msgp = r[0] if isinstance(r, (list, tuple)) else r
        h = _combine(msgp, deg, h, cp)
    pooled = _pool(h, batch.reshape(_NB, 1, _RB))
    return _decode(pooled, params['dec'])

# --- scband reference (transcript-rebuilt; emitter-appended) ---
"""Pipeline reference for scband-sage-39444979647197 (READ-ONLY COPY).

The authoritative reference and input builder live on the scoring server;
editing this copy changes nothing except your own understanding.
"""

import jax, jax.numpy as jnp
import numpy as np

N = 10000
E = 320000
D = 128
H = 128
MH = 64
G = 64

def _ln(x, g, b, eps=1e-5):
    m = jnp.mean(x, axis=-1, keepdims=True)
    v = jnp.mean((x - m) ** 2, axis=-1, keepdims=True)
    return (x - m) / jnp.sqrt(v + eps) * g + b

def _mlp(x, p):
    x = jax.nn.relu(x @ p['w0'] + p['b0'])
    x = jax.nn.relu(x @ p['w1'] + p['b1'])
    x = jax.nn.relu(x @ p['w2'] + p['b2'])
    x = _ln(x, p['ln_g'], p['ln_b'])
    return x @ p['w3'] + p['b3']

def _sage(x, src, dst, p, n):
    msg = jax.ops.segment_sum(x[src], dst, num_segments=n)
    deg = jax.ops.segment_sum(jnp.ones((src.shape[0],), x.dtype), dst, num_segments=n)
    mean = msg / jnp.clip(deg, 1.0)[:, None]
    return mean @ p['wl'] + p['bl'] + x @ p['wr']

def _forward(x, params, edge_index, batch):
    src = edge_index[0]
    dst = edge_index[1]
    h = _mlp(x.astype(jnp.float32), params['enc'])
    for cp in params['convs']:
        h = jax.nn.relu(_sage(h, src, dst, cp, x.shape[0]))
    pooled = jax.ops.segment_sum(h, batch, num_segments=G)
    outs = []
    for head in params['dec']:
        x1 = pooled
        for lp in head:
            x1 = jax.nn.relu(_ln(x1, lp['ln_g'], lp['ln_b']) @ lp['w'] + lp['b'])
        outs.append(x1)
    return jnp.concatenate(outs, axis=1)

def setup_inputs(seed: int = 0):
    key = jax.random.key(seed)
    c = [0]
    def nk():
        c[0] += 1
        return jax.random.fold_in(key, c[0])
    def w(*shape):
        return jax.random.normal(nk(), shape, dtype=jnp.float32) * 0.05
    x = jax.random.normal(nk(), (N, D), dtype=jnp.float32)
    edge_index = jax.random.randint(nk(), (2, E), 0, N, dtype=jnp.int32)
    batch = jnp.sort(jax.random.randint(nk(), (N,), 0, G, dtype=jnp.int32))
    enc = {'w0': w(D, MH), 'b0': jnp.zeros((MH,), jnp.float32),
           'w1': w(MH, MH), 'b1': jnp.zeros((MH,), jnp.float32),
           'w2': w(MH, MH), 'b2': jnp.zeros((MH,), jnp.float32),
           'ln_g': jnp.ones((MH,), jnp.float32), 'ln_b': jnp.zeros((MH,), jnp.float32),
           'w3': w(MH, H), 'b3': jnp.zeros((H,), jnp.float32)}
    convs = [{'wl': w(H, H), 'bl': jnp.zeros((H,), jnp.float32), 'wr': w(H, H)} for _ in range(3)]
    dec = [[{'ln_g': jnp.ones((H,), jnp.float32), 'ln_b': jnp.zeros((H,), jnp.float32), 'w': w(H, H), 'b': jnp.zeros((H,), jnp.float32)},
            {'ln_g': jnp.ones((H,), jnp.float32), 'ln_b': jnp.zeros((H,), jnp.float32), 'w': w(H, 1), 'b': jnp.zeros((1,), jnp.float32)}]
           for _ in range(2)]
    params = {'enc': enc, 'convs': convs, 'dec': dec}
    return {'x': x, 'params': params, 'edge_index': edge_index, 'batch': batch}

def reference(x, params, edge_index, batch):
    return _forward(x, params, edge_index, batch)

if __name__ == "__main__":
    import jax
    _d = setup_inputs()
    print(jax.jit(kernel)(*tuple(_d.values())))

</pallas_src>

<mosaic_0001>
#map = affine_map<(d0, d1) -> (0, 0)>
#map1 = affine_map<(d0, d1) -> (0)>
#map2 = affine_map<(d0, d1) -> (0, 0, 0)>
module attributes {stable_mosaic.version = 14 : i64} {
  func.func @sc_msg(%arg0: i32, %arg1: i32, %arg2: memref<10000x128xf32, #tpu.memory_space<hbm>>, %arg3: memref<320000xi32, #tpu.memory_space<hbm>>, %arg4: memref<320000xi32, #tpu.memory_space<hbm>>, %arg5: memref<2x10000x128xf32, #tpu.memory_space<hbm>>, %arg6: memref<64xi32, #tpu.memory_space<vmem>>, %arg7: memref<64xi32, #tpu.memory_space<vmem>>, %arg8: memref<64x128xf32, #tpu.memory_space<vmem>>, %arg9: memref<64xi32, #tpu.memory_space<vmem>>, %arg10: memref<64xi32, #tpu.memory_space<vmem>>, %arg11: memref<64x128xf32, #tpu.memory_space<vmem>>, %arg12: memref<16xi32, #tpu.memory_space<vmem>>, %arg13: memref<16xi32, #tpu.memory_space<vmem>>, %arg14: memref<16x128xf32, #tpu.memory_space<vmem>>, %arg15: memref<48x128xf32, #tpu.memory_space<vmem>>, %arg16: memref<!tpu.dma_semaphore, #tpu.memory_space<semaphore_mem>>, %arg17: memref<!tpu.dma_semaphore, #tpu.memory_space<semaphore_mem>>, %arg18: memref<10000x128xf32, #tpu.memory_space<vmem_shared>>) attributes {dimension_semantics = [#tpu.dimension_semantics<core_parallel>, #tpu.dimension_semantics<subcore_parallel>], iteration_bounds = array<i64: 2, 16>, scalar_prefetch = 0 : i64, scratch_operands = 13 : i64, tpu.core_type = #tpu.core_type<sc_vector_subcore>, window_params = [{transform_indices = #map}, {transform_indices = #map1}, {transform_indices = #map1}, {transform_indices = #map2}]} {
    %mul3A = arith.constant 16 : i32
    %mul3A_0 = arith.muli %arg0, %mul3A : i32
    %add3A = arith.addi %mul3A_0, %arg1 : i32
    %mul3A_1 = arith.constant 624 : i32
    %mul3A_2 = arith.muli %arg1, %mul3A_1 : i32
    %broadcast_in_dim3A = arith.constant 0.000000e+00 : f32
    %broadcast_in_dim3A_3 = vector.broadcast %broadcast_in_dim3A : f32 to vector<16xf32>
    %scan3A = arith.constant 0 : i32
    %scan3A_4 = arith.constant 16 : i32
    %scan3A_5 = arith.addi %scan3A, %scan3A_4 : i32
    %scan3A_6 = arith.constant 1 : i32
    scf.for %scan3A_44 = %scan3A to %scan3A_5 step %scan3A_6  : i32 {
      %mul3A_45 = arith.constant 1 : i32
      %mul3A_46 = arith.muli %scan3A_44, %mul3A_45 : i32
      %add3A_47 = arith.constant 0 : i32
      %add3A_48 = arith.addi %add3A_47, %mul3A_46 : i32
      %scan3A_49 = arith.constant 0 : i32
      %scan3A_50 = arith.constant 8 : i32
      %scan3A_51 = arith.addi %scan3A_49, %scan3A_50 : i32
      %scan3A_52 = arith.constant 1 : i32
      scf.for %scan3A_54 = %scan3A_49 to %scan3A_51 step %scan3A_52  : i32 {
        %mul3A_55 = arith.constant 1 : i32
        %mul3A_56 = arith.muli %scan3A_54, %mul3A_55 : i32
        %add3A_57 = arith.constant 0 : i32
        %add3A_58 = arith.addi %add3A_57, %mul3A_56 : i32
        %mul3A_59 = arith.constant 16 : i32
        %mul3A_60 = arith.muli %add3A_58, %mul3A_59 : i32
        %swap3A = arith.index_cast %add3A_48 : i32 to index
        %swap3A_61 = arith.index_cast %mul3A_60 : i32 to index
        %swap3A_62 = tpu.vector_load %arg14[%swap3A, %swap3A_61] {strides = array<i32>} : memref<16x128xf32, #tpu.memory_space<vmem>>, vector<1x16xf32>,
        %swap3A_63 = vector.shape_cast %swap3A_62 : vector<1x16xf32> to vector<16xf32>
        %swap3A_64 = vector.shape_cast %broadcast_in_dim3A_3 : vector<16xf32> to vector<1x16xf32>
        tpu.vector_store %arg14[%swap3A, %swap3A_61], %swap3A_64 {strides = array<i32>} : memref<16x128xf32, #tpu.memory_space<vmem>>, vector<1x16xf32>,
      }
      %scan3A_53 = arith.constant 8 : i32
    }
    %scan3A_7 = arith.constant 16 : i32
    %scan3A_8 = arith.constant 0 : i32
    %scan3A_9 = arith.constant 39 : i32
    %scan3A_10 = arith.addi %scan3A_8, %scan3A_9 : i32
    %scan3A_11 = arith.constant 1 : i32
    scf.for %scan3A_44 = %scan3A_8 to %scan3A_10 step %scan3A_11  : i32 {
      %mul3A_45 = arith.constant 1 : i32
      %mul3A_46 = arith.muli %scan3A_44, %mul3A_45 : i32
      %add3A_47 = arith.constant 0 : i32
      %add3A_48 = arith.addi %add3A_47, %mul3A_46 : i32
      %mul3A_49 = arith.constant 16 : i32
      %mul3A_50 = arith.muli %add3A_48, %mul3A_49 : i32
      %add3A_51 = arith.addi %mul3A_2, %mul3A_50 : i32
      "tpu.region"() ({
        %run_scoped3A = tpu.sem_alloc : memref<!tpu.dma_semaphore, #tpu.memory_space<semaphore_mem>>
        %dma_start3A_52 = arith.constant 0 : i32
        %dma_start3A_53 = tpu.memref_slice %arg18[%add3A_51, %dma_start3A_52] : memref<10000x128xf32, #tpu.memory_space<vmem_shared>> -> memref<16x128xf32, #tpu.memory_space<vmem_shared>>
        %dma_start3A_54 = arith.constant 0 : i32
        %dma_start3A_55 = tpu.memref_slice %arg18[%add3A_51, %dma_start3A_54] : memref<10000x128xf32, #tpu.memory_space<vmem_shared>> -> memref<16x128xf32, #tpu.memory_space<vmem_shared>>
        tpu.enqueue_dma source(%arg14 : memref<16x128xf32, #tpu.memory_space<vmem>>) target(%dma_start3A_55 : memref<16x128xf32, #tpu.memory_space<vmem_shared>>) target_semaphore(%run_scoped3A : memref<!tpu.dma_semaphore, #tpu.memory_space<semaphore_mem>>)
        %dma_wait3A_56 = arith.constant 0 : i32
        %dma_wait3A_57 = tpu.memref_slice %arg18[%add3A_51, %dma_wait3A_56] : memref<10000x128xf32, #tpu.memory_space<vmem_shared>> -> memref<16x128xf32, #tpu.memory_space<vmem_shared>>
        %dma_wait3A_58 = arith.constant 0 : i32
        %dma_wait3A_59 = tpu.memref_slice %arg18[%add3A_51, %dma_wait3A_58] : memref<10000x128xf32, #tpu.memory_space<vmem_shared>> -> memref<16x128xf32, #tpu.memory_space<vmem_shared>>
        tpu.wait_dma2 semaphore(%run_scoped3A : memref<!tpu.dma_semaphore, #tpu.memory_space<semaphore_mem>>) src(%arg14 : memref<16x128xf32, #tpu.memory_space<vmem>>) dst(%dma_wait3A_59 : memref<16x128xf32, #tpu.memory_space<vmem_shared>>)
        tpu.yield
      }) : () -> ()
    }
    %scan3A_12 = arith.constant 39 : i32
    %eq3A = arith.constant 15 : i32
    %eq3A_13 = arith.cmpi eq, %arg1, %eq3A : i32
    %convert_element_type3A = arith.extui %eq3A_13 : i1 to i32
    %cond3A = arith.constant 0 : i32
    %cond3A_14 = arith.cmpi ne, %convert_element_type3A, %cond3A : i32
    scf.if %cond3A_14 {
      "tpu.region"() ({
        %run_scoped3A = tpu.sem_alloc : memref<!tpu.dma_semaphore, #tpu.memory_space<semaphore_mem>>
        %dma_start3A_44 = arith.constant 9984 : i32
        %dma_start3A_45 = arith.constant 0 : i32
        %dma_start3A_46 = tpu.memref_slice %arg18[%dma_start3A_44, %dma_start3A_45] : memref<10000x128xf32, #tpu.memory_space<vmem_shared>> -> memref<16x128xf32, #tpu.memory_space<vmem_shared>>
        %dma_start3A_47 = arith.constant 9984 : i32
        %dma_start3A_48 = arith.constant 0 : i32
        %dma_start3A_49 = tpu.memref_slice %arg18[%dma_start3A_47, %dma_start3A_48] : memref<10000x128xf32, #tpu.memory_space<vmem_shared>> -> memref<16x128xf32, #tpu.memory_space<vmem_shared>>
        tpu.enqueue_dma source(%arg14 : memref<16x128xf32, #tpu.memory_space<vmem>>) target(%dma_start3A_49 : memref<16x128xf32, #tpu.memory_space<vmem_shared>>) target_semaphore(%run_scoped3A : memref<!tpu.dma_semaphore, #tpu.memory_space<semaphore_mem>>)
        %dma_wait3A_50 = arith.constant 9984 : i32
        %dma_wait3A_51 = arith.constant 0 : i32
        %dma_wait3A_52 = tpu.memref_slice %arg18[%dma_wait3A_50, %dma_wait3A_51] : memref<10000x128xf32, #tpu.memory_space<vmem_shared>> -> memref<16x128xf32, #tpu.memory_space<vmem_shared>>
        %dma_wait3A_53 = arith.constant 9984 : i32
        %dma_wait3A_54 = arith.constant 0 : i32
        %dma_wait3A_55 = tpu.memref_slice %arg18[%dma_wait3A_53, %dma_wait3A_54] : memref<10000x128xf32, #tpu.memory_space<vmem_shared>> -> memref<16x128xf32, #tpu.memory_space<vmem_shared>>
        tpu.wait_dma2 semaphore(%run_scoped3A : memref<!tpu.dma_semaphore, #tpu.memory_space<semaphore_mem>>) src(%arg14 : memref<16x128xf32, #tpu.memory_space<vmem>>) dst(%dma_wait3A_55 : memref<16x128xf32, #tpu.memory_space<vmem_shared>>)
        tpu.yield
      }) : () -> ()
    } else {
    }
    %barrier3A = arith.constant 0 : index
    tpu.barrier barrier_id(%barrier3A)
    %mul3A_15 = arith.constant 10000 : i32
    %mul3A_16 = arith.muli %add3A, %mul3A_15 : i32
    %add3A_17 = arith.constant 0 : i32
    %add3A_18 = arith.addi %mul3A_16, %add3A_17 : i32
    "tpu.region"() ({
      %run_scoped3A = tpu.sem_alloc : memref<!tpu.dma_semaphore, #tpu.memory_space<semaphore_mem>>
      %dma_start3A_44 = tpu.memref_slice %arg3[%add3A_18] : memref<320000xi32, #tpu.memory_space<hbm>> -> memref<64xi32, #tpu.memory_space<hbm>>
      %dma_start3A_45 = tpu.memref_slice %arg3[%add3A_18] : memref<320000xi32, #tpu.memory_space<hbm>> -> memref<64xi32, #tpu.memory_space<hbm>>
      tpu.enqueue_dma source(%dma_start3A_45 : memref<64xi32, #tpu.memory_space<hbm>>) target(%arg6 : memref<64xi32, #tpu.memory_space<vmem>>) target_semaphore(%run_scoped3A : memref<!tpu.dma_semaphore, #tpu.memory_space<semaphore_mem>>)
      %dma_wait3A_46 = tpu.memref_slice %arg3[%add3A_18] : memref<320000xi32, #tpu.memory_space<hbm>> -> memref<64xi32, #tpu.memory_space<hbm>>
      %dma_wait3A_47 = tpu.memref_slice %arg3[%add3A_18] : memref<320000xi32, #tpu.memory_space<hbm>> -> memref<64xi32, #tpu.memory_space<hbm>>
      tpu.wait_dma2 semaphore(%run_scoped3A : memref<!tpu.dma_semaphore, #tpu.memory_space<semaphore_mem>>) src(%dma_wait3A_47 : memref<64xi32, #tpu.memory_space<hbm>>) dst(%arg6 : memref<64xi32, #tpu.memory_space<vmem>>)
      tpu.yield
    }) : () -> ()
    "tpu.region"() ({
      %run_scoped3A = tpu.sem_alloc : memref<!tpu.dma_semaphore, #tpu.memory_space<semaphore_mem>>
      %dma_start3A_44 = tpu.memref_slice %arg4[%add3A_18] : memref<320000xi32, #tpu.memory_space<hbm>> -> memref<64xi32, #tpu.memory_space<hbm>>
      %dma_start3A_45 = tpu.memref_slice %arg4[%add3A_18] : memref<320000xi32, #tpu.memory_space<hbm>> -> memref<64xi32, #tpu.memory_space<hbm>>
      tpu.enqueue_dma source(%dma_start3A_45 : memref<64xi32, #tpu.memory_space<hbm>>) target(%arg7 : memref<64xi32, #tpu.memory_space<vmem>>) target_semaphore(%run_scoped3A : memref<!tpu.dma_semaphore, #tpu.memory_space<semaphore_mem>>)
      %dma_wait3A_46 = tpu.memref_slice %arg4[%add3A_18] : memref<320000xi32, #tpu.memory_space<hbm>> -> memref<64xi32, #tpu.memory_space<hbm>>
      %dma_wait3A_47 = tpu.memref_slice %arg4[%add3A_18] : memref<320000xi32, #tpu.memory_space<hbm>> -> memref<64xi32, #tpu.memory_space<hbm>>
      tpu.wait_dma2 semaphore(%run_scoped3A : memref<!tpu.dma_semaphore, #tpu.memory_space<semaphore_mem>>) src(%dma_wait3A_47 : memref<64xi32, #tpu.memory_space<hbm>>) dst(%arg7 : memref<64xi32, #tpu.memory_space<vmem>>)
      tpu.yield
    }) : () -> ()
    %dma_start3A = arith.constant 0 : i32
    %dma_start3A_19 = arith.constant 0 : i32
    %dma_start3A_20 = tpu.memref_slice %arg2[%dma_start3A, %dma_start3A_19] : memref<10000x128xf32, #tpu.memory_space<hbm>> -> memref<10000x128xf32, #tpu.memory_space<hbm>>
    tpu.enqueue_indirect_dma source(%dma_start3A_20 : memref<10000x128xf32, #tpu.memory_space<hbm>>) target(%arg8 : memref<64x128xf32, #tpu.memory_space<vmem>>) offsets(%arg6 : memref<64xi32, #tpu.memory_space<vmem>>) semaphore(%arg16 : memref<!tpu.dma_semaphore, #tpu.memory_space<semaphore_mem>>)
    %scan3A_21 = arith.constant 0 : i32
    %scan3A_22 = arith.constant 78 : i32
    %scan3A_23 = arith.addi %scan3A_21, %scan3A_22 : i32
    %scan3A_24 = arith.constant 1 : i32
    scf.for %scan3A_44 = %scan3A_21 to %scan3A_23 step %scan3A_24  : i32 {
      %mul3A_45 = arith.constant 1 : i32
      %mul3A_46 = arith.muli %scan3A_44, %mul3A_45 : i32
      %add3A_47 = arith.constant 0 : i32
      %add3A_48 = arith.addi %add3A_47, %mul3A_46 : i32
      %mul3A_49 = arith.constant 2 : i32
      %mul3A_50 = arith.muli %mul3A_49, %add3A_48 : i32
      %add3A_51 = arith.constant 1 : i32
      %add3A_52 = arith.addi %mul3A_50, %add3A_51 : i32
      %mul3A_53 = arith.constant 64 : i32
      %mul3A_54 = arith.muli %add3A_52, %mul3A_53 : i32
      %add3A_55 = arith.addi %mul3A_16, %mul3A_54 : i32
      "tpu.region"() ({
        %run_scoped3A = tpu.sem_alloc : memref<!tpu.dma_semaphore, #tpu.memory_space<semaphore_mem>>
        %dma_start3A_69 = tpu.memref_slice %arg3[%add3A_55] : memref<320000xi32, #tpu.memory_space<hbm>> -> memref<64xi32, #tpu.memory_space<hbm>>
        %dma_start3A_70 = tpu.memref_slice %arg3[%add3A_55] : memref<320000xi32, #tpu.memory_space<hbm>> -> memref<64xi32, #tpu.memory_space<hbm>>
        tpu.enqueue_dma source(%dma_start3A_70 : memref<64xi32, #tpu.memory_space<hbm>>) target(%arg9 : memref<64xi32, #tpu.memory_space<vmem>>) target_semaphore(%run_scoped3A : memref<!tpu.dma_semaphore, #tpu.memory_space<semaphore_mem>>)
        %dma_wait3A_71 = tpu.memref_slice %arg3[%add3A_55] : memref<320000xi32, #tpu.memory_space<hbm>> -> memref<64xi32, #tpu.memory_space<hbm>>
        %dma_wait3A_72 = tpu.memref_slice %arg3[%add3A_55] : memref<320000xi32, #tpu.memory_space<hbm>> -> memref<64xi32, #tpu.memory_space<hbm>>
        tpu.wait_dma2 semaphore(%run_scoped3A : memref<!tpu.dma_semaphore, #tpu.memory_space<semaphore_mem>>) src(%dma_wait3A_72 : memref<64xi32, #tpu.memory_space<hbm>>) dst(%arg9 : memref<64xi32, #tpu.memory_space<vmem>>)
        tpu.yield
      }) : () -> ()
      "tpu.region"() ({
        %run_scoped3A = tpu.sem_alloc : memref<!tpu.dma_semaphore, #tpu.memory_space<semaphore_mem>>
        %dma_start3A_69 = tpu.memref_slice %arg4[%add3A_55] : memref<320000xi32, #tpu.memory_space<hbm>> -> memref<64xi32, #tpu.memory_space<hbm>>
        %dma_start3A_70 = tpu.memref_slice %arg4[%add3A_55] : memref<320000xi32, #tpu.memory_space<hbm>> -> memref<64xi32, #tpu.memory_space<hbm>>
        tpu.enqueue_dma source(%dma_start3A_70 : memref<64xi32, #tpu.memory_space<hbm>>) target(%arg10 : memref<64xi32, #tpu.memory_space<vmem>>) target_semaphore(%run_scoped3A : memref<!tpu.dma_semaphore, #tpu.memory_space<semaphore_mem>>)
        %dma_wait3A_71 = tpu.memref_slice %arg4[%add3A_55] : memref<320000xi32, #tpu.memory_space<hbm>> -> memref<64xi32, #tpu.memory_space<hbm>>
        %dma_wait3A_72 = tpu.memref_slice %arg4[%add3A_55] : memref<320000xi32, #tpu.memory_space<hbm>> -> memref<64xi32, #tpu.memory_space<hbm>>
        tpu.wait_dma2 semaphore(%run_scoped3A : memref<!tpu.dma_semaphore, #tpu.memory_space<semaphore_mem>>) src(%dma_wait3A_72 : memref<64xi32, #tpu.memory_space<hbm>>) dst(%arg10 : memref<64xi32, #tpu.memory_space<vmem>>)
        tpu.yield
      }) : () -> ()
      %dma_start3A_56 = arith.constant 0 : i32
      %dma_start3A_57 = arith.constant 0 : i32
      %dma_start3A_58 = tpu.memref_slice %arg2[%dma_start3A_56, %dma_start3A_57] : memref<10000x128xf32, #tpu.memory_space<hbm>> -> memref<10000x128xf32, #tpu.memory_space<hbm>>
      tpu.enqueue_indirect_dma source(%dma_start3A_58 : memref<10000x128xf32, #tpu.memory_space<hbm>>) target(%arg11 : memref<64x128xf32, #tpu.memory_space<vmem>>) offsets(%arg9 : memref<64xi32, #tpu.memory_space<vmem>>) semaphore(%arg17 : memref<!tpu.dma_semaphore, #tpu.memory_space<semaphore_mem>>)
      %dma_wait3A_59 = arith.constant 0 : i32
      %dma_wait3A_60 = arith.constant 0 : i32
      %dma_wait3A_61 = tpu.memref_slice %arg2[%dma_wait3A_59, %dma_wait3A_60] : memref<10000x128xf32, #tpu.memory_space<hbm>> -> memref<10000x128xf32, #tpu.memory_space<hbm>>
      tpu.wait_indirect_dma semaphore(%arg16 : memref<!tpu.dma_semaphore, #tpu.memory_space<semaphore_mem>>) src(%dma_wait3A_61 : memref<10000x128xf32, #tpu.memory_space<hbm>>) dst(%arg8 : memref<64x128xf32, #tpu.memory_space<vmem>>)
      "tpu.region"() ({
        %run_scoped3A = tpu.sem_alloc : memref<!tpu.dma_semaphore, #tpu.memory_space<semaphore_mem>>
        %dma_start3A_69 = arith.constant 0 : i32
        %dma_start3A_70 = arith.constant 0 : i32
        %dma_start3A_71 = tpu.memref_slice %arg18[%dma_start3A_69, %dma_start3A_70] : memref<10000x128xf32, #tpu.memory_space<vmem_shared>> -> memref<10000x128xf32, #tpu.memory_space<vmem_shared>>
        tpu.enqueue_indirect_dma source(%arg8 : memref<64x128xf32, #tpu.memory_space<vmem>>) target(%dma_start3A_71 : memref<10000x128xf32, #tpu.memory_space<vmem_shared>>) offsets(%arg7 : memref<64xi32, #tpu.memory_space<vmem>>) semaphore(%run_scoped3A : memref<!tpu.dma_semaphore, #tpu.memory_space<semaphore_mem>>) {add = true}
        %dma_wait3A_72 = arith.constant 0 : i32
        %dma_wait3A_73 = arith.constant 0 : i32
        %dma_wait3A_74 = tpu.memref_slice %arg18[%dma_wait3A_72, %dma_wait3A_73] : memref<10000x128xf32, #tpu.memory_space<vmem_shared>> -> memref<10000x128xf32, #tpu.memory_space<vmem_shared>>
        tpu.wait_indirect_dma semaphore(%run_scoped3A : memref<!tpu.dma_semaphore, #tpu.memory_space<semaphore_mem>>) src(%arg8 : memref<64x128xf32, #tpu.memory_space<vmem>>) dst(%dma_wait3A_74 : memref<10000x128xf32, #tpu.memory_space<vmem_shared>>)
        tpu.yield
      }) : () -> ()
      %lt3A = arith.constant 77 : i32
      %lt3A_62 = arith.cmpi slt, %add3A_48, %lt3A : i32
      %convert_element_type3A_63 = arith.extui %lt3A_62 : i1 to i32
      %cond3A_64 = arith.constant 0 : i32
      %cond3A_65 = arith.cmpi ne, %convert_element_type3A_63, %cond3A_64 : i32
      scf.if %cond3A_65 {
        %add3A_69 = arith.constant 2 : i32
        %add3A_70 = arith.addi %mul3A_50, %add3A_69 : i32
        %mul3A_71 = arith.constant 64 : i32
        %mul3A_72 = arith.muli %add3A_70, %mul3A_71 : i32
        %add3A_73 = arith.addi %mul3A_16, %mul3A_72 : i32
        "tpu.region"() ({
          %run_scoped3A = tpu.sem_alloc : memref<!tpu.dma_semaphore, #tpu.memory_space<semaphore_mem>>
          %dma_start3A_77 = tpu.memref_slice %arg3[%add3A_73] : memref<320000xi32, #tpu.memory_space<hbm>> -> memref<64xi32, #tpu.memory_space<hbm>>
          %dma_start3A_78 = tpu.memref_slice %arg3[%add3A_73] : memref<320000xi32, #tpu.memory_space<hbm>> -> memref<64xi32, #tpu.memory_space<hbm>>
          tpu.enqueue_dma source(%dma_start3A_78 : memref<64xi32, #tpu.memory_space<hbm>>) target(%arg6 : memref<64xi32, #tpu.memory_space<vmem>>) target_semaphore(%run_scoped3A : memref<!tpu.dma_semaphore, #tpu.memory_space<semaphore_mem>>)
          %dma_wait3A_79 = tpu.memref_slice %arg3[%add3A_73] : memref<320000xi32, #tpu.memory_space<hbm>> -> memref<64xi32, #tpu.memory_space<hbm>>
          %dma_wait3A_80 = tpu.memref_slice %arg3[%add3A_73] : memref<320000xi32, #tpu.memory_space<hbm>> -> memref<64xi32, #tpu.memory_space<hbm>>
          tpu.wait_dma2 semaphore(%run_scoped3A : memref<!tpu.dma_semaphore, #tpu.memory_space<semaphore_mem>>) src(%dma_wait3A_80 : memref<64xi32, #tpu.memory_space<hbm>>) dst(%arg6 : memref<64xi32, #tpu.memory_space<vmem>>)
          tpu.yield
        }) : () -> ()
        "tpu.region"() ({
          %run_scoped3A = tpu.sem_alloc : memref<!tpu.dma_semaphore, #tpu.memory_space<semaphore_mem>>
          %dma_start3A_77 = tpu.memref_slice %arg4[%add3A_73] : memref<320000xi32, #tpu.memory_space<hbm>> -> memref<64xi32, #tpu.memory_space<hbm>>
          %dma_start3A_78 = tpu.memref_slice %arg4[%add3A_73] : memref<320000xi32, #tpu.memory_space<hbm>> -> memref<64xi32, #tpu.memory_space<hbm>>
          tpu.enqueue_dma source(%dma_start3A_78 : memref<64xi32, #tpu.memory_space<hbm>>) target(%arg7 : memref<64xi32, #tpu.memory_space<vmem>>) target_semaphore(%run_scoped3A : memref<!tpu.dma_semaphore, #tpu.memory_space<semaphore_mem>>)
          %dma_wait3A_79 = tpu.memref_slice %arg4[%add3A_73] : memref<320000xi32, #tpu.memory_space<hbm>> -> memref<64xi32, #tpu.memory_space<hbm>>
          %dma_wait3A_80 = tpu.memref_slice %arg4[%add3A_73] : memref<320000xi32, #tpu.memory_space<hbm>> -> memref<64xi32, #tpu.memory_space<hbm>>
          tpu.wait_dma2 semaphore(%run_scoped3A : memref<!tpu.dma_semaphore, #tpu.memory_space<semaphore_mem>>) src(%dma_wait3A_80 : memref<64xi32, #tpu.memory_space<hbm>>) dst(%arg7 : memref<64xi32, #tpu.memory_space<vmem>>)
          tpu.yield
        }) : () -> ()
        %dma_start3A_74 = arith.constant 0 : i32
        %dma_start3A_75 = arith.constant 0 : i32
        %dma_start3A_76 = tpu.memref_slice %arg2[%dma_start3A_74, %dma_start3A_75] : memref<10000x128xf32, #tpu.memory_space<hbm>> -> memref<10000x128xf32, #tpu.memory_space<hbm>>
        tpu.enqueue_indirect_dma source(%dma_start3A_76 : memref<10000x128xf32, #tpu.memory_space<hbm>>) target(%arg8 : memref<64x128xf32, #tpu.memory_space<vmem>>) offsets(%arg6 : memref<64xi32, #tpu.memory_space<vmem>>) semaphore(%arg16 : memref<!tpu.dma_semaphore, #tpu.memory_space<semaphore_mem>>)
      } else {
      }
      %dma_wait3A_66 = arith.constant 0 : i32
      %dma_wait3A_67 = arith.constant 0 : i32
      %dma_wait3A_68 = tpu.memref_slice %arg2[%dma_wait3A_66, %dma_wait3A_67] : memref<10000x128xf32, #tpu.memory_space<hbm>> -> memref<10000x128xf32, #tpu.memory_space<hbm>>
      tpu.wait_indirect_dma semaphore(%arg17 : memref<!tpu.dma_semaphore, #tpu.memory_space<semaphore_mem>>) src(%dma_wait3A_68 : memref<10000x128xf32, #tpu.memory_space<hbm>>) dst(%arg11 : memref<64x128xf32, #tpu.memory_space<vmem>>)
      "tpu.region"() ({
        %run_scoped3A = tpu.sem_alloc : memref<!tpu.dma_semaphore, #tpu.memory_space<semaphore_mem>>
        %dma_start3A_69 = arith.constant 0 : i32
        %dma_start3A_70 = arith.constant 0 : i32
        %dma_start3A_71 = tpu.memref_slice %arg18[%dma_start3A_69, %dma_start3A_70] : memref<10000x128xf32, #tpu.memory_space<vmem_shared>> -> memref<10000x128xf32, #tpu.memory_space<vmem_shared>>
        tpu.enqueue_indirect_dma source(%arg11 : memref<64x128xf32, #tpu.memory_space<vmem>>) target(%dma_start3A_71 : memref<10000x128xf32, #tpu.memory_space<vmem_shared>>) offsets(%arg10 : memref<64xi32, #tpu.memory_space<vmem>>) semaphore(%run_scoped3A : memref<!tpu.dma_semaphore, #tpu.memory_space<semaphore_mem>>) {add = true}
        %dma_wait3A_72 = arith.constant 0 : i32
        %dma_wait3A_73 = arith.constant 0 : i32
        %dma_wait3A_74 = tpu.memref_slice %arg18[%dma_wait3A_72, %dma_wait3A_73] : memref<10000x128xf32, #tpu.memory_space<vmem_shared>> -> memref<10000x128xf32, #tpu.memory_space<vmem_shared>>
        tpu.wait_indirect_dma semaphore(%run_scoped3A : memref<!tpu.dma_semaphore, #tpu.memory_space<semaphore_mem>>) src(%arg11 : memref<64x128xf32, #tpu.memory_space<vmem>>) dst(%dma_wait3A_74 : memref<10000x128xf32, #tpu.memory_space<vmem_shared>>)
        tpu.yield
      }) : () -> ()
    }
    %scan3A_25 = arith.constant 78 : i32
    %add3A_26 = arith.constant 9984 : i32
    %add3A_27 = arith.addi %mul3A_16, %add3A_26 : i32
    "tpu.region"() ({
      %run_scoped3A = tpu.sem_alloc : memref<!tpu.dma_semaphore, #tpu.memory_space<semaphore_mem>>
      %dma_start3A_44 = tpu.memref_slice %arg3[%add3A_27] : memref<320000xi32, #tpu.memory_space<hbm>> -> memref<16xi32, #tpu.memory_space<hbm>>
      %dma_start3A_45 = tpu.memref_slice %arg3[%add3A_27] : memref<320000xi32, #tpu.memory_space<hbm>> -> memref<16xi32, #tpu.memory_space<hbm>>
      tpu.enqueue_dma source(%dma_start3A_45 : memref<16xi32, #tpu.memory_space<hbm>>) target(%arg12 : memref<16xi32, #tpu.memory_space<vmem>>) target_semaphore(%run_scoped3A : memref<!tpu.dma_semaphore, #tpu.memory_space<semaphore_mem>>)
      %dma_wait3A_46 = tpu.memref_slice %arg3[%add3A_27] : memref<320000xi32, #tpu.memory_space<hbm>> -> memref<16xi32, #tpu.memory_space<hbm>>
      %dma_wait3A_47 = tpu.memref_slice %arg3[%add3A_27] : memref<320000xi32, #tpu.memory_space<hbm>> -> memref<16xi32, #tpu.memory_space<hbm>>
      tpu.wait_dma2 semaphore(%run_scoped3A : memref<!tpu.dma_semaphore, #tpu.memory_space<semaphore_mem>>) src(%dma_wait3A_47 : memref<16xi32, #tpu.memory_space<hbm>>) dst(%arg12 : memref<16xi32, #tpu.memory_space<vmem>>)
      tpu.yield
    }) : () -> ()
    "tpu.region"() ({
      %run_scoped3A = tpu.sem_alloc : memref<!tpu.dma_semaphore, #tpu.memory_space<semaphore_mem>>
      %dma_start3A_44 = tpu.memref_slice %arg4[%add3A_27] : memref<320000xi32, #tpu.memory_space<hbm>> -> memref<16xi32, #tpu.memory_space<hbm>>
      %dma_start3A_45 = tpu.memref_slice %arg4[%add3A_27] : memref<320000xi32, #tpu.memory_space<hbm>> -> memref<16xi32, #tpu.memory_space<hbm>>
      tpu.enqueue_dma source(%dma_start3A_45 : memref<16xi32, #tpu.memory_space<hbm>>) target(%arg13 : memref<16xi32, #tpu.memory_space<vmem>>) target_semaphore(%run_scoped3A : memref<!tpu.dma_semaphore, #tpu.memory_space<semaphore_mem>>)
      %dma_wait3A_46 = tpu.memref_slice %arg4[%add3A_27] : memref<320000xi32, #tpu.memory_space<hbm>> -> memref<16xi32, #tpu.memory_space<hbm>>
      %dma_wait3A_47 = tpu.memref_slice %arg4[%add3A_27] : memref<320000xi32, #tpu.memory_space<hbm>> -> memref<16xi32, #tpu.memory_space<hbm>>
      tpu.wait_dma2 semaphore(%run_scoped3A : memref<!tpu.dma_semaphore, #tpu.memory_space<semaphore_mem>>) src(%dma_wait3A_47 : memref<16xi32, #tpu.memory_space<hbm>>) dst(%arg13 : memref<16xi32, #tpu.memory_space<vmem>>)
      tpu.yield
    }) : () -> ()
    %dma_start3A_28 = arith.constant 0 : i32
    %dma_start3A_29 = arith.constant 0 : i32
    %dma_start3A_30 = tpu.memref_slice %arg2[%dma_start3A_28, %dma_start3A_29] : memref<10000x128xf32, #tpu.memory_space<hbm>> -> memref<10000x128xf32, #tpu.memory_space<hbm>>
    tpu.enqueue_indirect_dma source(%dma_start3A_30 : memref<10000x128xf32, #tpu.memory_space<hbm>>) target(%arg14 : memref<16x128xf32, #tpu.memory_space<vmem>>) offsets(%arg12 : memref<16xi32, #tpu.memory_space<vmem>>) semaphore(%arg16 : memref<!tpu.dma_semaphore, #tpu.memory_space<semaphore_mem>>)
    %dma_wait3A = arith.constant 0 : i32
    %dma_wait3A_31 = arith.constant 0 : i32
    %dma_wait3A_32 = tpu.memref_slice %arg2[%dma_wait3A, %dma_wait3A_31] : memref<10000x128xf32, #tpu.memory_space<hbm>> -> memref<10000x128xf32, #tpu.memory_space<hbm>>
    tpu.wait_indirect_dma semaphore(%arg16 : memref<!tpu.dma_semaphore, #tpu.memory_space<semaphore_mem>>) src(%dma_wait3A_32 : memref<10000x128xf32, #tpu.memory_space<hbm>>) dst(%arg14 : memref<16x128xf32, #tpu.memory_space<vmem>>)
    "tpu.region"() ({
      %run_scoped3A = tpu.sem_alloc : memref<!tpu.dma_semaphore, #tpu.memory_space<semaphore_mem>>
      %dma_start3A_44 = arith.constant 0 : i32
      %dma_start3A_45 = arith.constant 0 : i32
      %dma_start3A_46 = tpu.memref_slice %arg18[%dma_start3A_44, %dma_start3A_45] : memref<10000x128xf32, #tpu.memory_space<vmem_shared>> -> memref<10000x128xf32, #tpu.memory_space<vmem_shared>>
      tpu.enqueue_indirect_dma source(%arg14 : memref<16x128xf32, #tpu.memory_space<vmem>>) target(%dma_start3A_46 : memref<10000x128xf32, #tpu.memory_space<vmem_shared>>) offsets(%arg13 : memref<16xi32, #tpu.memory_space<vmem>>) semaphore(%run_scoped3A : memref<!tpu.dma_semaphore, #tpu.memory_space<semaphore_mem>>) {add = true}
      %dma_wait3A_47 = arith.constant 0 : i32
      %dma_wait3A_48 = arith.constant 0 : i32
      %dma_wait3A_49 = tpu.memref_slice %arg18[%dma_wait3A_47, %dma_wait3A_48] : memref<10000x128xf32, #tpu.memory_space<vmem_shared>> -> memref<10000x128xf32, #tpu.memory_space<vmem_shared>>
      tpu.wait_indirect_dma semaphore(%run_scoped3A : memref<!tpu.dma_semaphore, #tpu.memory_space<semaphore_mem>>) src(%arg14 : memref<16x128xf32, #tpu.memory_space<vmem>>) dst(%dma_wait3A_49 : memref<10000x128xf32, #tpu.memory_space<vmem_shared>>)
      tpu.yield
    }) : () -> ()
    %barrier3A_33 = arith.constant 0 : index
    tpu.barrier barrier_id(%barrier3A_33)
    %scan3A_34 = arith.constant 0 : i32
    %scan3A_35 = arith.constant 13 : i32
    %scan3A_36 = arith.addi %scan3A_34, %scan3A_35 : i32
    %scan3A_37 = arith.constant 1 : i32
    scf.for %scan3A_44 = %scan3A_34 to %scan3A_36 step %scan3A_37  : i32 {
      %mul3A_45 = arith.constant 1 : i32
      %mul3A_46 = arith.muli %scan3A_44, %mul3A_45 : i32
      %add3A_47 = arith.constant 0 : i32
      %add3A_48 = arith.addi %add3A_47, %mul3A_46 : i32
      %mul3A_49 = arith.constant 48 : i32
      %mul3A_50 = arith.muli %add3A_48, %mul3A_49 : i32
      %add3A_51 = arith.addi %mul3A_2, %mul3A_50 : i32
      "tpu.region"() ({
        %run_scoped3A = tpu.sem_alloc : memref<!tpu.dma_semaphore, #tpu.memory_space<semaphore_mem>>
        %dma_start3A_52 = arith.constant 0 : i32
        %dma_start3A_53 = tpu.memref_slice %arg18[%add3A_51, %dma_start3A_52] : memref<10000x128xf32, #tpu.memory_space<vmem_shared>> -> memref<48x128xf32, #tpu.memory_space<vmem_shared>>
        %dma_start3A_54 = arith.constant 0 : i32
        %dma_start3A_55 = tpu.memref_slice %arg18[%add3A_51, %dma_start3A_54] : memref<10000x128xf32, #tpu.memory_space<vmem_shared>> -> memref<48x128xf32, #tpu.memory_space<vmem_shared>>
        tpu.enqueue_dma source(%dma_start3A_55 : memref<48x128xf32, #tpu.memory_space<vmem_shared>>) target(%arg15 : memref<48x128xf32, #tpu.memory_space<vmem>>) target_semaphore(%run_scoped3A : memref<!tpu.dma_semaphore, #tpu.memory_space<semaphore_mem>>)
        %dma_wait3A_56 = arith.constant 0 : i32
        %dma_wait3A_57 = tpu.memref_slice %arg18[%add3A_51, %dma_wait3A_56] : memref<10000x128xf32, #tpu.memory_space<vmem_shared>> -> memref<48x128xf32, #tpu.memory_space<vmem_shared>>
        %dma_wait3A_58 = arith.constant 0 : i32
        %dma_wait3A_59 = tpu.memref_slice %arg18[%add3A_51, %dma_wait3A_58] : memref<10000x128xf32, #tpu.memory_space<vmem_shared>> -> memref<48x128xf32, #tpu.memory_space<vmem_shared>>
        tpu.wait_dma2 semaphore(%run_scoped3A : memref<!tpu.dma_semaphore, #tpu.memory_space<semaphore_mem>>) src(%dma_wait3A_59 : memref<48x128xf32, #tpu.memory_space<vmem_shared>>) dst(%arg15 : memref<48x128xf32, #tpu.memory_space<vmem>>)
        tpu.yield
      }) : () -> ()
      "tpu.region"() ({
        %run_scoped3A = tpu.sem_alloc : memref<!tpu.dma_semaphore, #tpu.memory_space<semaphore_mem>>
        %dma_start3A_52 = arith.constant 0 : i32
        %dma_start3A_53 = tpu.memref_slice %arg5[%arg0, %add3A_51, %dma_start3A_52] : memref<2x10000x128xf32, #tpu.memory_space<hbm>> -> memref<1x48x128xf32, #tpu.memory_space<hbm>>
        %dma_start3A_54 = tpu.memref_squeeze %dma_start3A_53 : memref<1x48x128xf32, #tpu.memory_space<hbm>> -> memref<48x128xf32, #tpu.memory_space<hbm>>
        %dma_start3A_55 = arith.constant 0 : i32
        %dma_start3A_56 = tpu.memref_slice %arg5[%arg0, %add3A_51, %dma_start3A_55] : memref<2x10000x128xf32, #tpu.memory_space<hbm>> -> memref<1x48x128xf32, #tpu.memory_space<hbm>>
        %dma_start3A_57 = tpu.memref_squeeze %dma_start3A_56 : memref<1x48x128xf32, #tpu.memory_space<hbm>> -> memref<48x128xf32, #tpu.memory_space<hbm>>
        tpu.enqueue_dma source(%arg15 : memref<48x128xf32, #tpu.memory_space<vmem>>) target(%dma_start3A_57 : memref<48x128xf32, #tpu.memory_space<hbm>>) target_semaphore(%run_scoped3A : memref<!tpu.dma_semaphore, #tpu.memory_space<semaphore_mem>>)
        %dma_wait3A_58 = arith.constant 0 : i32
        %dma_wait3A_59 = tpu.memref_slice %arg5[%arg0, %add3A_51, %dma_wait3A_58] : memref<2x10000x128xf32, #tpu.memory_space<hbm>> -> memref<1x48x128xf32, #tpu.memory_space<hbm>>
        %dma_wait3A_60 = tpu.memref_squeeze %dma_wait3A_59 : memref<1x48x128xf32, #tpu.memory_space<hbm>> -> memref<48x128xf32, #tpu.memory_space<hbm>>
        %dma_wait3A_61 = arith.constant 0 : i32
        %dma_wait3A_62 = tpu.memref_slice %arg5[%arg0, %add3A_51, %dma_wait3A_61] : memref<2x10000x128xf32, #tpu.memory_space<hbm>> -> memref<1x48x128xf32, #tpu.memory_space<hbm>>
        %dma_wait3A_63 = tpu.memref_squeeze %dma_wait3A_62 : memref<1x48x128xf32, #tpu.memory_space<hbm>> -> memref<48x128xf32, #tpu.memory_space<hbm>>
        tpu.wait_dma2 semaphore(%run_scoped3A : memref<!tpu.dma_semaphore, #tpu.memory_space<semaphore_mem>>) src(%arg15 : memref<48x128xf32, #tpu.memory_space<vmem>>) dst(%dma_wait3A_63 : memref<48x128xf32, #tpu.memory_space<hbm>>)
        tpu.yield
      }) : () -> ()
    }
    %scan3A_38 = arith.constant 13 : i32
    %eq3A_39 = arith.constant 15 : i32
    %eq3A_40 = arith.cmpi eq, %arg1, %eq3A_39 : i32
    %convert_element_type3A_41 = arith.extui %eq3A_40 : i1 to i32
    %cond3A_42 = arith.constant 0 : i32
    %cond3A_43 = arith.cmpi ne, %convert_element_type3A_41, %cond3A_42 : i32
    scf.if %cond3A_43 {
      "tpu.region"() ({
        %run_scoped3A = tpu.sem_alloc : memref<!tpu.dma_semaphore, #tpu.memory_space<semaphore_mem>>
        %dma_start3A_44 = arith.constant 9984 : i32
        %dma_start3A_45 = arith.constant 0 : i32
        %dma_start3A_46 = tpu.memref_slice %arg18[%dma_start3A_44, %dma_start3A_45] : memref<10000x128xf32, #tpu.memory_space<vmem_shared>> -> memref<16x128xf32, #tpu.memory_space<vmem_shared>>
        %dma_start3A_47 = arith.constant 9984 : i32
        %dma_start3A_48 = arith.constant 0 : i32
        %dma_start3A_49 = tpu.memref_slice %arg18[%dma_start3A_47, %dma_start3A_48] : memref<10000x128xf32, #tpu.memory_space<vmem_shared>> -> memref<16x128xf32, #tpu.memory_space<vmem_shared>>
        tpu.enqueue_dma source(%dma_start3A_49 : memref<16x128xf32, #tpu.memory_space<vmem_shared>>) target(%arg14 : memref<16x128xf32, #tpu.memory_space<vmem>>) target_semaphore(%run_scoped3A : memref<!tpu.dma_semaphore, #tpu.memory_space<semaphore_mem>>)
        %dma_wait3A_50 = arith.constant 9984 : i32
        %dma_wait3A_51 = arith.constant 0 : i32
        %dma_wait3A_52 = tpu.memref_slice %arg18[%dma_wait3A_50, %dma_wait3A_51] : memref<10000x128xf32, #tpu.memory_space<vmem_shared>> -> memref<16x128xf32, #tpu.memory_space<vmem_shared>>
        %dma_wait3A_53 = arith.constant 9984 : i32
        %dma_wait3A_54 = arith.constant 0 : i32
        %dma_wait3A_55 = tpu.memref_slice %arg18[%dma_wait3A_53, %dma_wait3A_54] : memref<10000x128xf32, #tpu.memory_space<vmem_shared>> -> memref<16x128xf32, #tpu.memory_space<vmem_shared>>
        tpu.wait_dma2 semaphore(%run_scoped3A : memref<!tpu.dma_semaphore, #tpu.memory_space<semaphore_mem>>) src(%dma_wait3A_55 : memref<16x128xf32, #tpu.memory_space<vmem_shared>>) dst(%arg14 : memref<16x128xf32, #tpu.memory_space<vmem>>)
        tpu.yield
      }) : () -> ()
      "tpu.region"() ({
        %run_scoped3A = tpu.sem_alloc : memref<!tpu.dma_semaphore, #tpu.memory_space<semaphore_mem>>
        %dma_start3A_44 = arith.constant 9984 : i32
        %dma_start3A_45 = arith.constant 0 : i32
        %dma_start3A_46 = tpu.memref_slice %arg5[%arg0, %dma_start3A_44, %dma_start3A_45] : memref<2x10000x128xf32, #tpu.memory_space<hbm>> -> memref<1x16x128xf32, #tpu.memory_space<hbm>>
        %dma_start3A_47 = tpu.memref_squeeze %dma_start3A_46 : memref<1x16x128xf32, #tpu.memory_space<hbm>> -> memref<16x128xf32, #tpu.memory_space<hbm>>
        %dma_start3A_48 = arith.constant 9984 : i32
        %dma_start3A_49 = arith.constant 0 : i32
        %dma_start3A_50 = tpu.memref_slice %arg5[%arg0, %dma_start3A_48, %dma_start3A_49] : memref<2x10000x128xf32, #tpu.memory_space<hbm>> -> memref<1x16x128xf32, #tpu.memory_space<hbm>>
        %dma_start3A_51 = tpu.memref_squeeze %dma_start3A_50 : memref<1x16x128xf32, #tpu.memory_space<hbm>> -> memref<16x128xf32, #tpu.memory_space<hbm>>
        tpu.enqueue_dma source(%arg14 : memref<16x128xf32, #tpu.memory_space<vmem>>) target(%dma_start3A_51 : memref<16x128xf32, #tpu.memory_space<hbm>>) target_semaphore(%run_scoped3A : memref<!tpu.dma_semaphore, #tpu.memory_space<semaphore_mem>>)
        %dma_wait3A_52 = arith.constant 9984 : i32
        %dma_wait3A_53 = arith.constant 0 : i32
        %dma_wait3A_54 = tpu.memref_slice %arg5[%arg0, %dma_wait3A_52, %dma_wait3A_53] : memref<2x10000x128xf32, #tpu.memory_space<hbm>> -> memref<1x16x128xf32, #tpu.memory_space<hbm>>
        %dma_wait3A_55 = tpu.memref_squeeze %dma_wait3A_54 : memref<1x16x128xf32, #tpu.memory_space<hbm>> -> memref<16x128xf32, #tpu.memory_space<hbm>>
        %dma_wait3A_56 = arith.constant 9984 : i32
        %dma_wait3A_57 = arith.constant 0 : i32
        %dma_wait3A_58 = tpu.memref_slice %arg5[%arg0, %dma_wait3A_56, %dma_wait3A_57] : memref<2x10000x128xf32, #tpu.memory_space<hbm>> -> memref<1x16x128xf32, #tpu.memory_space<hbm>>
        %dma_wait3A_59 = tpu.memref_squeeze %dma_wait3A_58 : memref<1x16x128xf32, #tpu.memory_space<hbm>> -> memref<16x128xf32, #tpu.memory_space<hbm>>
        tpu.wait_dma2 semaphore(%run_scoped3A : memref<!tpu.dma_semaphore, #tpu.memory_space<semaphore_mem>>) src(%arg14 : memref<16x128xf32, #tpu.memory_space<vmem>>) dst(%dma_wait3A_59 : memref<16x128xf32, #tpu.memory_space<hbm>>)
        tpu.yield
      }) : () -> ()
    } else {
    }
    return
  }
}

#map = affine_map<(d0, d1) -> (0)>
#map1 = affine_map<(d0, d1) -> (0, 0, 0)>
module attributes {stable_mosaic.version = 14 : i64} {
  func.func @sc_deg(%arg0: i32, %arg1: i32, %arg2: memref<320000xi32, #tpu.memory_space<hbm>>, %arg3: memref<2x10000x128xf32, #tpu.memory_space<hbm>>, %arg4: memref<64xi32, #tpu.memory_space<vmem>>, %arg5: memref<64xi32, #tpu.memory_space<vmem>>, %arg6: memref<64x128xf32, #tpu.memory_space<vmem>>, %arg7: memref<16xi32, #tpu.memory_space<vmem>>, %arg8: memref<16x128xf32, #tpu.memory_space<vmem>>, %arg9: memref<48x128xf32, #tpu.memory_space<vmem>>, %arg10: memref<!tpu.dma_semaphore, #tpu.memory_space<semaphore_mem>>, %arg11: memref<!tpu.dma_semaphore, #tpu.memory_space<semaphore_mem>>, %arg12: memref<10000x128xf32, #tpu.memory_space<vmem_shared>>) attributes {dimension_semantics = [#tpu.dimension_semantics<core_parallel>, #tpu.dimension_semantics<subcore_parallel>], iteration_bounds = array<i64: 2, 16>, scalar_prefetch = 0 : i64, scratch_operands = 9 : i64, tpu.core_type = #tpu.core_type<sc_vector_subcore>, window_params = [{transform_indices = #map}, {transform_indices = #map1}]} {
    %mul3A = arith.constant 16 : i32
    %mul3A_0 = arith.muli %arg0, %mul3A : i32
    %add3A = arith.addi %mul3A_0, %arg1 : i32
    %mul3A_1 = arith.constant 624 : i32
    %mul3A_2 = arith.muli %arg1, %mul3A_1 : i32
    %broadcast_in_dim3A = arith.constant 0.000000e+00 : f32
    %broadcast_in_dim3A_3 = vector.broadcast %broadcast_in_dim3A : f32 to vector<16xf32>
    %broadcast_in_dim3A_4 = arith.constant 1.000000e+00 : f32
    %broadcast_in_dim3A_5 = vector.broadcast %broadcast_in_dim3A_4 : f32 to vector<16xf32>
    %scan3A = arith.constant 0 : i32
    %scan3A_6 = arith.constant 16 : i32
    %scan3A_7 = arith.addi %scan3A, %scan3A_6 : i32
    %scan3A_8 = arith.constant 1 : i32
    scf.for %scan3A_44 = %scan3A to %scan3A_7 step %scan3A_8  : i32 {
      %mul3A_45 = arith.constant 1 : i32
      %mul3A_46 = arith.muli %scan3A_44, %mul3A_45 : i32
      %add3A_47 = arith.constant 0 : i32
      %add3A_48 = arith.addi %add3A_47, %mul3A_46 : i32
      %scan3A_49 = arith.constant 0 : i32
      %scan3A_50 = arith.constant 8 : i32
      %scan3A_51 = arith.addi %scan3A_49, %scan3A_50 : i32
      %scan3A_52 = arith.constant 1 : i32
      scf.for %scan3A_54 = %scan3A_49 to %scan3A_51 step %scan3A_52  : i32 {
        %mul3A_55 = arith.constant 1 : i32
        %mul3A_56 = arith.muli %scan3A_54, %mul3A_55 : i32
        %add3A_57 = arith.constant 0 : i32
        %add3A_58 = arith.addi %add3A_57, %mul3A_56 : i32
        %mul3A_59 = arith.constant 16 : i32
        %mul3A_60 = arith.muli %add3A_58, %mul3A_59 : i32
        %swap3A = arith.index_cast %add3A_48 : i32 to index
        %swap3A_61 = arith.index_cast %mul3A_60 : i32 to index
        %swap3A_62 = tpu.vector_load %arg8[%swap3A, %swap3A_61] {strides = array<i32>} : memref<16x128xf32, #tpu.memory_space<vmem>>, vector<1x16xf32>,
        %swap3A_63 = vector.shape_cast %swap3A_62 : vector<1x16xf32> to vector<16xf32>
        %swap3A_64 = vector.shape_cast %broadcast_in_dim3A_3 : vector<16xf32> to vector<1x16xf32>
        tpu.vector_store %arg8[%swap3A, %swap3A_61], %swap3A_64 {strides = array<i32>} : memref<16x128xf32, #tpu.memory_space<vmem>>, vector<1x16xf32>,
      }
      %scan3A_53 = arith.constant 8 : i32
    }
    %scan3A_9 = arith.constant 16 : i32
    %scan3A_10 = arith.constant 0 : i32
    %scan3A_11 = arith.constant 64 : i32
    %scan3A_12 = arith.addi %scan3A_10, %scan3A_11 : i32
    %scan3A_13 = arith.constant 1 : i32
    scf.for %scan3A_44 = %scan3A_10 to %scan3A_12 step %scan3A_13  : i32 {
      %mul3A_45 = arith.constant 1 : i32
      %mul3A_46 = arith.muli %scan3A_44, %mul3A_45 : i32
      %add3A_47 = arith.constant 0 : i32
      %add3A_48 = arith.addi %add3A_47, %mul3A_46 : i32
      %scan3A_49 = arith.constant 0 : i32
      %scan3A_50 = arith.constant 8 : i32
      %scan3A_51 = arith.addi %scan3A_49, %scan3A_50 : i32
      %scan3A_52 = arith.constant 1 : i32
      scf.for %scan3A_54 = %scan3A_49 to %scan3A_51 step %scan3A_52  : i32 {
        %mul3A_55 = arith.constant 1 : i32
        %mul3A_56 = arith.muli %scan3A_54, %mul3A_55 : i32
        %add3A_57 = arith.constant 0 : i32
        %add3A_58 = arith.addi %add3A_57, %mul3A_56 : i32
        %mul3A_59 = arith.constant 16 : i32
        %mul3A_60 = arith.muli %add3A_58, %mul3A_59 : i32
        %swap3A = arith.index_cast %add3A_48 : i32 to index
        %swap3A_61 = arith.index_cast %mul3A_60 : i32 to index
        %swap3A_62 = tpu.vector_load %arg6[%swap3A, %swap3A_61] {strides = array<i32>} : memref<64x128xf32, #tpu.memory_space<vmem>>, vector<1x16xf32>,
        %swap3A_63 = vector.shape_cast %swap3A_62 : vector<1x16xf32> to vector<16xf32>
        %swap3A_64 = vector.shape_cast %broadcast_in_dim3A_5 : vector<16xf32> to vector<1x16xf32>
        tpu.vector_store %arg6[%swap3A, %swap3A_61], %swap3A_64 {strides = array<i32>} : memref<64x128xf32, #tpu.memory_space<vmem>>, vector<1x16xf32>,
      }
      %scan3A_53 = arith.constant 8 : i32
    }
    %scan3A_14 = arith.constant 64 : i32
    %scan3A_15 = arith.constant 0 : i32
    %scan3A_16 = arith.constant 39 : i32
    %scan3A_17 = arith.addi %scan3A_15, %scan3A_16 : i32
    %scan3A_18 = arith.constant 1 : i32
    scf.for %scan3A_44 = %scan3A_15 to %scan3A_17 step %scan3A_18  : i32 {
      %mul3A_45 = arith.constant 1 : i32
      %mul3A_46 = arith.muli %scan3A_44, %mul3A_45 : i32
      %add3A_47 = arith.constant 0 : i32
      %add3A_48 = arith.addi %add3A_47, %mul3A_46 : i32
      %mul3A_49 = arith.constant 16 : i32
      %mul3A_50 = arith.muli %add3A_48, %mul3A_49 : i32
      %add3A_51 = arith.addi %mul3A_2, %mul3A_50 : i32
      "tpu.region"() ({
        %run_scoped3A = tpu.sem_alloc : memref<!tpu.dma_semaphore, #tpu.memory_space<semaphore_mem>>
        %dma_start3A_52 = arith.constant 0 : i32
        %dma_start3A_53 = tpu.memref_slice %arg12[%add3A_51, %dma_start3A_52] : memref<10000x128xf32, #tpu.memory_space<vmem_shared>> -> memref<16x128xf32, #tpu.memory_space<vmem_shared>>
        %dma_start3A_54 = arith.constant 0 : i32
        %dma_start3A_55 = tpu.memref_slice %arg12[%add3A_51, %dma_start3A_54] : memref<10000x128xf32, #tpu.memory_space<vmem_shared>> -> memref<16x128xf32, #tpu.memory_space<vmem_shared>>
        tpu.enqueue_dma source(%arg8 : memref<16x128xf32, #tpu.memory_space<vmem>>) target(%dma_start3A_55 : memref<16x128xf32, #tpu.memory_space<vmem_shared>>) target_semaphore(%run_scoped3A : memref<!tpu.dma_semaphore, #tpu.memory_space<semaphore_mem>>)
        %dma_wait3A = arith.constant 0 : i32
        %dma_wait3A_56 = tpu.memref_slice %arg12[%add3A_51, %dma_wait3A] : memref<10000x128xf32, #tpu.memory_space<vmem_shared>> -> memref<16x128xf32, #tpu.memory_space<vmem_shared>>
        %dma_wait3A_57 = arith.constant 0 : i32
        %dma_wait3A_58 = tpu.memref_slice %arg12[%add3A_51, %dma_wait3A_57] : memref<10000x128xf32, #tpu.memory_space<vmem_shared>> -> memref<16x128xf32, #tpu.memory_space<vmem_shared>>
        tpu.wait_dma2 semaphore(%run_scoped3A : memref<!tpu.dma_semaphore, #tpu.memory_space<semaphore_mem>>) src(%arg8 : memref<16x128xf32, #tpu.memory_space<vmem>>) dst(%dma_wait3A_58 : memref<16x128xf32, #tpu.memory_space<vmem_shared>>)
        tpu.yield
      }) : () -> ()
    }
    %scan3A_19 = arith.constant 39 : i32
    %eq3A = arith.constant 15 : i32
    %eq3A_20 = arith.cmpi eq, %arg1, %eq3A : i32
    %convert_element_type3A = arith.extui %eq3A_20 : i1 to i32
    %cond3A = arith.constant 0 : i32
    %cond3A_21 = arith.cmpi ne, %convert_element_type3A, %cond3A : i32
    scf.if %cond3A_21 {
      "tpu.region"() ({
        %run_scoped3A = tpu.sem_alloc : memref<!tpu.dma_semaphore, #tpu.memory_space<semaphore_mem>>
        %dma_start3A_44 = arith.constant 9984 : i32
        %dma_start3A_45 = arith.constant 0 : i32
        %dma_start3A_46 = tpu.memref_slice %arg12[%dma_start3A_44, %dma_start3A_45] : memref<10000x128xf32, #tpu.memory_space<vmem_shared>> -> memref<16x128xf32, #tpu.memory_space<vmem_shared>>
        %dma_start3A_47 = arith.constant 9984 : i32
        %dma_start3A_48 = arith.constant 0 : i32
        %dma_start3A_49 = tpu.memref_slice %arg12[%dma_start3A_47, %dma_start3A_48] : memref<10000x128xf32, #tpu.memory_space<vmem_shared>> -> memref<16x128xf32, #tpu.memory_space<vmem_shared>>
        tpu.enqueue_dma source(%arg8 : memref<16x128xf32, #tpu.memory_space<vmem>>) target(%dma_start3A_49 : memref<16x128xf32, #tpu.memory_space<vmem_shared>>) target_semaphore(%run_scoped3A : memref<!tpu.dma_semaphore, #tpu.memory_space<semaphore_mem>>)
        %dma_wait3A = arith.constant 9984 : i32
        %dma_wait3A_50 = arith.constant 0 : i32
        %dma_wait3A_51 = tpu.memref_slice %arg12[%dma_wait3A, %dma_wait3A_50] : memref<10000x128xf32, #tpu.memory_space<vmem_shared>> -> memref<16x128xf32, #tpu.memory_space<vmem_shared>>
        %dma_wait3A_52 = arith.constant 9984 : i32
        %dma_wait3A_53 = arith.constant 0 : i32
        %dma_wait3A_54 = tpu.memref_slice %arg12[%dma_wait3A_52, %dma_wait3A_53] : memref<10000x128xf32, #tpu.memory_space<vmem_shared>> -> memref<16x128xf32, #tpu.memory_space<vmem_shared>>
        tpu.wait_dma2 semaphore(%run_scoped3A : memref<!tpu.dma_semaphore, #tpu.memory_space<semaphore_mem>>) src(%arg8 : memref<16x128xf32, #tpu.memory_space<vmem>>) dst(%dma_wait3A_54 : memref<16x128xf32, #tpu.memory_space<vmem_shared>>)
        tpu.yield
      }) : () -> ()
    } else {
    }
    %barrier3A = arith.constant 0 : index
    tpu.barrier barrier_id(%barrier3A)
    %mul3A_22 = arith.constant 10000 : i32
    %mul3A_23 = arith.muli %add3A, %mul3A_22 : i32
    "tpu.region"() ({
      %run_scoped3A = tpu.sem_alloc : memref<!tpu.dma_semaphore, #tpu.memory_space<semaphore_mem>>
      %dma_start3A_44 = tpu.memref_slice %arg2[%mul3A_23] : memref<320000xi32, #tpu.memory_space<hbm>> -> memref<64xi32, #tpu.memory_space<hbm>>
      %dma_start3A_45 = tpu.memref_slice %arg2[%mul3A_23] : memref<320000xi32, #tpu.memory_space<hbm>> -> memref<64xi32, #tpu.memory_space<hbm>>
      tpu.enqueue_dma source(%dma_start3A_45 : memref<64xi32, #tpu.memory_space<hbm>>) target(%arg4 : memref<64xi32, #tpu.memory_space<vmem>>) target_semaphore(%run_scoped3A : memref<!tpu.dma_semaphore, #tpu.memory_space<semaphore_mem>>)
      %dma_wait3A = tpu.memref_slice %arg2[%mul3A_23] : memref<320000xi32, #tpu.memory_space<hbm>> -> memref<64xi32, #tpu.memory_space<hbm>>
      %dma_wait3A_46 = tpu.memref_slice %arg2[%mul3A_23] : memref<320000xi32, #tpu.memory_space<hbm>> -> memref<64xi32, #tpu.memory_space<hbm>>
      tpu.wait_dma2 semaphore(%run_scoped3A : memref<!tpu.dma_semaphore, #tpu.memory_space<semaphore_mem>>) src(%dma_wait3A_46 : memref<64xi32, #tpu.memory_space<hbm>>) dst(%arg4 : memref<64xi32, #tpu.memory_space<vmem>>)
      tpu.yield
    }) : () -> ()
    %dma_start3A = arith.constant 0 : i32
    %dma_start3A_24 = arith.constant 0 : i32
    %dma_start3A_25 = tpu.memref_slice %arg12[%dma_start3A, %dma_start3A_24] : memref<10000x128xf32, #tpu.memory_space<vmem_shared>> -> memref<10000x128xf32, #tpu.memory_space<vmem_shared>>
    tpu.enqueue_indirect_dma source(%arg6 : memref<64x128xf32, #tpu.memory_space<vmem>>) target(%dma_start3A_25 : memref<10000x128xf32, #tpu.memory_space<vmem_shared>>) offsets(%arg4 : memref<64xi32, #tpu.memory_space<vmem>>) semaphore(%arg10 : memref<!tpu.dma_semaphore, #tpu.memory_space<semaphore_mem>>) {add = true}
    %scan3A_26 = arith.constant 0 : i32
    %scan3A_27 = arith.constant 78 : i32
    %scan3A_28 = arith.addi %scan3A_26, %scan3A_27 : i32
    %scan3A_29 = arith.constant 1 : i32
    scf.for %scan3A_44 = %scan3A_26 to %scan3A_28 step %scan3A_29  : i32 {
      %mul3A_45 = arith.constant 1 : i32
      %mul3A_46 = arith.muli %scan3A_44, %mul3A_45 : i32
      %add3A_47 = arith.constant 0 : i32
      %add3A_48 = arith.addi %add3A_47, %mul3A_46 : i32
      %mul3A_49 = arith.constant 2 : i32
      %mul3A_50 = arith.muli %mul3A_49, %add3A_48 : i32
      %add3A_51 = arith.constant 1 : i32
      %add3A_52 = arith.addi %mul3A_50, %add3A_51 : i32
      %mul3A_53 = arith.constant 64 : i32
      %mul3A_54 = arith.muli %add3A_52, %mul3A_53 : i32
      %add3A_55 = arith.addi %mul3A_23, %mul3A_54 : i32
      "tpu.region"() ({
        %run_scoped3A = tpu.sem_alloc : memref<!tpu.dma_semaphore, #tpu.memory_space<semaphore_mem>>
        %dma_start3A_68 = tpu.memref_slice %arg2[%add3A_55] : memref<320000xi32, #tpu.memory_space<hbm>> -> memref<64xi32, #tpu.memory_space<hbm>>
        %dma_start3A_69 = tpu.memref_slice %arg2[%add3A_55] : memref<320000xi32, #tpu.memory_space<hbm>> -> memref<64xi32, #tpu.memory_space<hbm>>
        tpu.enqueue_dma source(%dma_start3A_69 : memref<64xi32, #tpu.memory_space<hbm>>) target(%arg5 : memref<64xi32, #tpu.memory_space<vmem>>) target_semaphore(%run_scoped3A : memref<!tpu.dma_semaphore, #tpu.memory_space<semaphore_mem>>)
        %dma_wait3A_70 = tpu.memref_slice %arg2[%add3A_55] : memref<320000xi32, #tpu.memory_space<hbm>> -> memref<64xi32, #tpu.memory_space<hbm>>
        %dma_wait3A_71 = tpu.memref_slice %arg2[%add3A_55] : memref<320000xi32, #tpu.memory_space<hbm>> -> memref<64xi32, #tpu.memory_space<hbm>>
        tpu.wait_dma2 semaphore(%run_scoped3A : memref<!tpu.dma_semaphore, #tpu.memory_space<semaphore_mem>>) src(%dma_wait3A_71 : memref<64xi32, #tpu.memory_space<hbm>>) dst(%arg5 : memref<64xi32, #tpu.memory_space<vmem>>)
        tpu.yield
      }) : () -> ()
      %dma_start3A_56 = arith.constant 0 : i32
      %dma_start3A_57 = arith.constant 0 : i32
      %dma_start3A_58 = tpu.memref_slice %arg12[%dma_start3A_56, %dma_start3A_57] : memref<10000x128xf32, #tpu.memory_space<vmem_shared>> -> memref<10000x128xf32, #tpu.memory_space<vmem_shared>>
      tpu.enqueue_indirect_dma source(%arg6 : memref<64x128xf32, #tpu.memory_space<vmem>>) target(%dma_start3A_58 : memref<10000x128xf32, #tpu.memory_space<vmem_shared>>) offsets(%arg5 : memref<64xi32, #tpu.memory_space<vmem>>) semaphore(%arg11 : memref<!tpu.dma_semaphore, #tpu.memory_space<semaphore_mem>>) {add = true}
      %dma_wait3A = arith.constant 0 : i32
      %dma_wait3A_59 = arith.constant 0 : i32
      %dma_wait3A_60 = tpu.memref_slice %arg12[%dma_wait3A, %dma_wait3A_59] : memref<10000x128xf32, #tpu.memory_space<vmem_shared>> -> memref<10000x128xf32, #tpu.memory_space<vmem_shared>>
      tpu.wait_indirect_dma semaphore(%arg10 : memref<!tpu.dma_semaphore, #tpu.memory_space<semaphore_mem>>) src(%arg6 : memref<64x128xf32, #tpu.memory_space<vmem>>) dst(%dma_wait3A_60 : memref<10000x128xf32, #tpu.memory_space<vmem_shared>>)
      %lt3A = arith.constant 77 : i32
      %lt3A_61 = arith.cmpi slt, %add3A_48, %lt3A : i32
      %convert_element_type3A_62 = arith.extui %lt3A_61 : i1 to i32
      %cond3A_63 = arith.constant 0 : i32
      %cond3A_64 = arith.cmpi ne, %convert_element_type3A_62, %cond3A_63 : i32
      scf.if %cond3A_64 {
        %add3A_68 = arith.constant 2 : i32
        %add3A_69 = arith.addi %mul3A_50, %add3A_68 : i32
        %mul3A_70 = arith.constant 64 : i32
        %mul3A_71 = arith.muli %add3A_69, %mul3A_70 : i32
        %add3A_72 = arith.addi %mul3A_23, %mul3A_71 : i32
        "tpu.region"() ({
          %run_scoped3A = tpu.sem_alloc : memref<!tpu.dma_semaphore, #tpu.memory_space<semaphore_mem>>
          %dma_start3A_76 = tpu.memref_slice %arg2[%add3A_72] : memref<320000xi32, #tpu.memory_space<hbm>> -> memref<64xi32, #tpu.memory_space<hbm>>
          %dma_start3A_77 = tpu.memref_slice %arg2[%add3A_72] : memref<320000xi32, #tpu.memory_space<hbm>> -> memref<64xi32, #tpu.memory_space<hbm>>
          tpu.enqueue_dma source(%dma_start3A_77 : memref<64xi32, #tpu.memory_space<hbm>>) target(%arg4 : memref<64xi32, #tpu.memory_space<vmem>>) target_semaphore(%run_scoped3A : memref<!tpu.dma_semaphore, #tpu.memory_space<semaphore_mem>>)
          %dma_wait3A_78 = tpu.memref_slice %arg2[%add3A_72] : memref<320000xi32, #tpu.memory_space<hbm>> -> memref<64xi32, #tpu.memory_space<hbm>>
          %dma_wait3A_79 = tpu.memref_slice %arg2[%add3A_72] : memref<320000xi32, #tpu.memory_space<hbm>> -> memref<64xi32, #tpu.memory_space<hbm>>
          tpu.wait_dma2 semaphore(%run_scoped3A : memref<!tpu.dma_semaphore, #tpu.memory_space<semaphore_mem>>) src(%dma_wait3A_79 : memref<64xi32, #tpu.memory_space<hbm>>) dst(%arg4 : memref<64xi32, #tpu.memory_space<vmem>>)
          tpu.yield
        }) : () -> ()
        %dma_start3A_73 = arith.constant 0 : i32
        %dma_start3A_74 = arith.constant 0 : i32
        %dma_start3A_75 = tpu.memref_slice %arg12[%dma_start3A_73, %dma_start3A_74] : memref<10000x128xf32, #tpu.memory_space<vmem_shared>> -> memref<10000x128xf32, #tpu.memory_space<vmem_shared>>
        tpu.enqueue_indirect_dma source(%arg6 : memref<64x128xf32, #tpu.memory_space<vmem>>) target(%dma_start3A_75 : memref<10000x128xf32, #tpu.memory_space<vmem_shared>>) offsets(%arg4 : memref<64xi32, #tpu.memory_space<vmem>>) semaphore(%arg10 : memref<!tpu.dma_semaphore, #tpu.memory_space<semaphore_mem>>) {add = true}
      } else {
      }
      %dma_wait3A_65 = arith.constant 0 : i32
      %dma_wait3A_66 = arith.constant 0 : i32
      %dma_wait3A_67 = tpu.memref_slice %arg12[%dma_wait3A_65, %dma_wait3A_66] : memref<10000x128xf32, #tpu.memory_space<vmem_shared>> -> memref<10000x128xf32, #tpu.memory_space<vmem_shared>>
      tpu.wait_indirect_dma semaphore(%arg11 : memref<!tpu.dma_semaphore, #tpu.memory_space<semaphore_mem>>) src(%arg6 : memref<64x128xf32, #tpu.memory_space<vmem>>) dst(%dma_wait3A_67 : memref<10000x128xf32, #tpu.memory_space<vmem_shared>>)
    }
    %scan3A_30 = arith.constant 78 : i32
    %add3A_31 = arith.constant 9984 : i32
    %add3A_32 = arith.addi %mul3A_23, %add3A_31 : i32
    "tpu.region"() ({
      %run_scoped3A = tpu.sem_alloc : memref<!tpu.dma_semaphore, #tpu.memory_space<semaphore_mem>>
      %dma_start3A_44 = tpu.memref_slice %arg2[%add3A_32] : memref<320000xi32, #tpu.memory_space<hbm>> -> memref<16xi32, #tpu.memory_space<hbm>>
      %dma_start3A_45 = tpu.memref_slice %arg2[%add3A_32] : memref<320000xi32, #tpu.memory_space<hbm>> -> memref<16xi32, #tpu.memory_space<hbm>>
      tpu.enqueue_dma source(%dma_start3A_45 : memref<16xi32, #tpu.memory_space<hbm>>) target(%arg7 : memref<16xi32, #tpu.memory_space<vmem>>) target_semaphore(%run_scoped3A : memref<!tpu.dma_semaphore, #tpu.memory_space<semaphore_mem>>)
      %dma_wait3A = tpu.memref_slice %arg2[%add3A_32] : memref<320000xi32, #tpu.memory_space<hbm>> -> memref<16xi32, #tpu.memory_space<hbm>>
      %dma_wait3A_46 = tpu.memref_slice %arg2[%add3A_32] : memref<320000xi32, #tpu.memory_space<hbm>> -> memref<16xi32, #tpu.memory_space<hbm>>
      tpu.wait_dma2 semaphore(%run_scoped3A : memref<!tpu.dma_semaphore, #tpu.memory_space<semaphore_mem>>) src(%dma_wait3A_46 : memref<16xi32, #tpu.memory_space<hbm>>) dst(%arg7 : memref<16xi32, #tpu.memory_space<vmem>>)
      tpu.yield
    }) : () -> ()
    "tpu.region"() ({
      %run_scoped3A = tpu.sem_alloc : memref<!tpu.dma_semaphore, #tpu.memory_space<semaphore_mem>>
      %dma_start3A_44 = arith.constant 0 : i32
      %dma_start3A_45 = arith.constant 0 : i32
      %dma_start3A_46 = tpu.memref_slice %arg6[%dma_start3A_44, %dma_start3A_45] : memref<64x128xf32, #tpu.memory_space<vmem>> -> memref<16x128xf32, #tpu.memory_space<vmem>>
      %dma_start3A_47 = arith.constant 0 : i32
      %dma_start3A_48 = arith.constant 0 : i32
      %dma_start3A_49 = tpu.memref_slice %arg12[%dma_start3A_47, %dma_start3A_48] : memref<10000x128xf32, #tpu.memory_space<vmem_shared>> -> memref<10000x128xf32, #tpu.memory_space<vmem_shared>>
      tpu.enqueue_indirect_dma source(%dma_start3A_46 : memref<16x128xf32, #tpu.memory_space<vmem>>) target(%dma_start3A_49 : memref<10000x128xf32, #tpu.memory_space<vmem_shared>>) offsets(%arg7 : memref<16xi32, #tpu.memory_space<vmem>>) semaphore(%run_scoped3A : memref<!tpu.dma_semaphore, #tpu.memory_space<semaphore_mem>>) {add = true}
      %dma_wait3A = arith.constant 0 : i32
      %dma_wait3A_50 = arith.constant 0 : i32
      %dma_wait3A_51 = tpu.memref_slice %arg6[%dma_wait3A, %dma_wait3A_50] : memref<64x128xf32, #tpu.memory_space<vmem>> -> memref<16x128xf32, #tpu.memory_space<vmem>>
      %dma_wait3A_52 = arith.constant 0 : i32
      %dma_wait3A_53 = arith.constant 0 : i32
      %dma_wait3A_54 = tpu.memref_slice %arg12[%dma_wait3A_52, %dma_wait3A_53] : memref<10000x128xf32, #tpu.memory_space<vmem_shared>> -> memref<10000x128xf32, #tpu.memory_space<vmem_shared>>
      tpu.wait_indirect_dma semaphore(%run_scoped3A : memref<!tpu.dma_semaphore, #tpu.memory_space<semaphore_mem>>) src(%dma_wait3A_51 : memref<16x128xf32, #tpu.memory_space<vmem>>) dst(%dma_wait3A_54 : memref<10000x128xf32, #tpu.memory_space<vmem_shared>>)
      tpu.yield
    }) : () -> ()
    %barrier3A_33 = arith.constant 0 : index
    tpu.barrier barrier_id(%barrier3A_33)
    %scan3A_34 = arith.constant 0 : i32
    %scan3A_35 = arith.constant 13 : i32
    %scan3A_36 = arith.addi %scan3A_34, %scan3A_35 : i32
    %scan3A_37 = arith.constant 1 : i32
    scf.for %scan3A_44 = %scan3A_34 to %scan3A_36 step %scan3A_37  : i32 {
      %mul3A_45 = arith.constant 1 : i32
      %mul3A_46 = arith.muli %scan3A_44, %mul3A_45 : i32
      %add3A_47 = arith.constant 0 : i32
      %add3A_48 = arith.addi %add3A_47, %mul3A_46 : i32
      %mul3A_49 = arith.constant 48 : i32
      %mul3A_50 = arith.muli %add3A_48, %mul3A_49 : i32
      %add3A_51 = arith.addi %mul3A_2, %mul3A_50 : i32
      "tpu.region"() ({
        %run_scoped3A = tpu.sem_alloc : memref<!tpu.dma_semaphore, #tpu.memory_space<semaphore_mem>>
        %dma_start3A_52 = arith.constant 0 : i32
        %dma_start3A_53 = tpu.memref_slice %arg12[%add3A_51, %dma_start3A_52] : memref<10000x128xf32, #tpu.memory_space<vmem_shared>> -> memref<48x128xf32, #tpu.memory_space<vmem_shared>>
        %dma_start3A_54 = arith.constant 0 : i32
        %dma_start3A_55 = tpu.memref_slice %arg12[%add3A_51, %dma_start3A_54] : memref<10000x128xf32, #tpu.memory_space<vmem_shared>> -> memref<48x128xf32, #tpu.memory_space<vmem_shared>>
        tpu.enqueue_dma source(%dma_start3A_55 : memref<48x128xf32, #tpu.memory_space<vmem_shared>>) target(%arg9 : memref<48x128xf32, #tpu.memory_space<vmem>>) target_semaphore(%run_scoped3A : memref<!tpu.dma_semaphore, #tpu.memory_space<semaphore_mem>>)
        %dma_wait3A = arith.constant 0 : i32
        %dma_wait3A_56 = tpu.memref_slice %arg12[%add3A_51, %dma_wait3A] : memref<10000x128xf32, #tpu.memory_space<vmem_shared>> -> memref<48x128xf32, #tpu.memory_space<vmem_shared>>
        %dma_wait3A_57 = arith.constant 0 : i32
        %dma_wait3A_58 = tpu.memref_slice %arg12[%add3A_51, %dma_wait3A_57] : memref<10000x128xf32, #tpu.memory_space<vmem_shared>> -> memref<48x128xf32, #tpu.memory_space<vmem_shared>>
        tpu.wait_dma2 semaphore(%run_scoped3A : memref<!tpu.dma_semaphore, #tpu.memory_space<semaphore_mem>>) src(%dma_wait3A_58 : memref<48x128xf32, #tpu.memory_space<vmem_shared>>) dst(%arg9 : memref<48x128xf32, #tpu.memory_space<vmem>>)
        tpu.yield
      }) : () -> ()
      "tpu.region"() ({
        %run_scoped3A = tpu.sem_alloc : memref<!tpu.dma_semaphore, #tpu.memory_space<semaphore_mem>>
        %dma_start3A_52 = arith.constant 0 : i32
        %dma_start3A_53 = tpu.memref_slice %arg3[%arg0, %add3A_51, %dma_start3A_52] : memref<2x10000x128xf32, #tpu.memory_space<hbm>> -> memref<1x48x128xf32, #tpu.memory_space<hbm>>
        %dma_start3A_54 = tpu.memref_squeeze %dma_start3A_53 : memref<1x48x128xf32, #tpu.memory_space<hbm>> -> memref<48x128xf32, #tpu.memory_space<hbm>>
        %dma_start3A_55 = arith.constant 0 : i32
        %dma_start3A_56 = tpu.memref_slice %arg3[%arg0, %add3A_51, %dma_start3A_55] : memref<2x10000x128xf32, #tpu.memory_space<hbm>> -> memref<1x48x128xf32, #tpu.memory_space<hbm>>
        %dma_start3A_57 = tpu.memref_squeeze %dma_start3A_56 : memref<1x48x128xf32, #tpu.memory_space<hbm>> -> memref<48x128xf32, #tpu.memory_space<hbm>>
        tpu.enqueue_dma source(%arg9 : memref<48x128xf32, #tpu.memory_space<vmem>>) target(%dma_start3A_57 : memref<48x128xf32, #tpu.memory_space<hbm>>) target_semaphore(%run_scoped3A : memref<!tpu.dma_semaphore, #tpu.memory_space<semaphore_mem>>)
        %dma_wait3A = arith.constant 0 : i32
        %dma_wait3A_58 = tpu.memref_slice %arg3[%arg0, %add3A_51, %dma_wait3A] : memref<2x10000x128xf32, #tpu.memory_space<hbm>> -> memref<1x48x128xf32, #tpu.memory_space<hbm>>
        %dma_wait3A_59 = tpu.memref_squeeze %dma_wait3A_58 : memref<1x48x128xf32, #tpu.memory_space<hbm>> -> memref<48x128xf32, #tpu.memory_space<hbm>>
        %dma_wait3A_60 = arith.constant 0 : i32
        %dma_wait3A_61 = tpu.memref_slice %arg3[%arg0, %add3A_51, %dma_wait3A_60] : memref<2x10000x128xf32, #tpu.memory_space<hbm>> -> memref<1x48x128xf32, #tpu.memory_space<hbm>>
        %dma_wait3A_62 = tpu.memref_squeeze %dma_wait3A_61 : memref<1x48x128xf32, #tpu.memory_space<hbm>> -> memref<48x128xf32, #tpu.memory_space<hbm>>
        tpu.wait_dma2 semaphore(%run_scoped3A : memref<!tpu.dma_semaphore, #tpu.memory_space<semaphore_mem>>) src(%arg9 : memref<48x128xf32, #tpu.memory_space<vmem>>) dst(%dma_wait3A_62 : memref<48x128xf32, #tpu.memory_space<hbm>>)
        tpu.yield
      }) : () -> ()
    }
    %scan3A_38 = arith.constant 13 : i32
    %eq3A_39 = arith.constant 15 : i32
    %eq3A_40 = arith.cmpi eq, %arg1, %eq3A_39 : i32
    %convert_element_type3A_41 = arith.extui %eq3A_40 : i1 to i32
    %cond3A_42 = arith.constant 0 : i32
    %cond3A_43 = arith.cmpi ne, %convert_element_type3A_41, %cond3A_42 : i32
    scf.if %cond3A_43 {
      "tpu.region"() ({
        %run_scoped3A = tpu.sem_alloc : memref<!tpu.dma_semaphore, #tpu.memory_space<semaphore_mem>>
        %dma_start3A_44 = arith.constant 9984 : i32
        %dma_start3A_45 = arith.constant 0 : i32
        %dma_start3A_46 = tpu.memref_slice %arg12[%dma_start3A_44, %dma_start3A_45] : memref<10000x128xf32, #tpu.memory_space<vmem_shared>> -> memref<16x128xf32, #tpu.memory_space<vmem_shared>>
        %dma_start3A_47 = arith.constant 9984 : i32
        %dma_start3A_48 = arith.constant 0 : i32
        %dma_start3A_49 = tpu.memref_slice %arg12[%dma_start3A_47, %dma_start3A_48] : memref<10000x128xf32, #tpu.memory_space<vmem_shared>> -> memref<16x128xf32, #tpu.memory_space<vmem_shared>>
        tpu.enqueue_dma source(%dma_start3A_49 : memref<16x128xf32, #tpu.memory_space<vmem_shared>>) target(%arg8 : memref<16x128xf32, #tpu.memory_space<vmem>>) target_semaphore(%run_scoped3A : memref<!tpu.dma_semaphore, #tpu.memory_space<semaphore_mem>>)
        %dma_wait3A = arith.constant 9984 : i32
        %dma_wait3A_50 = arith.constant 0 : i32
        %dma_wait3A_51 = tpu.memref_slice %arg12[%dma_wait3A, %dma_wait3A_50] : memref<10000x128xf32, #tpu.memory_space<vmem_shared>> -> memref<16x128xf32, #tpu.memory_space<vmem_shared>>
        %dma_wait3A_52 = arith.constant 9984 : i32
        %dma_wait3A_53 = arith.constant 0 : i32
        %dma_wait3A_54 = tpu.memref_slice %arg12[%dma_wait3A_52, %dma_wait3A_53] : memref<10000x128xf32, #tpu.memory_space<vmem_shared>> -> memref<16x128xf32, #tpu.memory_space<vmem_shared>>
        tpu.wait_dma2 semaphore(%run_scoped3A : memref<!tpu.dma_semaphore, #tpu.memory_space<semaphore_mem>>) src(%dma_wait3A_54 : memref<16x128xf32, #tpu.memory_space<vmem_shared>>) dst(%arg8 : memref<16x128xf32, #tpu.memory_space<vmem>>)
        tpu.yield
      }) : () -> ()
      "tpu.region"() ({
        %run_scoped3A = tpu.sem_alloc : memref<!tpu.dma_semaphore, #tpu.memory_space<semaphore_mem>>
        %dma_start3A_44 = arith.constant 9984 : i32
        %dma_start3A_45 = arith.constant 0 : i32
        %dma_start3A_46 = tpu.memref_slice %arg3[%arg0, %dma_start3A_44, %dma_start3A_45] : memref<2x10000x128xf32, #tpu.memory_space<hbm>> -> memref<1x16x128xf32, #tpu.memory_space<hbm>>
        %dma_start3A_47 = tpu.memref_squeeze %dma_start3A_46 : memref<1x16x128xf32, #tpu.memory_space<hbm>> -> memref<16x128xf32, #tpu.memory_space<hbm>>
        %dma_start3A_48 = arith.constant 9984 : i32
        %dma_start3A_49 = arith.constant 0 : i32
        %dma_start3A_50 = tpu.memref_slice %arg3[%arg0, %dma_start3A_48, %dma_start3A_49] : memref<2x10000x128xf32, #tpu.memory_space<hbm>> -> memref<1x16x128xf32, #tpu.memory_space<hbm>>
        %dma_start3A_51 = tpu.memref_squeeze %dma_start3A_50 : memref<1x16x128xf32, #tpu.memory_space<hbm>> -> memref<16x128xf32, #tpu.memory_space<hbm>>
        tpu.enqueue_dma source(%arg8 : memref<16x128xf32, #tpu.memory_space<vmem>>) target(%dma_start3A_51 : memref<16x128xf32, #tpu.memory_space<hbm>>) target_semaphore(%run_scoped3A : memref<!tpu.dma_semaphore, #tpu.memory_space<semaphore_mem>>)
        %dma_wait3A = arith.constant 9984 : i32
        %dma_wait3A_52 = arith.constant 0 : i32
        %dma_wait3A_53 = tpu.memref_slice %arg3[%arg0, %dma_wait3A, %dma_wait3A_52] : memref<2x10000x128xf32, #tpu.memory_space<hbm>> -> memref<1x16x128xf32, #tpu.memory_space<hbm>>
        %dma_wait3A_54 = tpu.memref_squeeze %dma_wait3A_53 : memref<1x16x128xf32, #tpu.memory_space<hbm>> -> memref<16x128xf32, #tpu.memory_space<hbm>>
        %dma_wait3A_55 = arith.constant 9984 : i32
        %dma_wait3A_56 = arith.constant 0 : i32
        %dma_wait3A_57 = tpu.memref_slice %arg3[%arg0, %dma_wait3A_55, %dma_wait3A_56] : memref<2x10000x128xf32, #tpu.memory_space<hbm>> -> memref<1x16x128xf32, #tpu.memory_space<hbm>>
        %dma_wait3A_58 = tpu.memref_squeeze %dma_wait3A_57 : memref<1x16x128xf32, #tpu.memory_space<hbm>> -> memref<16x128xf32, #tpu.memory_space<hbm>>
        tpu.wait_dma2 semaphore(%run_scoped3A : memref<!tpu.dma_semaphore, #tpu.memory_space<semaphore_mem>>) src(%arg8 : memref<16x128xf32, #tpu.memory_space<vmem>>) dst(%dma_wait3A_58 : memref<16x128xf32, #tpu.memory_space<hbm>>)
        tpu.yield
      }) : () -> ()
    } else {
    }
    return
  }
}

#map = affine_map<(d0, d1) -> (0, 0)>
#map1 = affine_map<(d0, d1) -> (0)>
#map2 = affine_map<(d0, d1) -> (0, 0, 0)>
module attributes {stable_mosaic.version = 14 : i64} {
  func.func @sc_msg(%arg0: i32, %arg1: i32, %arg2: memref<10000x128xf32, #tpu.memory_space<hbm>>, %arg3: memref<320000xi32, #tpu.memory_space<hbm>>, %arg4: memref<320000xi32, #tpu.memory_space<hbm>>, %arg5: memref<2x10000x128xf32, #tpu.memory_space<hbm>>, %arg6: memref<64xi32, #tpu.memory_space<vmem>>, %arg7: memref<64xi32, #tpu.memory_space<vmem>>, %arg8: memref<64x128xf32, #tpu.memory_space<vmem>>, %arg9: memref<64xi32, #tpu.memory_space<vmem>>, %arg10: memref<64xi32, #tpu.memory_space<vmem>>, %arg11: memref<64x128xf32, #tpu.memory_space<vmem>>, %arg12: memref<16xi32, #tpu.memory_space<vmem>>, %arg13: memref<16xi32, #tpu.memory_space<vmem>>, %arg14: memref<16x128xf32, #tpu.memory_space<vmem>>, %arg15: memref<48x128xf32, #tpu.memory_space<vmem>>, %arg16: memref<!tpu.dma_semaphore, #tpu.memory_space<semaphore_mem>>, %arg17: memref<!tpu.dma_semaphore, #tpu.memory_space<semaphore_mem>>, %arg18: memref<10000x128xf32, #tpu.memory_space<vmem_shared>>) attributes {dimension_semantics = [#tpu.dimension_semantics<core_parallel>, #tpu.dimension_semantics<subcore_parallel>], iteration_bounds = array<i64: 2, 16>, scalar_prefetch = 0 : i64, scratch_operands = 13 : i64, tpu.core_type = #tpu.core_type<sc_vector_subcore>, window_params = [{transform_indices = #map}, {transform_indices = #map1}, {transform_indices = #map1}, {transform_indices = #map2}]} {
    %mul3A = arith.constant 16 : i32
    %mul3A_0 = arith.muli %arg0, %mul3A : i32
    %add3A = arith.addi %mul3A_0, %arg1 : i32
    %mul3A_1 = arith.constant 624 : i32
    %mul3A_2 = arith.muli %arg1, %mul3A_1 : i32
    %broadcast_in_dim3A = arith.constant 0.000000e+00 : f32
    %broadcast_in_dim3A_3 = vector.broadcast %broadcast_in_dim3A : f32 to vector<16xf32>
    %scan3A = arith.constant 0 : i32
    %scan3A_4 = arith.constant 16 : i32
    %scan3A_5 = arith.addi %scan3A, %scan3A_4 : i32
    %scan3A_6 = arith.constant 1 : i32
    scf.for %scan3A_44 = %scan3A to %scan3A_5 step %scan3A_6  : i32 {
      %mul3A_45 = arith.constant 1 : i32
      %mul3A_46 = arith.muli %scan3A_44, %mul3A_45 : i32
      %add3A_47 = arith.constant 0 : i32
      %add3A_48 = arith.addi %add3A_47, %mul3A_46 : i32
      %scan3A_49 = arith.constant 0 : i32
      %scan3A_50 = arith.constant 8 : i32
      %scan3A_51 = arith.addi %scan3A_49, %scan3A_50 : i32
      %scan3A_52 = arith.constant 1 : i32
      scf.for %scan3A_54 = %scan3A_49 to %scan3A_51 step %scan3A_52  : i32 {
        %mul3A_55 = arith.constant 1 : i32
        %mul3A_56 = arith.muli %scan3A_54, %mul3A_55 : i32
        %add3A_57 = arith.constant 0 : i32
        %add3A_58 = arith.addi %add3A_57, %mul3A_56 : i32
        %mul3A_59 = arith.constant 16 : i32
        %mul3A_60 = arith.muli %add3A_58, %mul3A_59 : i32
        %swap3A = arith.index_cast %add3A_48 : i32 to index
        %swap3A_61 = arith.index_cast %mul3A_60 : i32 to index
        %swap3A_62 = tpu.vector_load %arg14[%swap3A, %swap3A_61] {strides = array<i32>} : memref<16x128xf32, #tpu.memory_space<vmem>>, vector<1x16xf32>,
        %swap3A_63 = vector.shape_cast %swap3A_62 : vector<1x16xf32> to vector<16xf32>
        %swap3A_64 = vector.shape_cast %broadcast_in_dim3A_3 : vector<16xf32> to vector<1x16xf32>
        tpu.vector_store %arg14[%swap3A, %swap3A_61], %swap3A_64 {strides = array<i32>} : memref<16x128xf32, #tpu.memory_space<vmem>>, vector<1x16xf32>,
      }
      %scan3A_53 = arith.constant 8 : i32
    }
    %scan3A_7 = arith.constant 16 : i32
    %scan3A_8 = arith.constant 0 : i32
    %scan3A_9 = arith.constant 39 : i32
    %scan3A_10 = arith.addi %scan3A_8, %scan3A_9 : i32
    %scan3A_11 = arith.constant 1 : i32
    scf.for %scan3A_44 = %scan3A_8 to %scan3A_10 step %scan3A_11  : i32 {
      %mul3A_45 = arith.constant 1 : i32
      %mul3A_46 = arith.muli %scan3A_44, %mul3A_45 : i32
      %add3A_47 = arith.constant 0 : i32
      %add3A_48 = arith.addi %add3A_47, %mul3A_46 : i32
      %mul3A_49 = arith.constant 16 : i32
      %mul3A_50 = arith.muli %add3A_48, %mul3A_49 : i32
      %add3A_51 = arith.addi %mul3A_2, %mul3A_50 : i32
      "tpu.region"() ({
        %run_scoped3A = tpu.sem_alloc : memref<!tpu.dma_semaphore, #tpu.memory_space<semaphore_mem>>
        %dma_start3A_52 = arith.constant 0 : i32
        %dma_start3A_53 = tpu.memref_slice %arg18[%add3A_51, %dma_start3A_52] : memref<10000x128xf32, #tpu.memory_space<vmem_shared>> -> memref<16x128xf32, #tpu.memory_space<vmem_shared>>
        %dma_start3A_54 = arith.constant 0 : i32
        %dma_start3A_55 = tpu.memref_slice %arg18[%add3A_51, %dma_start3A_54] : memref<10000x128xf32, #tpu.memory_space<vmem_shared>> -> memref<16x128xf32, #tpu.memory_space<vmem_shared>>
        tpu.enqueue_dma source(%arg14 : memref<16x128xf32, #tpu.memory_space<vmem>>) target(%dma_start3A_55 : memref<16x128xf32, #tpu.memory_space<vmem_shared>>) target_semaphore(%run_scoped3A : memref<!tpu.dma_semaphore, #tpu.memory_space<semaphore_mem>>)
        %dma_wait3A_56 = arith.constant 0 : i32
        %dma_wait3A_57 = tpu.memref_slice %arg18[%add3A_51, %dma_wait3A_56] : memref<10000x128xf32, #tpu.memory_space<vmem_shared>> -> memref<16x128xf32, #tpu.memory_space<vmem_shared>>
        %dma_wait3A_58 = arith.constant 0 : i32
        %dma_wait3A_59 = tpu.memref_slice %arg18[%add3A_51, %dma_wait3A_58] : memref<10000x128xf32, #tpu.memory_space<vmem_shared>> -> memref<16x128xf32, #tpu.memory_space<vmem_shared>>
        tpu.wait_dma2 semaphore(%run_scoped3A : memref<!tpu.dma_semaphore, #tpu.memory_space<semaphore_mem>>) src(%arg14 : memref<16x128xf32, #tpu.memory_space<vmem>>) dst(%dma_wait3A_59 : memref<16x128xf32, #tpu.memory_space<vmem_shared>>)
        tpu.yield
      }) : () -> ()
    }
    %scan3A_12 = arith.constant 39 : i32
    %eq3A = arith.constant 15 : i32
    %eq3A_13 = arith.cmpi eq, %arg1, %eq3A : i32
    %convert_element_type3A = arith.extui %eq3A_13 : i1 to i32
    %cond3A = arith.constant 0 : i32
    %cond3A_14 = arith.cmpi ne, %convert_element_type3A, %cond3A : i32
    scf.if %cond3A_14 {
      "tpu.region"() ({
        %run_scoped3A = tpu.sem_alloc : memref<!tpu.dma_semaphore, #tpu.memory_space<semaphore_mem>>
        %dma_start3A_44 = arith.constant 9984 : i32
        %dma_start3A_45 = arith.constant 0 : i32
        %dma_start3A_46 = tpu.memref_slice %arg18[%dma_start3A_44, %dma_start3A_45] : memref<10000x128xf32, #tpu.memory_space<vmem_shared>> -> memref<16x128xf32, #tpu.memory_space<vmem_shared>>
        %dma_start3A_47 = arith.constant 9984 : i32
        %dma_start3A_48 = arith.constant 0 : i32
        %dma_start3A_49 = tpu.memref_slice %arg18[%dma_start3A_47, %dma_start3A_48] : memref<10000x128xf32, #tpu.memory_space<vmem_shared>> -> memref<16x128xf32, #tpu.memory_space<vmem_shared>>
        tpu.enqueue_dma source(%arg14 : memref<16x128xf32, #tpu.memory_space<vmem>>) target(%dma_start3A_49 : memref<16x128xf32, #tpu.memory_space<vmem_shared>>) target_semaphore(%run_scoped3A : memref<!tpu.dma_semaphore, #tpu.memory_space<semaphore_mem>>)
        %dma_wait3A_50 = arith.constant 9984 : i32
        %dma_wait3A_51 = arith.constant 0 : i32
        %dma_wait3A_52 = tpu.memref_slice %arg18[%dma_wait3A_50, %dma_wait3A_51] : memref<10000x128xf32, #tpu.memory_space<vmem_shared>> -> memref<16x128xf32, #tpu.memory_space<vmem_shared>>
        %dma_wait3A_53 = arith.constant 9984 : i32
        %dma_wait3A_54 = arith.constant 0 : i32
        %dma_wait3A_55 = tpu.memref_slice %arg18[%dma_wait3A_53, %dma_wait3A_54] : memref<10000x128xf32, #tpu.memory_space<vmem_shared>> -> memref<16x128xf32, #tpu.memory_space<vmem_shared>>
        tpu.wait_dma2 semaphore(%run_scoped3A : memref<!tpu.dma_semaphore, #tpu.memory_space<semaphore_mem>>) src(%arg14 : memref<16x128xf32, #tpu.memory_space<vmem>>) dst(%dma_wait3A_55 : memref<16x128xf32, #tpu.memory_space<vmem_shared>>)
        tpu.yield
      }) : () -> ()
    } else {
    }
    %barrier3A = arith.constant 0 : index
    tpu.barrier barrier_id(%barrier3A)
    %mul3A_15 = arith.constant 10000 : i32
    %mul3A_16 = arith.muli %add3A, %mul3A_15 : i32
    %add3A_17 = arith.constant 0 : i32
    %add3A_18 = arith.addi %mul3A_16, %add3A_17 : i32
    "tpu.region"() ({
      %run_scoped3A = tpu.sem_alloc : memref<!tpu.dma_semaphore, #tpu.memory_space<semaphore_mem>>
      %dma_start3A_44 = tpu.memref_slice %arg3[%add3A_18] : memref<320000xi32, #tpu.memory_space<hbm>> -> memref<64xi32, #tpu.memory_space<hbm>>
      %dma_start3A_45 = tpu.memref_slice %arg3[%add3A_18] : memref<320000xi32, #tpu.memory_space<hbm>> -> memref<64xi32, #tpu.memory_space<hbm>>
      tpu.enqueue_dma source(%dma_start3A_45 : memref<64xi32, #tpu.memory_space<hbm>>) target(%arg6 : memref<64xi32, #tpu.memory_space<vmem>>) target_semaphore(%run_scoped3A : memref<!tpu.dma_semaphore, #tpu.memory_space<semaphore_mem>>)
      %dma_wait3A_46 = tpu.memref_slice %arg3[%add3A_18] : memref<320000xi32, #tpu.memory_space<hbm>> -> memref<64xi32, #tpu.memory_space<hbm>>
      %dma_wait3A_47 = tpu.memref_slice %arg3[%add3A_18] : memref<320000xi32, #tpu.memory_space<hbm>> -> memref<64xi32, #tpu.memory_space<hbm>>
      tpu.wait_dma2 semaphore(%run_scoped3A : memref<!tpu.dma_semaphore, #tpu.memory_space<semaphore_mem>>) src(%dma_wait3A_47 : memref<64xi32, #tpu.memory_space<hbm>>) dst(%arg6 : memref<64xi32, #tpu.memory_space<vmem>>)
      tpu.yield
    }) : () -> ()
    "tpu.region"() ({
      %run_scoped3A = tpu.sem_alloc : memref<!tpu.dma_semaphore, #tpu.memory_space<semaphore_mem>>
      %dma_start3A_44 = tpu.memref_slice %arg4[%add3A_18] : memref<320000xi32, #tpu.memory_space<hbm>> -> memref<64xi32, #tpu.memory_space<hbm>>
      %dma_start3A_45 = tpu.memref_slice %arg4[%add3A_18] : memref<320000xi32, #tpu.memory_space<hbm>> -> memref<64xi32, #tpu.memory_space<hbm>>
      tpu.enqueue_dma source(%dma_start3A_45 : memref<64xi32, #tpu.memory_space<hbm>>) target(%arg7 : memref<64xi32, #tpu.memory_space<vmem>>) target_semaphore(%run_scoped3A : memref<!tpu.dma_semaphore, #tpu.memory_space<semaphore_mem>>)
      %dma_wait3A_46 = tpu.memref_slice %arg4[%add3A_18] : memref<320000xi32, #tpu.memory_space<hbm>> -> memref<64xi32, #tpu.memory_space<hbm>>
      %dma_wait3A_47 = tpu.memref_slice %arg4[%add3A_18] : memref<320000xi32, #tpu.memory_space<hbm>> -> memref<64xi32, #tpu.memory_space<hbm>>
      tpu.wait_dma2 semaphore(%run_scoped3A : memref<!tpu.dma_semaphore, #tpu.memory_space<semaphore_mem>>) src(%dma_wait3A_47 : memref<64xi32, #tpu.memory_space<hbm>>) dst(%arg7 : memref<64xi32, #tpu.memory_space<vmem>>)
      tpu.yield
    }) : () -> ()
    %dma_start3A = arith.constant 0 : i32
    %dma_start3A_19 = arith.constant 0 : i32
    %dma_start3A_20 = tpu.memref_slice %arg2[%dma_start3A, %dma_start3A_19] : memref<10000x128xf32, #tpu.memory_space<hbm>> -> memref<10000x128xf32, #tpu.memory_space<hbm>>
    tpu.enqueue_indirect_dma source(%dma_start3A_20 : memref<10000x128xf32, #tpu.memory_space<hbm>>) target(%arg8 : memref<64x128xf32, #tpu.memory_space<vmem>>) offsets(%arg6 : memref<64xi32, #tpu.memory_space<vmem>>) semaphore(%arg16 : memref<!tpu.dma_semaphore, #tpu.memory_space<semaphore_mem>>)
    %scan3A_21 = arith.constant 0 : i32
    %scan3A_22 = arith.constant 78 : i32
    %scan3A_23 = arith.addi %scan3A_21, %scan3A_22 : i32
    %scan3A_24 = arith.constant 1 : i32
    scf.for %scan3A_44 = %scan3A_21 to %scan3A_23 step %scan3A_24  : i32 {
      %mul3A_45 = arith.constant 1 : i32
      %mul3A_46 = arith.muli %scan3A_44, %mul3A_45 : i32
      %add3A_47 = arith.constant 0 : i32
      %add3A_48 = arith.addi %add3A_47, %mul3A_46 : i32
      %mul3A_49 = arith.constant 2 : i32
      %mul3A_50 = arith.muli %mul3A_49, %add3A_48 : i32
      %add3A_51 = arith.constant 1 : i32
      %add3A_52 = arith.addi %mul3A_50, %add3A_51 : i32
      %mul3A_53 = arith.constant 64 : i32
      %mul3A_54 = arith.muli %add3A_52, %mul3A_53 : i32
      %add3A_55 = arith.addi %mul3A_16, %mul3A_54 : i32
      "tpu.region"() ({
        %run_scoped3A = tpu.sem_alloc : memref<!tpu.dma_semaphore, #tpu.memory_space<semaphore_mem>>
        %dma_start3A_69 = tpu.memref_slice %arg3[%add3A_55] : memref<320000xi32, #tpu.memory_space<hbm>> -> memref<64xi32, #tpu.memory_space<hbm>>
        %dma_start3A_70 = tpu.memref_slice %arg3[%add3A_55] : memref<320000xi32, #tpu.memory_space<hbm>> -> memref<64xi32, #tpu.memory_space<hbm>>
        tpu.enqueue_dma source(%dma_start3A_70 : memref<64xi32, #tpu.memory_space<hbm>>) target(%arg9 : memref<64xi32, #tpu.memory_space<vmem>>) target_semaphore(%run_scoped3A : memref<!tpu.dma_semaphore, #tpu.memory_space<semaphore_mem>>)
        %dma_wait3A_71 = tpu.memref_slice %arg3[%add3A_55] : memref<320000xi32, #tpu.memory_space<hbm>> -> memref<64xi32, #tpu.memory_space<hbm>>
        %dma_wait3A_72 = tpu.memref_slice %arg3[%add3A_55] : memref<320000xi32, #tpu.memory_space<hbm>> -> memref<64xi32, #tpu.memory_space<hbm>>
        tpu.wait_dma2 semaphore(%run_scoped3A : memref<!tpu.dma_semaphore, #tpu.memory_space<semaphore_mem>>) src(%dma_wait3A_72 : memref<64xi32, #tpu.memory_space<hbm>>) dst(%arg9 : memref<64xi32, #tpu.memory_space<vmem>>)
        tpu.yield
      }) : () -> ()
      "tpu.region"() ({
        %run_scoped3A = tpu.sem_alloc : memref<!tpu.dma_semaphore, #tpu.memory_space<semaphore_mem>>
        %dma_start3A_69 = tpu.memref_slice %arg4[%add3A_55] : memref<320000xi32, #tpu.memory_space<hbm>> -> memref<64xi32, #tpu.memory_space<hbm>>
        %dma_start3A_70 = tpu.memref_slice %arg4[%add3A_55] : memref<320000xi32, #tpu.memory_space<hbm>> -> memref<64xi32, #tpu.memory_space<hbm>>
        tpu.enqueue_dma source(%dma_start3A_70 : memref<64xi32, #tpu.memory_space<hbm>>) target(%arg10 : memref<64xi32, #tpu.memory_space<vmem>>) target_semaphore(%run_scoped3A : memref<!tpu.dma_semaphore, #tpu.memory_space<semaphore_mem>>)
        %dma_wait3A_71 = tpu.memref_slice %arg4[%add3A_55] : memref<320000xi32, #tpu.memory_space<hbm>> -> memref<64xi32, #tpu.memory_space<hbm>>
        %dma_wait3A_72 = tpu.memref_slice %arg4[%add3A_55] : memref<320000xi32, #tpu.memory_space<hbm>> -> memref<64xi32, #tpu.memory_space<hbm>>
        tpu.wait_dma2 semaphore(%run_scoped3A : memref<!tpu.dma_semaphore, #tpu.memory_space<semaphore_mem>>) src(%dma_wait3A_72 : memref<64xi32, #tpu.memory_space<hbm>>) dst(%arg10 : memref<64xi32, #tpu.memory_space<vmem>>)
        tpu.yield
      }) : () -> ()
      %dma_start3A_56 = arith.constant 0 : i32
      %dma_start3A_57 = arith.constant 0 : i32
      %dma_start3A_58 = tpu.memref_slice %arg2[%dma_start3A_56, %dma_start3A_57] : memref<10000x128xf32, #tpu.memory_space<hbm>> -> memref<10000x128xf32, #tpu.memory_space<hbm>>
      tpu.enqueue_indirect_dma source(%dma_start3A_58 : memref<10000x128xf32, #tpu.memory_space<hbm>>) target(%arg11 : memref<64x128xf32, #tpu.memory_space<vmem>>) offsets(%arg9 : memref<64xi32, #tpu.memory_space<vmem>>) semaphore(%arg17 : memref<!tpu.dma_semaphore, #tpu.memory_space<semaphore_mem>>)
      %dma_wait3A_59 = arith.constant 0 : i32
      %dma_wait3A_60 = arith.constant 0 : i32
      %dma_wait3A_61 = tpu.memref_slice %arg2[%dma_wait3A_59, %dma_wait3A_60] : memref<10000x128xf32, #tpu.memory_space<hbm>> -> memref<10000x128xf32, #tpu.memory_space<hbm>>
      tpu.wait_indirect_dma semaphore(%arg16 : memref<!tpu.dma_semaphore, #tpu.memory_space<semaphore_mem>>) src(%dma_wait3A_61 : memref<10000x128xf32, #tpu.memory_space<hbm>>) dst(%arg8 : memref<64x128xf32, #tpu.memory_space<vmem>>)
      "tpu.region"() ({
        %run_scoped3A = tpu.sem_alloc : memref<!tpu.dma_semaphore, #tpu.memory_space<semaphore_mem>>
        %dma_start3A_69 = arith.constant 0 : i32
        %dma_start3A_70 = arith.constant 0 : i32
        %dma_start3A_71 = tpu.memref_slice %arg18[%dma_start3A_69, %dma_start3A_70] : memref<10000x128xf32, #tpu.memory_space<vmem_shared>> -> memref<10000x128xf32, #tpu.memory_space<vmem_shared>>
        tpu.enqueue_indirect_dma source(%arg8 : memref<64x128xf32, #tpu.memory_space<vmem>>) target(%dma_start3A_71 : memref<10000x128xf32, #tpu.memory_space<vmem_shared>>) offsets(%arg7 : memref<64xi32, #tpu.memory_space<vmem>>) semaphore(%run_scoped3A : memref<!tpu.dma_semaphore, #tpu.memory_space<semaphore_mem>>) {add = true}
        %dma_wait3A_72 = arith.constant 0 : i32
        %dma_wait3A_73 = arith.constant 0 : i32
        %dma_wait3A_74 = tpu.memref_slice %arg18[%dma_wait3A_72, %dma_wait3A_73] : memref<10000x128xf32, #tpu.memory_space<vmem_shared>> -> memref<10000x128xf32, #tpu.memory_space<vmem_shared>>
        tpu.wait_indirect_dma semaphore(%run_scoped3A : memref<!tpu.dma_semaphore, #tpu.memory_space<semaphore_mem>>) src(%arg8 : memref<64x128xf32, #tpu.memory_space<vmem>>) dst(%dma_wait3A_74 : memref<10000x128xf32, #tpu.memory_space<vmem_shared>>)
        tpu.yield
      }) : () -> ()
      %lt3A = arith.constant 77 : i32
      %lt3A_62 = arith.cmpi slt, %add3A_48, %lt3A : i32
      %convert_element_type3A_63 = arith.extui %lt3A_62 : i1 to i32
      %cond3A_64 = arith.constant 0 : i32
      %cond3A_65 = arith.cmpi ne, %convert_element_type3A_63, %cond3A_64 : i32
      scf.if %cond3A_65 {
        %add3A_69 = arith.constant 2 : i32
        %add3A_70 = arith.addi %mul3A_50, %add3A_69 : i32
        %mul3A_71 = arith.constant 64 : i32
        %mul3A_72 = arith.muli %add3A_70, %mul3A_71 : i32
        %add3A_73 = arith.addi %mul3A_16, %mul3A_72 : i32
        "tpu.region"() ({
          %run_scoped3A = tpu.sem_alloc : memref<!tpu.dma_semaphore, #tpu.memory_space<semaphore_mem>>
          %dma_start3A_77 = tpu.memref_slice %arg3[%add3A_73] : memref<320000xi32, #tpu.memory_space<hbm>> -> memref<64xi32, #tpu.memory_space<hbm>>
          %dma_start3A_78 = tpu.memref_slice %arg3[%add3A_73] : memref<320000xi32, #tpu.memory_space<hbm>> -> memref<64xi32, #tpu.memory_space<hbm>>
          tpu.enqueue_dma source(%dma_start3A_78 : memref<64xi32, #tpu.memory_space<hbm>>) target(%arg6 : memref<64xi32, #tpu.memory_space<vmem>>) target_semaphore(%run_scoped3A : memref<!tpu.dma_semaphore, #tpu.memory_space<semaphore_mem>>)
          %dma_wait3A_79 = tpu.memref_slice %arg3[%add3A_73] : memref<320000xi32, #tpu.memory_space<hbm>> -> memref<64xi32, #tpu.memory_space<hbm>>
          %dma_wait3A_80 = tpu.memref_slice %arg3[%add3A_73] : memref<320000xi32, #tpu.memory_space<hbm>> -> memref<64xi32, #tpu.memory_space<hbm>>
          tpu.wait_dma2 semaphore(%run_scoped3A : memref<!tpu.dma_semaphore, #tpu.memory_space<semaphore_mem>>) src(%dma_wait3A_80 : memref<64xi32, #tpu.memory_space<hbm>>) dst(%arg6 : memref<64xi32, #tpu.memory_space<vmem>>)
          tpu.yield
        }) : () -> ()
        "tpu.region"() ({
          %run_scoped3A = tpu.sem_alloc : memref<!tpu.dma_semaphore, #tpu.memory_space<semaphore_mem>>
          %dma_start3A_77 = tpu.memref_slice %arg4[%add3A_73] : memref<320000xi32, #tpu.memory_space<hbm>> -> memref<64xi32, #tpu.memory_space<hbm>>
          %dma_start3A_78 = tpu.memref_slice %arg4[%add3A_73] : memref<320000xi32, #tpu.memory_space<hbm>> -> memref<64xi32, #tpu.memory_space<hbm>>
          tpu.enqueue_dma source(%dma_start3A_78 : memref<64xi32, #tpu.memory_space<hbm>>) target(%arg7 : memref<64xi32, #tpu.memory_space<vmem>>) target_semaphore(%run_scoped3A : memref<!tpu.dma_semaphore, #tpu.memory_space<semaphore_mem>>)
          %dma_wait3A_79 = tpu.memref_slice %arg4[%add3A_73] : memref<320000xi32, #tpu.memory_space<hbm>> -> memref<64xi32, #tpu.memory_space<hbm>>
          %dma_wait3A_80 = tpu.memref_slice %arg4[%add3A_73] : memref<320000xi32, #tpu.memory_space<hbm>> -> memref<64xi32, #tpu.memory_space<hbm>>
          tpu.wait_dma2 semaphore(%run_scoped3A : memref<!tpu.dma_semaphore, #tpu.memory_space<semaphore_mem>>) src(%dma_wait3A_80 : memref<64xi32, #tpu.memory_space<hbm>>) dst(%arg7 : memref<64xi32, #tpu.memory_space<vmem>>)
          tpu.yield
        }) : () -> ()
        %dma_start3A_74 = arith.constant 0 : i32
        %dma_start3A_75 = arith.constant 0 : i32
        %dma_start3A_76 = tpu.memref_slice %arg2[%dma_start3A_74, %dma_start3A_75] : memref<10000x128xf32, #tpu.memory_space<hbm>> -> memref<10000x128xf32, #tpu.memory_space<hbm>>
        tpu.enqueue_indirect_dma source(%dma_start3A_76 : memref<10000x128xf32, #tpu.memory_space<hbm>>) target(%arg8 : memref<64x128xf32, #tpu.memory_space<vmem>>) offsets(%arg6 : memref<64xi32, #tpu.memory_space<vmem>>) semaphore(%arg16 : memref<!tpu.dma_semaphore, #tpu.memory_space<semaphore_mem>>)
      } else {
      }
      %dma_wait3A_66 = arith.constant 0 : i32
      %dma_wait3A_67 = arith.constant 0 : i32
      %dma_wait3A_68 = tpu.memref_slice %arg2[%dma_wait3A_66, %dma_wait3A_67] : memref<10000x128xf32, #tpu.memory_space<hbm>> -> memref<10000x128xf32, #tpu.memory_space<hbm>>
      tpu.wait_indirect_dma semaphore(%arg17 : memref<!tpu.dma_semaphore, #tpu.memory_space<semaphore_mem>>) src(%dma_wait3A_68 : memref<10000x128xf32, #tpu.memory_space<hbm>>) dst(%arg11 : memref<64x128xf32, #tpu.memory_space<vmem>>)
      "tpu.region"() ({
        %run_scoped3A = tpu.sem_alloc : memref<!tpu.dma_semaphore, #tpu.memory_space<semaphore_mem>>
        %dma_start3A_69 = arith.constant 0 : i32
        %dma_start3A_70 = arith.constant 0 : i32
        %dma_start3A_71 = tpu.memref_slice %arg18[%dma_start3A_69, %dma_start3A_70] : memref<10000x128xf32, #tpu.memory_space<vmem_shared>> -> memref<10000x128xf32, #tpu.memory_space<vmem_shared>>
        tpu.enqueue_indirect_dma source(%arg11 : memref<64x128xf32, #tpu.memory_space<vmem>>) target(%dma_start3A_71 : memref<10000x128xf32, #tpu.memory_space<vmem_shared>>) offsets(%arg10 : memref<64xi32, #tpu.memory_space<vmem>>) semaphore(%run_scoped3A : memref<!tpu.dma_semaphore, #tpu.memory_space<semaphore_mem>>) {add = true}
        %dma_wait3A_72 = arith.constant 0 : i32
        %dma_wait3A_73 = arith.constant 0 : i32
        %dma_wait3A_74 = tpu.memref_slice %arg18[%dma_wait3A_72, %dma_wait3A_73] : memref<10000x128xf32, #tpu.memory_space<vmem_shared>> -> memref<10000x128xf32, #tpu.memory_space<vmem_shared>>
        tpu.wait_indirect_dma semaphore(%run_scoped3A : memref<!tpu.dma_semaphore, #tpu.memory_space<semaphore_mem>>) src(%arg11 : memref<64x128xf32, #tpu.memory_space<vmem>>) dst(%dma_wait3A_74 : memref<10000x128xf32, #tpu.memory_space<vmem_shared>>)
        tpu.yield
      }) : () -> ()
    }
    %scan3A_25 = arith.constant 78 : i32
    %add3A_26 = arith.constant 9984 : i32
    %add3A_27 = arith.addi %mul3A_16, %add3A_26 : i32
    "tpu.region"() ({
      %run_scoped3A = tpu.sem_alloc : memref<!tpu.dma_semaphore, #tpu.memory_space<semaphore_mem>>
      %dma_start3A_44 = tpu.memref_slice %arg3[%add3A_27] : memref<320000xi32, #tpu.memory_space<hbm>> -> memref<16xi32, #tpu.memory_space<hbm>>
      %dma_start3A_45 = tpu.memref_slice %arg3[%add3A_27] : memref<320000xi32, #tpu.memory_space<hbm>> -> memref<16xi32, #tpu.memory_space<hbm>>
      tpu.enqueue_dma source(%dma_start3A_45 : memref<16xi32, #tpu.memory_space<hbm>>) target(%arg12 : memref<16xi32, #tpu.memory_space<vmem>>) target_semaphore(%run_scoped3A : memref<!tpu.dma_semaphore, #tpu.memory_space<semaphore_mem>>)
      %dma_wait3A_46 = tpu.memref_slice %arg3[%add3A_27] : memref<320000xi32, #tpu.memory_space<hbm>> -> memref<16xi32, #tpu.memory_space<hbm>>
      %dma_wait3A_47 = tpu.memref_slice %arg3[%add3A_27] : memref<320000xi32, #tpu.memory_space<hbm>> -> memref<16xi32, #tpu.memory_space<hbm>>
      tpu.wait_dma2 semaphore(%run_scoped3A : memref<!tpu.dma_semaphore, #tpu.memory_space<semaphore_mem>>) src(%dma_wait3A_47 : memref<16xi32, #tpu.memory_space<hbm>>) dst(%arg12 : memref<16xi32, #tpu.memory_space<vmem>>)
      tpu.yield
    }) : () -> ()
    "tpu.region"() ({
      %run_scoped3A = tpu.sem_alloc : memref<!tpu.dma_semaphore, #tpu.memory_space<semaphore_mem>>
      %dma_start3A_44 = tpu.memref_slice %arg4[%add3A_27] : memref<320000xi32, #tpu.memory_space<hbm>> -> memref<16xi32, #tpu.memory_space<hbm>>
      %dma_start3A_45 = tpu.memref_slice %arg4[%add3A_27] : memref<320000xi32, #tpu.memory_space<hbm>> -> memref<16xi32, #tpu.memory_space<hbm>>
      tpu.enqueue_dma source(%dma_start3A_45 : memref<16xi32, #tpu.memory_space<hbm>>) target(%arg13 : memref<16xi32, #tpu.memory_space<vmem>>) target_semaphore(%run_scoped3A : memref<!tpu.dma_semaphore, #tpu.memory_space<semaphore_mem>>)
      %dma_wait3A_46 = tpu.memref_slice %arg4[%add3A_27] : memref<320000xi32, #tpu.memory_space<hbm>> -> memref<16xi32, #tpu.memory_space<hbm>>
      %dma_wait3A_47 = tpu.memref_slice %arg4[%add3A_27] : memref<320000xi32, #tpu.memory_space<hbm>> -> memref<16xi32, #tpu.memory_space<hbm>>
      tpu.wait_dma2 semaphore(%run_scoped3A : memref<!tpu.dma_semaphore, #tpu.memory_space<semaphore_mem>>) src(%dma_wait3A_47 : memref<16xi32, #tpu.memory_space<hbm>>) dst(%arg13 : memref<16xi32, #tpu.memory_space<vmem>>)
      tpu.yield
    }) : () -> ()
    %dma_start3A_28 = arith.constant 0 : i32
    %dma_start3A_29 = arith.constant 0 : i32
    %dma_start3A_30 = tpu.memref_slice %arg2[%dma_start3A_28, %dma_start3A_29] : memref<10000x128xf32, #tpu.memory_space<hbm>> -> memref<10000x128xf32, #tpu.memory_space<hbm>>
    tpu.enqueue_indirect_dma source(%dma_start3A_30 : memref<10000x128xf32, #tpu.memory_space<hbm>>) target(%arg14 : memref<16x128xf32, #tpu.memory_space<vmem>>) offsets(%arg12 : memref<16xi32, #tpu.memory_space<vmem>>) semaphore(%arg16 : memref<!tpu.dma_semaphore, #tpu.memory_space<semaphore_mem>>)
    %dma_wait3A = arith.constant 0 : i32
    %dma_wait3A_31 = arith.constant 0 : i32
    %dma_wait3A_32 = tpu.memref_slice %arg2[%dma_wait3A, %dma_wait3A_31] : memref<10000x128xf32, #tpu.memory_space<hbm>> -> memref<10000x128xf32, #tpu.memory_space<hbm>>
    tpu.wait_indirect_dma semaphore(%arg16 : memref<!tpu.dma_semaphore, #tpu.memory_space<semaphore_mem>>) src(%dma_wait3A_32 : memref<10000x128xf32, #tpu.memory_space<hbm>>) dst(%arg14 : memref<16x128xf32, #tpu.memory_space<vmem>>)
    "tpu.region"() ({
      %run_scoped3A = tpu.sem_alloc : memref<!tpu.dma_semaphore, #tpu.memory_space<semaphore_mem>>
      %dma_start3A_44 = arith.constant 0 : i32
      %dma_start3A_45 = arith.constant 0 : i32
      %dma_start3A_46 = tpu.memref_slice %arg18[%dma_start3A_44, %dma_start3A_45] : memref<10000x128xf32, #tpu.memory_space<vmem_shared>> -> memref<10000x128xf32, #tpu.memory_space<vmem_shared>>
      tpu.enqueue_indirect_dma source(%arg14 : memref<16x128xf32, #tpu.memory_space<vmem>>) target(%dma_start3A_46 : memref<10000x128xf32, #tpu.memory_space<vmem_shared>>) offsets(%arg13 : memref<16xi32, #tpu.memory_space<vmem>>) semaphore(%run_scoped3A : memref<!tpu.dma_semaphore, #tpu.memory_space<semaphore_mem>>) {add = true}
      %dma_wait3A_47 = arith.constant 0 : i32
      %dma_wait3A_48 = arith.constant 0 : i32
      %dma_wait3A_49 = tpu.memref_slice %arg18[%dma_wait3A_47, %dma_wait3A_48] : memref<10000x128xf32, #tpu.memory_space<vmem_shared>> -> memref<10000x128xf32, #tpu.memory_space<vmem_shared>>
      tpu.wait_indirect_dma semaphore(%run_scoped3A : memref<!tpu.dma_semaphore, #tpu.memory_space<semaphore_mem>>) src(%arg14 : memref<16x128xf32, #tpu.memory_space<vmem>>) dst(%dma_wait3A_49 : memref<10000x128xf32, #tpu.memory_space<vmem_shared>>)
      tpu.yield
    }) : () -> ()
    %barrier3A_33 = arith.constant 0 : index
    tpu.barrier barrier_id(%barrier3A_33)
    %scan3A_34 = arith.constant 0 : i32
    %scan3A_35 = arith.constant 13 : i32
    %scan3A_36 = arith.addi %scan3A_34, %scan3A_35 : i32
    %scan3A_37 = arith.constant 1 : i32
    scf.for %scan3A_44 = %scan3A_34 to %scan3A_36 step %scan3A_37  : i32 {
      %mul3A_45 = arith.constant 1 : i32
      %mul3A_46 = arith.muli %scan3A_44, %mul3A_45 : i32
      %add3A_47 = arith.constant 0 : i32
      %add3A_48 = arith.addi %add3A_47, %mul3A_46 : i32
      %mul3A_49 = arith.constant 48 : i32
      %mul3A_50 = arith.muli %add3A_48, %mul3A_49 : i32
      %add3A_51 = arith.addi %mul3A_2, %mul3A_50 : i32
      "tpu.region"() ({
        %run_scoped3A = tpu.sem_alloc : memref<!tpu.dma_semaphore, #tpu.memory_space<semaphore_mem>>
        %dma_start3A_52 = arith.constant 0 : i32
        %dma_start3A_53 = tpu.memref_slice %arg18[%add3A_51, %dma_start3A_52] : memref<10000x128xf32, #tpu.memory_space<vmem_shared>> -> memref<48x128xf32, #tpu.memory_space<vmem_shared>>
        %dma_start3A_54 = arith.constant 0 : i32
        %dma_start3A_55 = tpu.memref_slice %arg18[%add3A_51, %dma_start3A_54] : memref<10000x128xf32, #tpu.memory_space<vmem_shared>> -> memref<48x128xf32, #tpu.memory_space<vmem_shared>>
        tpu.enqueue_dma source(%dma_start3A_55 : memref<48x128xf32, #tpu.memory_space<vmem_shared>>) target(%arg15 : memref<48x128xf32, #tpu.memory_space<vmem>>) target_semaphore(%run_scoped3A : memref<!tpu.dma_semaphore, #tpu.memory_space<semaphore_mem>>)
        %dma_wait3A_56 = arith.constant 0 : i32
        %dma_wait3A_57 = tpu.memref_slice %arg18[%add3A_51, %dma_wait3A_56] : memref<10000x128xf32, #tpu.memory_space<vmem_shared>> -> memref<48x128xf32, #tpu.memory_space<vmem_shared>>
        %dma_wait3A_58 = arith.constant 0 : i32
        %dma_wait3A_59 = tpu.memref_slice %arg18[%add3A_51, %dma_wait3A_58] : memref<10000x128xf32, #tpu.memory_space<vmem_shared>> -> memref<48x128xf32, #tpu.memory_space<vmem_shared>>
        tpu.wait_dma2 semaphore(%run_scoped3A : memref<!tpu.dma_semaphore, #tpu.memory_space<semaphore_mem>>) src(%dma_wait3A_59 : memref<48x128xf32, #tpu.memory_space<vmem_shared>>) dst(%arg15 : memref<48x128xf32, #tpu.memory_space<vmem>>)
        tpu.yield
      }) : () -> ()
      "tpu.region"() ({
        %run_scoped3A = tpu.sem_alloc : memref<!tpu.dma_semaphore, #tpu.memory_space<semaphore_mem>>
        %dma_start3A_52 = arith.constant 0 : i32
        %dma_start3A_53 = tpu.memref_slice %arg5[%arg0, %add3A_51, %dma_start3A_52] : memref<2x10000x128xf32, #tpu.memory_space<hbm>> -> memref<1x48x128xf32, #tpu.memory_space<hbm>>
        %dma_start3A_54 = tpu.memref_squeeze %dma_start3A_53 : memref<1x48x128xf32, #tpu.memory_space<hbm>> -> memref<48x128xf32, #tpu.memory_space<hbm>>
        %dma_start3A_55 = arith.constant 0 : i32
        %dma_start3A_56 = tpu.memref_slice %arg5[%arg0, %add3A_51, %dma_start3A_55] : memref<2x10000x128xf32, #tpu.memory_space<hbm>> -> memref<1x48x128xf32, #tpu.memory_space<hbm>>
        %dma_start3A_57 = tpu.memref_squeeze %dma_start3A_56 : memref<1x48x128xf32, #tpu.memory_space<hbm>> -> memref<48x128xf32, #tpu.memory_space<hbm>>
        tpu.enqueue_dma source(%arg15 : memref<48x128xf32, #tpu.memory_space<vmem>>) target(%dma_start3A_57 : memref<48x128xf32, #tpu.memory_space<hbm>>) target_semaphore(%run_scoped3A : memref<!tpu.dma_semaphore, #tpu.memory_space<semaphore_mem>>)
        %dma_wait3A_58 = arith.constant 0 : i32
        %dma_wait3A_59 = tpu.memref_slice %arg5[%arg0, %add3A_51, %dma_wait3A_58] : memref<2x10000x128xf32, #tpu.memory_space<hbm>> -> memref<1x48x128xf32, #tpu.memory_space<hbm>>
        %dma_wait3A_60 = tpu.memref_squeeze %dma_wait3A_59 : memref<1x48x128xf32, #tpu.memory_space<hbm>> -> memref<48x128xf32, #tpu.memory_space<hbm>>
        %dma_wait3A_61 = arith.constant 0 : i32
        %dma_wait3A_62 = tpu.memref_slice %arg5[%arg0, %add3A_51, %dma_wait3A_61] : memref<2x10000x128xf32, #tpu.memory_space<hbm>> -> memref<1x48x128xf32, #tpu.memory_space<hbm>>
        %dma_wait3A_63 = tpu.memref_squeeze %dma_wait3A_62 : memref<1x48x128xf32, #tpu.memory_space<hbm>> -> memref<48x128xf32, #tpu.memory_space<hbm>>
        tpu.wait_dma2 semaphore(%run_scoped3A : memref<!tpu.dma_semaphore, #tpu.memory_space<semaphore_mem>>) src(%arg15 : memref<48x128xf32, #tpu.memory_space<vmem>>) dst(%dma_wait3A_63 : memref<48x128xf32, #tpu.memory_space<hbm>>)
        tpu.yield
      }) : () -> ()
    }
    %scan3A_38 = arith.constant 13 : i32
    %eq3A_39 = arith.constant 15 : i32
    %eq3A_40 = arith.cmpi eq, %arg1, %eq3A_39 : i32
    %convert_element_type3A_41 = arith.extui %eq3A_40 : i1 to i32
    %cond3A_42 = arith.constant 0 : i32
    %cond3A_43 = arith.cmpi ne, %convert_element_type3A_41, %cond3A_42 : i32
    scf.if %cond3A_43 {
      "tpu.region"() ({
        %run_scoped3A = tpu.sem_alloc : memref<!tpu.dma_semaphore, #tpu.memory_space<semaphore_mem>>
        %dma_start3A_44 = arith.constant 9984 : i32
        %dma_start3A_45 = arith.constant 0 : i32
        %dma_start3A_46 = tpu.memref_slice %arg18[%dma_start3A_44, %dma_start3A_45] : memref<10000x128xf32, #tpu.memory_space<vmem_shared>> -> memref<16x128xf32, #tpu.memory_space<vmem_shared>>
        %dma_start3A_47 = arith.constant 9984 : i32
        %dma_start3A_48 = arith.constant 0 : i32
        %dma_start3A_49 = tpu.memref_slice %arg18[%dma_start3A_47, %dma_start3A_48] : memref<10000x128xf32, #tpu.memory_space<vmem_shared>> -> memref<16x128xf32, #tpu.memory_space<vmem_shared>>
        tpu.enqueue_dma source(%dma_start3A_49 : memref<16x128xf32, #tpu.memory_space<vmem_shared>>) target(%arg14 : memref<16x128xf32, #tpu.memory_space<vmem>>) target_semaphore(%run_scoped3A : memref<!tpu.dma_semaphore, #tpu.memory_space<semaphore_mem>>)
        %dma_wait3A_50 = arith.constant 9984 : i32
        %dma_wait3A_51 = arith.constant 0 : i32
        %dma_wait3A_52 = tpu.memref_slice %arg18[%dma_wait3A_50, %dma_wait3A_51] : memref<10000x128xf32, #tpu.memory_space<vmem_shared>> -> memref<16x128xf32, #tpu.memory_space<vmem_shared>>
        %dma_wait3A_53 = arith.constant 9984 : i32
        %dma_wait3A_54 = arith.constant 0 : i32
        %dma_wait3A_55 = tpu.memref_slice %arg18[%dma_wait3A_53, %dma_wait3A_54] : memref<10000x128xf32, #tpu.memory_space<vmem_shared>> -> memref<16x128xf32, #tpu.memory_space<vmem_shared>>
        tpu.wait_dma2 semaphore(%run_scoped3A : memref<!tpu.dma_semaphore, #tpu.memory_space<semaphore_mem>>) src(%dma_wait3A_55 : memref<16x128xf32, #tpu.memory_space<vmem_shared>>) dst(%arg14 : memref<16x128xf32, #tpu.memory_space<vmem>>)
        tpu.yield
      }) : () -> ()
      "tpu.region"() ({
        %run_scoped3A = tpu.sem_alloc : memref<!tpu.dma_semaphore, #tpu.memory_space<semaphore_mem>>
        %dma_start3A_44 = arith.constant 9984 : i32
        %dma_start3A_45 = arith.constant 0 : i32
        %dma_start3A_46 = tpu.memref_slice %arg5[%arg0, %dma_start3A_44, %dma_start3A_45] : memref<2x10000x128xf32, #tpu.memory_space<hbm>> -> memref<1x16x128xf32, #tpu.memory_space<hbm>>
        %dma_start3A_47 = tpu.memref_squeeze %dma_start3A_46 : memref<1x16x128xf32, #tpu.memory_space<hbm>> -> memref<16x128xf32, #tpu.memory_space<hbm>>
        %dma_start3A_48 = arith.constant 9984 : i32
        %dma_start3A_49 = arith.constant 0 : i32
        %dma_start3A_50 = tpu.memref_slice %arg5[%arg0, %dma_start3A_48, %dma_start3A_49] : memref<2x10000x128xf32, #tpu.memory_space<hbm>> -> memref<1x16x128xf32, #tpu.memory_space<hbm>>
        %dma_start3A_51 = tpu.memref_squeeze %dma_start3A_50 : memref<1x16x128xf32, #tpu.memory_space<hbm>> -> memref<16x128xf32, #tpu.memory_space<hbm>>
        tpu.enqueue_dma source(%arg14 : memref<16x128xf32, #tpu.memory_space<vmem>>) target(%dma_start3A_51 : memref<16x128xf32, #tpu.memory_space<hbm>>) target_semaphore(%run_scoped3A : memref<!tpu.dma_semaphore, #tpu.memory_space<semaphore_mem>>)
        %dma_wait3A_52 = arith.constant 9984 : i32
        %dma_wait3A_53 = arith.constant 0 : i32
        %dma_wait3A_54 = tpu.memref_slice %arg5[%arg0, %dma_wait3A_52, %dma_wait3A_53] : memref<2x10000x128xf32, #tpu.memory_space<hbm>> -> memref<1x16x128xf32, #tpu.memory_space<hbm>>
        %dma_wait3A_55 = tpu.memref_squeeze %dma_wait3A_54 : memref<1x16x128xf32, #tpu.memory_space<hbm>> -> memref<16x128xf32, #tpu.memory_space<hbm>>
        %dma_wait3A_56 = arith.constant 9984 : i32
        %dma_wait3A_57 = arith.constant 0 : i32
        %dma_wait3A_58 = tpu.memref_slice %arg5[%arg0, %dma_wait3A_56, %dma_wait3A_57] : memref<2x10000x128xf32, #tpu.memory_space<hbm>> -> memref<1x16x128xf32, #tpu.memory_space<hbm>>
        %dma_wait3A_59 = tpu.memref_squeeze %dma_wait3A_58 : memref<1x16x128xf32, #tpu.memory_space<hbm>> -> memref<16x128xf32, #tpu.memory_space<hbm>>
        tpu.wait_dma2 semaphore(%run_scoped3A : memref<!tpu.dma_semaphore, #tpu.memory_space<semaphore_mem>>) src(%arg14 : memref<16x128xf32, #tpu.memory_space<vmem>>) dst(%dma_wait3A_59 : memref<16x128xf32, #tpu.memory_space<hbm>>)
        tpu.yield
      }) : () -> ()
    } else {
    }
    return
  }
}

#map = affine_map<(d0, d1) -> (0, 0)>
#map1 = affine_map<(d0, d1) -> (0)>
#map2 = affine_map<(d0, d1) -> (0, 0, 0)>
module attributes {stable_mosaic.version = 14 : i64} {
  func.func @sc_msg(%arg0: i32, %arg1: i32, %arg2: memref<10000x128xf32, #tpu.memory_space<hbm>>, %arg3: memref<320000xi32, #tpu.memory_space<hbm>>, %arg4: memref<320000xi32, #tpu.memory_space<hbm>>, %arg5: memref<2x10000x128xf32, #tpu.memory_space<hbm>>, %arg6: memref<64xi32, #tpu.memory_space<vmem>>, %arg7: memref<64xi32, #tpu.memory_space<vmem>>, %arg8: memref<64x128xf32, #tpu.memory_space<vmem>>, %arg9: memref<64xi32, #tpu.memory_space<vmem>>, %arg10: memref<64xi32, #tpu.memory_space<vmem>>, %arg11: memref<64x128xf32, #tpu.memory_space<vmem>>, %arg12: memref<16xi32, #tpu.memory_space<vmem>>, %arg13: memref<16xi32, #tpu.memory_space<vmem>>, %arg14: memref<16x128xf32, #tpu.memory_space<vmem>>, %arg15: memref<48x128xf32, #tpu.memory_space<vmem>>, %arg16: memref<!tpu.dma_semaphore, #tpu.memory_space<semaphore_mem>>, %arg17: memref<!tpu.dma_semaphore, #tpu.memory_space<semaphore_mem>>, %arg18: memref<10000x128xf32, #tpu.memory_space<vmem_shared>>) attributes {dimension_semantics = [#tpu.dimension_semantics<core_parallel>, #tpu.dimension_semantics<subcore_parallel>], iteration_bounds = array<i64: 2, 16>, scalar_prefetch = 0 : i64, scratch_operands = 13 : i64, tpu.core_type = #tpu.core_type<sc_vector_subcore>, window_params = [{transform_indices = #map}, {transform_indices = #map1}, {transform_indices = #map1}, {transform_indices = #map2}]} {
    %mul3A = arith.constant 16 : i32
    %mul3A_0 = arith.muli %arg0, %mul3A : i32
    %add3A = arith.addi %mul3A_0, %arg1 : i32
    %mul3A_1 = arith.constant 624 : i32
    %mul3A_2 = arith.muli %arg1, %mul3A_1 : i32
    %broadcast_in_dim3A = arith.constant 0.000000e+00 : f32
    %broadcast_in_dim3A_3 = vector.broadcast %broadcast_in_dim3A : f32 to vector<16xf32>
    %scan3A = arith.constant 0 : i32
    %scan3A_4 = arith.constant 16 : i32
    %scan3A_5 = arith.addi %scan3A, %scan3A_4 : i32
    %scan3A_6 = arith.constant 1 : i32
    scf.for %scan3A_44 = %scan3A to %scan3A_5 step %scan3A_6  : i32 {
      %mul3A_45 = arith.constant 1 : i32
      %mul3A_46 = arith.muli %scan3A_44, %mul3A_45 : i32
      %add3A_47 = arith.constant 0 : i32
      %add3A_48 = arith.addi %add3A_47, %mul3A_46 : i32
      %scan3A_49 = arith.constant 0 : i32
      %scan3A_50 = arith.constant 8 : i32
      %scan3A_51 = arith.addi %scan3A_49, %scan3A_50 : i32
      %scan3A_52 = arith.constant 1 : i32
      scf.for %scan3A_54 = %scan3A_49 to %scan3A_51 step %scan3A_52  : i32 {
        %mul3A_55 = arith.constant 1 : i32
        %mul3A_56 = arith.muli %scan3A_54, %mul3A_55 : i32
        %add3A_57 = arith.constant 0 : i32
        %add3A_58 = arith.addi %add3A_57, %mul3A_56 : i32
        %mul3A_59 = arith.constant 16 : i32
        %mul3A_60 = arith.muli %add3A_58, %mul3A_59 : i32
        %swap3A = arith.index_cast %add3A_48 : i32 to index
        %swap3A_61 = arith.index_cast %mul3A_60 : i32 to index
        %swap3A_62 = tpu.vector_load %arg14[%swap3A, %swap3A_61] {strides = array<i32>} : memref<16x128xf32, #tpu.memory_space<vmem>>, vector<1x16xf32>,
        %swap3A_63 = vector.shape_cast %swap3A_62 : vector<1x16xf32> to vector<16xf32>
        %swap3A_64 = vector.shape_cast %broadcast_in_dim3A_3 : vector<16xf32> to vector<1x16xf32>
        tpu.vector_store %arg14[%swap3A, %swap3A_61], %swap3A_64 {strides = array<i32>} : memref<16x128xf32, #tpu.memory_space<vmem>>, vector<1x16xf32>,
      }
      %scan3A_53 = arith.constant 8 : i32
    }
    %scan3A_7 = arith.constant 16 : i32
    %scan3A_8 = arith.constant 0 : i32
    %scan3A_9 = arith.constant 39 : i32
    %scan3A_10 = arith.addi %scan3A_8, %scan3A_9 : i32
    %scan3A_11 = arith.constant 1 : i32
    scf.for %scan3A_44 = %scan3A_8 to %scan3A_10 step %scan3A_11  : i32 {
      %mul3A_45 = arith.constant 1 : i32
      %mul3A_46 = arith.muli %scan3A_44, %mul3A_45 : i32
      %add3A_47 = arith.constant 0 : i32
      %add3A_48 = arith.addi %add3A_47, %mul3A_46 : i32
      %mul3A_49 = arith.constant 16 : i32
      %mul3A_50 = arith.muli %add3A_48, %mul3A_49 : i32
      %add3A_51 = arith.addi %mul3A_2, %mul3A_50 : i32
      "tpu.region"() ({
        %run_scoped3A = tpu.sem_alloc : memref<!tpu.dma_semaphore, #tpu.memory_space<semaphore_mem>>
        %dma_start3A_52 = arith.constant 0 : i32
        %dma_start3A_53 = tpu.memref_slice %arg18[%add3A_51, %dma_start3A_52] : memref<10000x128xf32, #tpu.memory_space<vmem_shared>> -> memref<16x128xf32, #tpu.memory_space<vmem_shared>>
        %dma_start3A_54 = arith.constant 0 : i32
        %dma_start3A_55 = tpu.memref_slice %arg18[%add3A_51, %dma_start3A_54] : memref<10000x128xf32, #tpu.memory_space<vmem_shared>> -> memref<16x128xf32, #tpu.memory_space<vmem_shared>>
        tpu.enqueue_dma source(%arg14 : memref<16x128xf32, #tpu.memory_space<vmem>>) target(%dma_start3A_55 : memref<16x128xf32, #tpu.memory_space<vmem_shared>>) target_semaphore(%run_scoped3A : memref<!tpu.dma_semaphore, #tpu.memory_space<semaphore_mem>>)
        %dma_wait3A_56 = arith.constant 0 : i32
        %dma_wait3A_57 = tpu.memref_slice %arg18[%add3A_51, %dma_wait3A_56] : memref<10000x128xf32, #tpu.memory_space<vmem_shared>> -> memref<16x128xf32, #tpu.memory_space<vmem_shared>>
        %dma_wait3A_58 = arith.constant 0 : i32
        %dma_wait3A_59 = tpu.memref_slice %arg18[%add3A_51, %dma_wait3A_58] : memref<10000x128xf32, #tpu.memory_space<vmem_shared>> -> memref<16x128xf32, #tpu.memory_space<vmem_shared>>
        tpu.wait_dma2 semaphore(%run_scoped3A : memref<!tpu.dma_semaphore, #tpu.memory_space<semaphore_mem>>) src(%arg14 : memref<16x128xf32, #tpu.memory_space<vmem>>) dst(%dma_wait3A_59 : memref<16x128xf32, #tpu.memory_space<vmem_shared>>)
        tpu.yield
      }) : () -> ()
    }
    %scan3A_12 = arith.constant 39 : i32
    %eq3A = arith.constant 15 : i32
    %eq3A_13 = arith.cmpi eq, %arg1, %eq3A : i32
    %convert_element_type3A = arith.extui %eq3A_13 : i1 to i32
    %cond3A = arith.constant 0 : i32
    %cond3A_14 = arith.cmpi ne, %convert_element_type3A, %cond3A : i32
    scf.if %cond3A_14 {
      "tpu.region"() ({
        %run_scoped3A = tpu.sem_alloc : memref<!tpu.dma_semaphore, #tpu.memory_space<semaphore_mem>>
        %dma_start3A_44 = arith.constant 9984 : i32
        %dma_start3A_45 = arith.constant 0 : i32
        %dma_start3A_46 = tpu.memref_slice %arg18[%dma_start3A_44, %dma_start3A_45] : memref<10000x128xf32, #tpu.memory_space<vmem_shared>> -> memref<16x128xf32, #tpu.memory_space<vmem_shared>>
        %dma_start3A_47 = arith.constant 9984 : i32
        %dma_start3A_48 = arith.constant 0 : i32
        %dma_start3A_49 = tpu.memref_slice %arg18[%dma_start3A_47, %dma_start3A_48] : memref<10000x128xf32, #tpu.memory_space<vmem_shared>> -> memref<16x128xf32, #tpu.memory_space<vmem_shared>>
        tpu.enqueue_dma source(%arg14 : memref<16x128xf32, #tpu.memory_space<vmem>>) target(%dma_start3A_49 : memref<16x128xf32, #tpu.memory_space<vmem_shared>>) target_semaphore(%run_scoped3A : memref<!tpu.dma_semaphore, #tpu.memory_space<semaphore_mem>>)
        %dma_wait3A_50 = arith.constant 9984 : i32
        %dma_wait3A_51 = arith.constant 0 : i32
        %dma_wait3A_52 = tpu.memref_slice %arg18[%dma_wait3A_50, %dma_wait3A_51] : memref<10000x128xf32, #tpu.memory_space<vmem_shared>> -> memref<16x128xf32, #tpu.memory_space<vmem_shared>>
        %dma_wait3A_53 = arith.constant 9984 : i32
        %dma_wait3A_54 = arith.constant 0 : i32
        %dma_wait3A_55 = tpu.memref_slice %arg18[%dma_wait3A_53, %dma_wait3A_54] : memref<10000x128xf32, #tpu.memory_space<vmem_shared>> -> memref<16x128xf32, #tpu.memory_space<vmem_shared>>
        tpu.wait_dma2 semaphore(%run_scoped3A : memref<!tpu.dma_semaphore, #tpu.memory_space<semaphore_mem>>) src(%arg14 : memref<16x128xf32, #tpu.memory_space<vmem>>) dst(%dma_wait3A_55 : memref<16x128xf32, #tpu.memory_space<vmem_shared>>)
        tpu.yield
      }) : () -> ()
    } else {
    }
    %barrier3A = arith.constant 0 : index
    tpu.barrier barrier_id(%barrier3A)
    %mul3A_15 = arith.constant 10000 : i32
    %mul3A_16 = arith.muli %add3A, %mul3A_15 : i32
    %add3A_17 = arith.constant 0 : i32
    %add3A_18 = arith.addi %mul3A_16, %add3A_17 : i32
    "tpu.region"() ({
      %run_scoped3A = tpu.sem_alloc : memref<!tpu.dma_semaphore, #tpu.memory_space<semaphore_mem>>
      %dma_start3A_44 = tpu.memref_slice %arg3[%add3A_18] : memref<320000xi32, #tpu.memory_space<hbm>> -> memref<64xi32, #tpu.memory_space<hbm>>
      %dma_start3A_45 = tpu.memref_slice %arg3[%add3A_18] : memref<320000xi32, #tpu.memory_space<hbm>> -> memref<64xi32, #tpu.memory_space<hbm>>
      tpu.enqueue_dma source(%dma_start3A_45 : memref<64xi32, #tpu.memory_space<hbm>>) target(%arg6 : memref<64xi32, #tpu.memory_space<vmem>>) target_semaphore(%run_scoped3A : memref<!tpu.dma_semaphore, #tpu.memory_space<semaphore_mem>>)
      %dma_wait3A_46 = tpu.memref_slice %arg3[%add3A_18] : memref<320000xi32, #tpu.memory_space<hbm>> -> memref<64xi32, #tpu.memory_space<hbm>>
      %dma_wait3A_47 = tpu.memref_slice %arg3[%add3A_18] : memref<320000xi32, #tpu.memory_space<hbm>> -> memref<64xi32, #tpu.memory_space<hbm>>
      tpu.wait_dma2 semaphore(%run_scoped3A : memref<!tpu.dma_semaphore, #tpu.memory_space<semaphore_mem>>) src(%dma_wait3A_47 : memref<64xi32, #tpu.memory_space<hbm>>) dst(%arg6 : memref<64xi32, #tpu.memory_space<vmem>>)
      tpu.yield
    }) : () -> ()
    "tpu.region"() ({
      %run_scoped3A = tpu.sem_alloc : memref<!tpu.dma_semaphore, #tpu.memory_space<semaphore_mem>>
      %dma_start3A_44 = tpu.memref_slice %arg4[%add3A_18] : memref<320000xi32, #tpu.memory_space<hbm>> -> memref<64xi32, #tpu.memory_space<hbm>>
      %dma_start3A_45 = tpu.memref_slice %arg4[%add3A_18] : memref<320000xi32, #tpu.memory_space<hbm>> -> memref<64xi32, #tpu.memory_space<hbm>>
      tpu.enqueue_dma source(%dma_start3A_45 : memref<64xi32, #tpu.memory_space<hbm>>) target(%arg7 : memref<64xi32, #tpu.memory_space<vmem>>) target_semaphore(%run_scoped3A : memref<!tpu.dma_semaphore, #tpu.memory_space<semaphore_mem>>)
      %dma_wait3A_46 = tpu.memref_slice %arg4[%add3A_18] : memref<320000xi32, #tpu.memory_space<hbm>> -> memref<64xi32, #tpu.memory_space<hbm>>
      %dma_wait3A_47 = tpu.memref_slice %arg4[%add3A_18] : memref<320000xi32, #tpu.memory_space<hbm>> -> memref<64xi32, #tpu.memory_space<hbm>>
      tpu.wait_dma2 semaphore(%run_scoped3A : memref<!tpu.dma_semaphore, #tpu.memory_space<semaphore_mem>>) src(%dma_wait3A_47 : memref<64xi32, #tpu.memory_space<hbm>>) dst(%arg7 : memref<64xi32, #tpu.memory_space<vmem>>)
      tpu.yield
    }) : () -> ()
    %dma_start3A = arith.constant 0 : i32
    %dma_start3A_19 = arith.constant 0 : i32
    %dma_start3A_20 = tpu.memref_slice %arg2[%dma_start3A, %dma_start3A_19] : memref<10000x128xf32, #tpu.memory_space<hbm>> -> memref<10000x128xf32, #tpu.memory_space<hbm>>
    tpu.enqueue_indirect_dma source(%dma_start3A_20 : memref<10000x128xf32, #tpu.memory_space<hbm>>) target(%arg8 : memref<64x128xf32, #tpu.memory_space<vmem>>) offsets(%arg6 : memref<64xi32, #tpu.memory_space<vmem>>) semaphore(%arg16 : memref<!tpu.dma_semaphore, #tpu.memory_space<semaphore_mem>>)
    %scan3A_21 = arith.constant 0 : i32
    %scan3A_22 = arith.constant 78 : i32
    %scan3A_23 = arith.addi %scan3A_21, %scan3A_22 : i32
    %scan3A_24 = arith.constant 1 : i32
    scf.for %scan3A_44 = %scan3A_21 to %scan3A_23 step %scan3A_24  : i32 {
      %mul3A_45 = arith.constant 1 : i32
      %mul3A_46 = arith.muli %scan3A_44, %mul3A_45 : i32
      %add3A_47 = arith.constant 0 : i32
      %add3A_48 = arith.addi %add3A_47, %mul3A_46 : i32
      %mul3A_49 = arith.constant 2 : i32
      %mul3A_50 = arith.muli %mul3A_49, %add3A_48 : i32
      %add3A_51 = arith.constant 1 : i32
      %add3A_52 = arith.addi %mul3A_50, %add3A_51 : i32
      %mul3A_53 = arith.constant 64 : i32
      %mul3A_54 = arith.muli %add3A_52, %mul3A_53 : i32
      %add3A_55 = arith.addi %mul3A_16, %mul3A_54 : i32
      "tpu.region"() ({
        %run_scoped3A = tpu.sem_alloc : memref<!tpu.dma_semaphore, #tpu.memory_space<semaphore_mem>>
        %dma_start3A_69 = tpu.memref_slice %arg3[%add3A_55] : memref<320000xi32, #tpu.memory_space<hbm>> -> memref<64xi32, #tpu.memory_space<hbm>>
        %dma_start3A_70 = tpu.memref_slice %arg3[%add3A_55] : memref<320000xi32, #tpu.memory_space<hbm>> -> memref<64xi32, #tpu.memory_space<hbm>>
        tpu.enqueue_dma source(%dma_start3A_70 : memref<64xi32, #tpu.memory_space<hbm>>) target(%arg9 : memref<64xi32, #tpu.memory_space<vmem>>) target_semaphore(%run_scoped3A : memref<!tpu.dma_semaphore, #tpu.memory_space<semaphore_mem>>)
        %dma_wait3A_71 = tpu.memref_slice %arg3[%add3A_55] : memref<320000xi32, #tpu.memory_space<hbm>> -> memref<64xi32, #tpu.memory_space<hbm>>
        %dma_wait3A_72 = tpu.memref_slice %arg3[%add3A_55] : memref<320000xi32, #tpu.memory_space<hbm>> -> memref<64xi32, #tpu.memory_space<hbm>>
        tpu.wait_dma2 semaphore(%run_scoped3A : memref<!tpu.dma_semaphore, #tpu.memory_space<semaphore_mem>>) src(%dma_wait3A_72 : memref<64xi32, #tpu.memory_space<hbm>>) dst(%arg9 : memref<64xi32, #tpu.memory_space<vmem>>)
        tpu.yield
      }) : () -> ()
      "tpu.region"() ({
        %run_scoped3A = tpu.sem_alloc : memref<!tpu.dma_semaphore, #tpu.memory_space<semaphore_mem>>
        %dma_start3A_69 = tpu.memref_slice %arg4[%add3A_55] : memref<320000xi32, #tpu.memory_space<hbm>> -> memref<64xi32, #tpu.memory_space<hbm>>
        %dma_start3A_70 = tpu.memref_slice %arg4[%add3A_55] : memref<320000xi32, #tpu.memory_space<hbm>> -> memref<64xi32, #tpu.memory_space<hbm>>
        tpu.enqueue_dma source(%dma_start3A_70 : memref<64xi32, #tpu.memory_space<hbm>>) target(%arg10 : memref<64xi32, #tpu.memory_space<vmem>>) target_semaphore(%run_scoped3A : memref<!tpu.dma_semaphore, #tpu.memory_space<semaphore_mem>>)
        %dma_wait3A_71 = tpu.memref_slice %arg4[%add3A_55] : memref<320000xi32, #tpu.memory_space<hbm>> -> memref<64xi32, #tpu.memory_space<hbm>>
        %dma_wait3A_72 = tpu.memref_slice %arg4[%add3A_55] : memref<320000xi32, #tpu.memory_space<hbm>> -> memref<64xi32, #tpu.memory_space<hbm>>
        tpu.wait_dma2 semaphore(%run_scoped3A : memref<!tpu.dma_semaphore, #tpu.memory_space<semaphore_mem>>) src(%dma_wait3A_72 : memref<64xi32, #tpu.memory_space<hbm>>) dst(%arg10 : memref<64xi32, #tpu.memory_space<vmem>>)
        tpu.yield
      }) : () -> ()
      %dma_start3A_56 = arith.constant 0 : i32
      %dma_start3A_57 = arith.constant 0 : i32
      %dma_start3A_58 = tpu.memref_slice %arg2[%dma_start3A_56, %dma_start3A_57] : memref<10000x128xf32, #tpu.memory_space<hbm>> -> memref<10000x128xf32, #tpu.memory_space<hbm>>
      tpu.enqueue_indirect_dma source(%dma_start3A_58 : memref<10000x128xf32, #tpu.memory_space<hbm>>) target(%arg11 : memref<64x128xf32, #tpu.memory_space<vmem>>) offsets(%arg9 : memref<64xi32, #tpu.memory_space<vmem>>) semaphore(%arg17 : memref<!tpu.dma_semaphore, #tpu.memory_space<semaphore_mem>>)
      %dma_wait3A_59 = arith.constant 0 : i32
      %dma_wait3A_60 = arith.constant 0 : i32
      %dma_wait3A_61 = tpu.memref_slice %arg2[%dma_wait3A_59, %dma_wait3A_60] : memref<10000x128xf32, #tpu.memory_space<hbm>> -> memref<10000x128xf32, #tpu.memory_space<hbm>>
      tpu.wait_indirect_dma semaphore(%arg16 : memref<!tpu.dma_semaphore, #tpu.memory_space<semaphore_mem>>) src(%dma_wait3A_61 : memref<10000x128xf32, #tpu.memory_space<hbm>>) dst(%arg8 : memref<64x128xf32, #tpu.memory_space<vmem>>)
      "tpu.region"() ({
        %run_scoped3A = tpu.sem_alloc : memref<!tpu.dma_semaphore, #tpu.memory_space<semaphore_mem>>
        %dma_start3A_69 = arith.constant 0 : i32
        %dma_start3A_70 = arith.constant 0 : i32
        %dma_start3A_71 = tpu.memref_slice %arg18[%dma_start3A_69, %dma_start3A_70] : memref<10000x128xf32, #tpu.memory_space<vmem_shared>> -> memref<10000x128xf32, #tpu.memory_space<vmem_shared>>
        tpu.enqueue_indirect_dma source(%arg8 : memref<64x128xf32, #tpu.memory_space<vmem>>) target(%dma_start3A_71 : memref<10000x128xf32, #tpu.memory_space<vmem_shared>>) offsets(%arg7 : memref<64xi32, #tpu.memory_space<vmem>>) semaphore(%run_scoped3A : memref<!tpu.dma_semaphore, #tpu.memory_space<semaphore_mem>>) {add = true}
        %dma_wait3A_72 = arith.constant 0 : i32
        %dma_wait3A_73 = arith.constant 0 : i32
        %dma_wait3A_74 = tpu.memref_slice %arg18[%dma_wait3A_72, %dma_wait3A_73] : memref<10000x128xf32, #tpu.memory_space<vmem_shared>> -> memref<10000x128xf32, #tpu.memory_space<vmem_shared>>
        tpu.wait_indirect_dma semaphore(%run_scoped3A : memref<!tpu.dma_semaphore, #tpu.memory_space<semaphore_mem>>) src(%arg8 : memref<64x128xf32, #tpu.memory_space<vmem>>) dst(%dma_wait3A_74 : memref<10000x128xf32, #tpu.memory_space<vmem_shared>>)
        tpu.yield
      }) : () -> ()
      %lt3A = arith.constant 77 : i32
      %lt3A_62 = arith.cmpi slt, %add3A_48, %lt3A : i32
      %convert_element_type3A_63 = arith.extui %lt3A_62 : i1 to i32
      %cond3A_64 = arith.constant 0 : i32
      %cond3A_65 = arith.cmpi ne, %convert_element_type3A_63, %cond3A_64 : i32
      scf.if %cond3A_65 {
        %add3A_69 = arith.constant 2 : i32
        %add3A_70 = arith.addi %mul3A_50, %add3A_69 : i32
        %mul3A_71 = arith.constant 64 : i32
        %mul3A_72 = arith.muli %add3A_70, %mul3A_71 : i32
        %add3A_73 = arith.addi %mul3A_16, %mul3A_72 : i32
        "tpu.region"() ({
          %run_scoped3A = tpu.sem_alloc : memref<!tpu.dma_semaphore, #tpu.memory_space<semaphore_mem>>
          %dma_start3A_77 = tpu.memref_slice %arg3[%add3A_73] : memref<320000xi32, #tpu.memory_space<hbm>> -> memref<64xi32, #tpu.memory_space<hbm>>
          %dma_start3A_78 = tpu.memref_slice %arg3[%add3A_73] : memref<320000xi32, #tpu.memory_space<hbm>> -> memref<64xi32, #tpu.memory_space<hbm>>
          tpu.enqueue_dma source(%dma_start3A_78 : memref<64xi32, #tpu.memory_space<hbm>>) target(%arg6 : memref<64xi32, #tpu.memory_space<vmem>>) target_semaphore(%run_scoped3A : memref<!tpu.dma_semaphore, #tpu.memory_space<semaphore_mem>>)
          %dma_wait3A_79 = tpu.memref_slice %arg3[%add3A_73] : memref<320000xi32, #tpu.memory_space<hbm>> -> memref<64xi32, #tpu.memory_space<hbm>>
          %dma_wait3A_80 = tpu.memref_slice %arg3[%add3A_73] : memref<320000xi32, #tpu.memory_space<hbm>> -> memref<64xi32, #tpu.memory_space<hbm>>
          tpu.wait_dma2 semaphore(%run_scoped3A : memref<!tpu.dma_semaphore, #tpu.memory_space<semaphore_mem>>) src(%dma_wait3A_80 : memref<64xi32, #tpu.memory_space<hbm>>) dst(%arg6 : memref<64xi32, #tpu.memory_space<vmem>>)
          tpu.yield
        }) : () -> ()
        "tpu.region"() ({
          %run_scoped3A = tpu.sem_alloc : memref<!tpu.dma_semaphore, #tpu.memory_space<semaphore_mem>>
          %dma_start3A_77 = tpu.memref_slice %arg4[%add3A_73] : memref<320000xi32, #tpu.memory_space<hbm>> -> memref<64xi32, #tpu.memory_space<hbm>>
          %dma_start3A_78 = tpu.memref_slice %arg4[%add3A_73] : memref<320000xi32, #tpu.memory_space<hbm>> -> memref<64xi32, #tpu.memory_space<hbm>>
          tpu.enqueue_dma source(%dma_start3A_78 : memref<64xi32, #tpu.memory_space<hbm>>) target(%arg7 : memref<64xi32, #tpu.memory_space<vmem>>) target_semaphore(%run_scoped3A : memref<!tpu.dma_semaphore, #tpu.memory_space<semaphore_mem>>)
          %dma_wait3A_79 = tpu.memref_slice %arg4[%add3A_73] : memref<320000xi32, #tpu.memory_space<hbm>> -> memref<64xi32, #tpu.memory_space<hbm>>
          %dma_wait3A_80 = tpu.memref_slice %arg4[%add3A_73] : memref<320000xi32, #tpu.memory_space<hbm>> -> memref<64xi32, #tpu.memory_space<hbm>>
          tpu.wait_dma2 semaphore(%run_scoped3A : memref<!tpu.dma_semaphore, #tpu.memory_space<semaphore_mem>>) src(%dma_wait3A_80 : memref<64xi32, #tpu.memory_space<hbm>>) dst(%arg7 : memref<64xi32, #tpu.memory_space<vmem>>)
          tpu.yield
        }) : () -> ()
        %dma_start3A_74 = arith.constant 0 : i32
        %dma_start3A_75 = arith.constant 0 : i32
        %dma_start3A_76 = tpu.memref_slice %arg2[%dma_start3A_74, %dma_start3A_75] : memref<10000x128xf32, #tpu.memory_space<hbm>> -> memref<10000x128xf32, #tpu.memory_space<hbm>>
        tpu.enqueue_indirect_dma source(%dma_start3A_76 : memref<10000x128xf32, #tpu.memory_space<hbm>>) target(%arg8 : memref<64x128xf32, #tpu.memory_space<vmem>>) offsets(%arg6 : memref<64xi32, #tpu.memory_space<vmem>>) semaphore(%arg16 : memref<!tpu.dma_semaphore, #tpu.memory_space<semaphore_mem>>)
      } else {
      }
      %dma_wait3A_66 = arith.constant 0 : i32
      %dma_wait3A_67 = arith.constant 0 : i32
      %dma_wait3A_68 = tpu.memref_slice %arg2[%dma_wait3A_66, %dma_wait3A_67] : memref<10000x128xf32, #tpu.memory_space<hbm>> -> memref<10000x128xf32, #tpu.memory_space<hbm>>
      tpu.wait_indirect_dma semaphore(%arg17 : memref<!tpu.dma_semaphore, #tpu.memory_space<semaphore_mem>>) src(%dma_wait3A_68 : memref<10000x128xf32, #tpu.memory_space<hbm>>) dst(%arg11 : memref<64x128xf32, #tpu.memory_space<vmem>>)
      "tpu.region"() ({
        %run_scoped3A = tpu.sem_alloc : memref<!tpu.dma_semaphore, #tpu.memory_space<semaphore_mem>>
        %dma_start3A_69 = arith.constant 0 : i32
        %dma_start3A_70 = arith.constant 0 : i32
        %dma_start3A_71 = tpu.memref_slice %arg18[%dma_start3A_69, %dma_start3A_70] : memref<10000x128xf32, #tpu.memory_space<vmem_shared>> -> memref<10000x128xf32, #tpu.memory_space<vmem_shared>>
        tpu.enqueue_indirect_dma source(%arg11 : memref<64x128xf32, #tpu.memory_space<vmem>>) target(%dma_start3A_71 : memref<10000x128xf32, #tpu.memory_space<vmem_shared>>) offsets(%arg10 : memref<64xi32, #tpu.memory_space<vmem>>) semaphore(%run_scoped3A : memref<!tpu.dma_semaphore, #tpu.memory_space<semaphore_mem>>) {add = true}
        %dma_wait3A_72 = arith.constant 0 : i32
        %dma_wait3A_73 = arith.constant 0 : i32
        %dma_wait3A_74 = tpu.memref_slice %arg18[%dma_wait3A_72, %dma_wait3A_73] : memref<10000x128xf32, #tpu.memory_space<vmem_shared>> -> memref<10000x128xf32, #tpu.memory_space<vmem_shared>>
        tpu.wait_indirect_dma semaphore(%run_scoped3A : memref<!tpu.dma_semaphore, #tpu.memory_space<semaphore_mem>>) src(%arg11 : memref<64x128xf32, #tpu.memory_space<vmem>>) dst(%dma_wait3A_74 : memref<10000x128xf32, #tpu.memory_space<vmem_shared>>)
        tpu.yield
      }) : () -> ()
    }
    %scan3A_25 = arith.constant 78 : i32
    %add3A_26 = arith.constant 9984 : i32
    %add3A_27 = arith.addi %mul3A_16, %add3A_26 : i32
    "tpu.region"() ({
      %run_scoped3A = tpu.sem_alloc : memref<!tpu.dma_semaphore, #tpu.memory_space<semaphore_mem>>
      %dma_start3A_44 = tpu.memref_slice %arg3[%add3A_27] : memref<320000xi32, #tpu.memory_space<hbm>> -> memref<16xi32, #tpu.memory_space<hbm>>
      %dma_start3A_45 = tpu.memref_slice %arg3[%add3A_27] : memref<320000xi32, #tpu.memory_space<hbm>> -> memref<16xi32, #tpu.memory_space<hbm>>
      tpu.enqueue_dma source(%dma_start3A_45 : memref<16xi32, #tpu.memory_space<hbm>>) target(%arg12 : memref<16xi32, #tpu.memory_space<vmem>>) target_semaphore(%run_scoped3A : memref<!tpu.dma_semaphore, #tpu.memory_space<semaphore_mem>>)
      %dma_wait3A_46 = tpu.memref_slice %arg3[%add3A_27] : memref<320000xi32, #tpu.memory_space<hbm>> -> memref<16xi32, #tpu.memory_space<hbm>>
      %dma_wait3A_47 = tpu.memref_slice %arg3[%add3A_27] : memref<320000xi32, #tpu.memory_space<hbm>> -> memref<16xi32, #tpu.memory_space<hbm>>
      tpu.wait_dma2 semaphore(%run_scoped3A : memref<!tpu.dma_semaphore, #tpu.memory_space<semaphore_mem>>) src(%dma_wait3A_47 : memref<16xi32, #tpu.memory_space<hbm>>) dst(%arg12 : memref<16xi32, #tpu.memory_space<vmem>>)
      tpu.yield
    }) : () -> ()
    "tpu.region"() ({
      %run_scoped3A = tpu.sem_alloc : memref<!tpu.dma_semaphore, #tpu.memory_space<semaphore_mem>>
      %dma_start3A_44 = tpu.memref_slice %arg4[%add3A_27] : memref<320000xi32, #tpu.memory_space<hbm>> -> memref<16xi32, #tpu.memory_space<hbm>>
      %dma_start3A_45 = tpu.memref_slice %arg4[%add3A_27] : memref<320000xi32, #tpu.memory_space<hbm>> -> memref<16xi32, #tpu.memory_space<hbm>>
      tpu.enqueue_dma source(%dma_start3A_45 : memref<16xi32, #tpu.memory_space<hbm>>) target(%arg13 : memref<16xi32, #tpu.memory_space<vmem>>) target_semaphore(%run_scoped3A : memref<!tpu.dma_semaphore, #tpu.memory_space<semaphore_mem>>)
      %dma_wait3A_46 = tpu.memref_slice %arg4[%add3A_27] : memref<320000xi32, #tpu.memory_space<hbm>> -> memref<16xi32, #tpu.memory_space<hbm>>
      %dma_wait3A_47 = tpu.memref_slice %arg4[%add3A_27] : memref<320000xi32, #tpu.memory_space<hbm>> -> memref<16xi32, #tpu.memory_space<hbm>>
      tpu.wait_dma2 semaphore(%run_scoped3A : memref<!tpu.dma_semaphore, #tpu.memory_space<semaphore_mem>>) src(%dma_wait3A_47 : memref<16xi32, #tpu.memory_space<hbm>>) dst(%arg13 : memref<16xi32, #tpu.memory_space<vmem>>)
      tpu.yield
    }) : () -> ()
    %dma_start3A_28 = arith.constant 0 : i32
    %dma_start3A_29 = arith.constant 0 : i32
    %dma_start3A_30 = tpu.memref_slice %arg2[%dma_start3A_28, %dma_start3A_29] : memref<10000x128xf32, #tpu.memory_space<hbm>> -> memref<10000x128xf32, #tpu.memory_space<hbm>>
    tpu.enqueue_indirect_dma source(%dma_start3A_30 : memref<10000x128xf32, #tpu.memory_space<hbm>>) target(%arg14 : memref<16x128xf32, #tpu.memory_space<vmem>>) offsets(%arg12 : memref<16xi32, #tpu.memory_space<vmem>>) semaphore(%arg16 : memref<!tpu.dma_semaphore, #tpu.memory_space<semaphore_mem>>)
    %dma_wait3A = arith.constant 0 : i32
    %dma_wait3A_31 = arith.constant 0 : i32
    %dma_wait3A_32 = tpu.memref_slice %arg2[%dma_wait3A, %dma_wait3A_31] : memref<10000x128xf32, #tpu.memory_space<hbm>> -> memref<10000x128xf32, #tpu.memory_space<hbm>>
    tpu.wait_indirect_dma semaphore(%arg16 : memref<!tpu.dma_semaphore, #tpu.memory_space<semaphore_mem>>) src(%dma_wait3A_32 : memref<10000x128xf32, #tpu.memory_space<hbm>>) dst(%arg14 : memref<16x128xf32, #tpu.memory_space<vmem>>)
    "tpu.region"() ({
      %run_scoped3A = tpu.sem_alloc : memref<!tpu.dma_semaphore, #tpu.memory_space<semaphore_mem>>
      %dma_start3A_44 = arith.constant 0 : i32
      %dma_start3A_45 = arith.constant 0 : i32
      %dma_start3A_46 = tpu.memref_slice %arg18[%dma_start3A_44, %dma_start3A_45] : memref<10000x128xf32, #tpu.memory_space<vmem_shared>> -> memref<10000x128xf32, #tpu.memory_space<vmem_shared>>
      tpu.enqueue_indirect_dma source(%arg14 : memref<16x128xf32, #tpu.memory_space<vmem>>) target(%dma_start3A_46 : memref<10000x128xf32, #tpu.memory_space<vmem_shared>>) offsets(%arg13 : memref<16xi32, #tpu.memory_space<vmem>>) semaphore(%run_scoped3A : memref<!tpu.dma_semaphore, #tpu.memory_space<semaphore_mem>>) {add = true}
      %dma_wait3A_47 = arith.constant 0 : i32
      %dma_wait3A_48 = arith.constant 0 : i32
      %dma_wait3A_49 = tpu.memref_slice %arg18[%dma_wait3A_47, %dma_wait3A_48] : memref<10000x128xf32, #tpu.memory_space<vmem_shared>> -> memref<10000x128xf32, #tpu.memory_space<vmem_shared>>
      tpu.wait_indirect_dma semaphore(%run_scoped3A : memref<!tpu.dma_semaphore, #tpu.memory_space<semaphore_mem>>) src(%arg14 : memref<16x128xf32, #tpu.memory_space<vmem>>) dst(%dma_wait3A_49 : memref<10000x128xf32, #tpu.memory_space<vmem_shared>>)
      tpu.yield
    }) : () -> ()
    %barrier3A_33 = arith.constant 0 : index
    tpu.barrier barrier_id(%barrier3A_33)
    %scan3A_34 = arith.constant 0 : i32
    %scan3A_35 = arith.constant 13 : i32
    %scan3A_36 = arith.addi %scan3A_34, %scan3A_35 : i32
    %scan3A_37 = arith.constant 1 : i32
    scf.for %scan3A_44 = %scan3A_34 to %scan3A_36 step %scan3A_37  : i32 {
      %mul3A_45 = arith.constant 1 : i32
      %mul3A_46 = arith.muli %scan3A_44, %mul3A_45 : i32
      %add3A_47 = arith.constant 0 : i32
      %add3A_48 = arith.addi %add3A_47, %mul3A_46 : i32
      %mul3A_49 = arith.constant 48 : i32
      %mul3A_50 = arith.muli %add3A_48, %mul3A_49 : i32
      %add3A_51 = arith.addi %mul3A_2, %mul3A_50 : i32
      "tpu.region"() ({
        %run_scoped3A = tpu.sem_alloc : memref<!tpu.dma_semaphore, #tpu.memory_space<semaphore_mem>>
        %dma_start3A_52 = arith.constant 0 : i32
        %dma_start3A_53 = tpu.memref_slice %arg18[%add3A_51, %dma_start3A_52] : memref<10000x128xf32, #tpu.memory_space<vmem_shared>> -> memref<48x128xf32, #tpu.memory_space<vmem_shared>>
        %dma_start3A_54 = arith.constant 0 : i32
        %dma_start3A_55 = tpu.memref_slice %arg18[%add3A_51, %dma_start3A_54] : memref<10000x128xf32, #tpu.memory_space<vmem_shared>> -> memref<48x128xf32, #tpu.memory_space<vmem_shared>>
        tpu.enqueue_dma source(%dma_start3A_55 : memref<48x128xf32, #tpu.memory_space<vmem_shared>>) target(%arg15 : memref<48x128xf32, #tpu.memory_space<vmem>>) target_semaphore(%run_scoped3A : memref<!tpu.dma_semaphore, #tpu.memory_space<semaphore_mem>>)
        %dma_wait3A_56 = arith.constant 0 : i32
        %dma_wait3A_57 = tpu.memref_slice %arg18[%add3A_51, %dma_wait3A_56] : memref<10000x128xf32, #tpu.memory_space<vmem_shared>> -> memref<48x128xf32, #tpu.memory_space<vmem_shared>>
        %dma_wait3A_58 = arith.constant 0 : i32
        %dma_wait3A_59 = tpu.memref_slice %arg18[%add3A_51, %dma_wait3A_58] : memref<10000x128xf32, #tpu.memory_space<vmem_shared>> -> memref<48x128xf32, #tpu.memory_space<vmem_shared>>
        tpu.wait_dma2 semaphore(%run_scoped3A : memref<!tpu.dma_semaphore, #tpu.memory_space<semaphore_mem>>) src(%dma_wait3A_59 : memref<48x128xf32, #tpu.memory_space<vmem_shared>>) dst(%arg15 : memref<48x128xf32, #tpu.memory_space<vmem>>)
        tpu.yield
      }) : () -> ()
      "tpu.region"() ({
        %run_scoped3A = tpu.sem_alloc : memref<!tpu.dma_semaphore, #tpu.memory_space<semaphore_mem>>
        %dma_start3A_52 = arith.constant 0 : i32
        %dma_start3A_53 = tpu.memref_slice %arg5[%arg0, %add3A_51, %dma_start3A_52] : memref<2x10000x128xf32, #tpu.memory_space<hbm>> -> memref<1x48x128xf32, #tpu.memory_space<hbm>>
        %dma_start3A_54 = tpu.memref_squeeze %dma_start3A_53 : memref<1x48x128xf32, #tpu.memory_space<hbm>> -> memref<48x128xf32, #tpu.memory_space<hbm>>
        %dma_start3A_55 = arith.constant 0 : i32
        %dma_start3A_56 = tpu.memref_slice %arg5[%arg0, %add3A_51, %dma_start3A_55] : memref<2x10000x128xf32, #tpu.memory_space<hbm>> -> memref<1x48x128xf32, #tpu.memory_space<hbm>>
        %dma_start3A_57 = tpu.memref_squeeze %dma_start3A_56 : memref<1x48x128xf32, #tpu.memory_space<hbm>> -> memref<48x128xf32, #tpu.memory_space<hbm>>
        tpu.enqueue_dma source(%arg15 : memref<48x128xf32, #tpu.memory_space<vmem>>) target(%dma_start3A_57 : memref<48x128xf32, #tpu.memory_space<hbm>>) target_semaphore(%run_scoped3A : memref<!tpu.dma_semaphore, #tpu.memory_space<semaphore_mem>>)
        %dma_wait3A_58 = arith.constant 0 : i32
        %dma_wait3A_59 = tpu.memref_slice %arg5[%arg0, %add3A_51, %dma_wait3A_58] : memref<2x10000x128xf32, #tpu.memory_space<hbm>> -> memref<1x48x128xf32, #tpu.memory_space<hbm>>
        %dma_wait3A_60 = tpu.memref_squeeze %dma_wait3A_59 : memref<1x48x128xf32, #tpu.memory_space<hbm>> -> memref<48x128xf32, #tpu.memory_space<hbm>>
        %dma_wait3A_61 = arith.constant 0 : i32
        %dma_wait3A_62 = tpu.memref_slice %arg5[%arg0, %add3A_51, %dma_wait3A_61] : memref<2x10000x128xf32, #tpu.memory_space<hbm>> -> memref<1x48x128xf32, #tpu.memory_space<hbm>>
        %dma_wait3A_63 = tpu.memref_squeeze %dma_wait3A_62 : memref<1x48x128xf32, #tpu.memory_space<hbm>> -> memref<48x128xf32, #tpu.memory_space<hbm>>
        tpu.wait_dma2 semaphore(%run_scoped3A : memref<!tpu.dma_semaphore, #tpu.memory_space<semaphore_mem>>) src(%arg15 : memref<48x128xf32, #tpu.memory_space<vmem>>) dst(%dma_wait3A_63 : memref<48x128xf32, #tpu.memory_space<hbm>>)
        tpu.yield
      }) : () -> ()
    }
    %scan3A_38 = arith.constant 13 : i32
    %eq3A_39 = arith.constant 15 : i32
    %eq3A_40 = arith.cmpi eq, %arg1, %eq3A_39 : i32
    %convert_element_type3A_41 = arith.extui %eq3A_40 : i1 to i32
    %cond3A_42 = arith.constant 0 : i32
    %cond3A_43 = arith.cmpi ne, %convert_element_type3A_41, %cond3A_42 : i32
    scf.if %cond3A_43 {
      "tpu.region"() ({
        %run_scoped3A = tpu.sem_alloc : memref<!tpu.dma_semaphore, #tpu.memory_space<semaphore_mem>>
        %dma_start3A_44 = arith.constant 9984 : i32
        %dma_start3A_45 = arith.constant 0 : i32
        %dma_start3A_46 = tpu.memref_slice %arg18[%dma_start3A_44, %dma_start3A_45] : memref<10000x128xf32, #tpu.memory_space<vmem_shared>> -> memref<16x128xf32, #tpu.memory_space<vmem_shared>>
        %dma_start3A_47 = arith.constant 9984 : i32
        %dma_start3A_48 = arith.constant 0 : i32
        %dma_start3A_49 = tpu.memref_slice %arg18[%dma_start3A_47, %dma_start3A_48] : memref<10000x128xf32, #tpu.memory_space<vmem_shared>> -> memref<16x128xf32, #tpu.memory_space<vmem_shared>>
        tpu.enqueue_dma source(%dma_start3A_49 : memref<16x128xf32, #tpu.memory_space<vmem_shared>>) target(%arg14 : memref<16x128xf32, #tpu.memory_space<vmem>>) target_semaphore(%run_scoped3A : memref<!tpu.dma_semaphore, #tpu.memory_space<semaphore_mem>>)
        %dma_wait3A_50 = arith.constant 9984 : i32
        %dma_wait3A_51 = arith.constant 0 : i32
        %dma_wait3A_52 = tpu.memref_slice %arg18[%dma_wait3A_50, %dma_wait3A_51] : memref<10000x128xf32, #tpu.memory_space<vmem_shared>> -> memref<16x128xf32, #tpu.memory_space<vmem_shared>>
        %dma_wait3A_53 = arith.constant 9984 : i32
        %dma_wait3A_54 = arith.constant 0 : i32
        %dma_wait3A_55 = tpu.memref_slice %arg18[%dma_wait3A_53, %dma_wait3A_54] : memref<10000x128xf32, #tpu.memory_space<vmem_shared>> -> memref<16x128xf32, #tpu.memory_space<vmem_shared>>
        tpu.wait_dma2 semaphore(%run_scoped3A : memref<!tpu.dma_semaphore, #tpu.memory_space<semaphore_mem>>) src(%dma_wait3A_55 : memref<16x128xf32, #tpu.memory_space<vmem_shared>>) dst(%arg14 : memref<16x128xf32, #tpu.memory_space<vmem>>)
        tpu.yield
      }) : () -> ()
      "tpu.region"() ({
        %run_scoped3A = tpu.sem_alloc : memref<!tpu.dma_semaphore, #tpu.memory_space<semaphore_mem>>
        %dma_start3A_44 = arith.constant 9984 : i32
        %dma_start3A_45 = arith.constant 0 : i32
        %dma_start3A_46 = tpu.memref_slice %arg5[%arg0, %dma_start3A_44, %dma_start3A_45] : memref<2x10000x128xf32, #tpu.memory_space<hbm>> -> memref<1x16x128xf32, #tpu.memory_space<hbm>>
        %dma_start3A_47 = tpu.memref_squeeze %dma_start3A_46 : memref<1x16x128xf32, #tpu.memory_space<hbm>> -> memref<16x128xf32, #tpu.memory_space<hbm>>
        %dma_start3A_48 = arith.constant 9984 : i32
        %dma_start3A_49 = arith.constant 0 : i32
        %dma_start3A_50 = tpu.memref_slice %arg5[%arg0, %dma_start3A_48, %dma_start3A_49] : memref<2x10000x128xf32, #tpu.memory_space<hbm>> -> memref<1x16x128xf32, #tpu.memory_space<hbm>>
        %dma_start3A_51 = tpu.memref_squeeze %dma_start3A_50 : memref<1x16x128xf32, #tpu.memory_space<hbm>> -> memref<16x128xf32, #tpu.memory_space<hbm>>
        tpu.enqueue_dma source(%arg14 : memref<16x128xf32, #tpu.memory_space<vmem>>) target(%dma_start3A_51 : memref<16x128xf32, #tpu.memory_space<hbm>>) target_semaphore(%run_scoped3A : memref<!tpu.dma_semaphore, #tpu.memory_space<semaphore_mem>>)
        %dma_wait3A_52 = arith.constant 9984 : i32
        %dma_wait3A_53 = arith.constant 0 : i32
        %dma_wait3A_54 = tpu.memref_slice %arg5[%arg0, %dma_wait3A_52, %dma_wait3A_53] : memref<2x10000x128xf32, #tpu.memory_space<hbm>> -> memref<1x16x128xf32, #tpu.memory_space<hbm>>
        %dma_wait3A_55 = tpu.memref_squeeze %dma_wait3A_54 : memref<1x16x128xf32, #tpu.memory_space<hbm>> -> memref<16x128xf32, #tpu.memory_space<hbm>>
        %dma_wait3A_56 = arith.constant 9984 : i32
        %dma_wait3A_57 = arith.constant 0 : i32
        %dma_wait3A_58 = tpu.memref_slice %arg5[%arg0, %dma_wait3A_56, %dma_wait3A_57] : memref<2x10000x128xf32, #tpu.memory_space<hbm>> -> memref<1x16x128xf32, #tpu.memory_space<hbm>>
        %dma_wait3A_59 = tpu.memref_squeeze %dma_wait3A_58 : memref<1x16x128xf32, #tpu.memory_space<hbm>> -> memref<16x128xf32, #tpu.memory_space<hbm>>
        tpu.wait_dma2 semaphore(%run_scoped3A : memref<!tpu.dma_semaphore, #tpu.memory_space<semaphore_mem>>) src(%arg14 : memref<16x128xf32, #tpu.memory_space<vmem>>) dst(%dma_wait3A_59 : memref<16x128xf32, #tpu.memory_space<hbm>>)
        tpu.yield
      }) : () -> ()
    } else {
    }
    return
  }
}

module attributes {stable_mosaic.version = 14 : i64} {
  func.func @_enc_pre_body(%arg0: i32, %arg1: memref<1000x128xf32, #tpu.memory_space<vmem>>, %arg2: memref<128x64xf32, #tpu.memory_space<vmem>>, %arg3: memref<1x64xf32, #tpu.memory_space<vmem>>, %arg4: memref<64x64xf32, #tpu.memory_space<vmem>>, %arg5: memref<1x64xf32, #tpu.memory_space<vmem>>, %arg6: memref<64x64xf32, #tpu.memory_space<vmem>>, %arg7: memref<1x64xf32, #tpu.memory_space<vmem>>, %arg8: memref<1000x64xf32, #tpu.memory_space<vmem>>) attributes {dimension_semantics = [#tpu.dimension_semantics<arbitrary>], iteration_bounds = array<i64: 10>, scalar_prefetch = 0 : i64, scratch_operands = 0 : i64, tpu.core_type = #tpu.core_type<tc>, window_params = [{transform_indices = @transform_0, window_bounds = array<i64: 1000, 128>}, {pipeline_mode = #tpu.pipeline_mode<synchronous>, transform_indices = @transform_1, window_bounds = array<i64: 128, 64>}, {pipeline_mode = #tpu.pipeline_mode<synchronous>, transform_indices = @transform_2, window_bounds = array<i64: 1, 64>}, {pipeline_mode = #tpu.pipeline_mode<synchronous>, transform_indices = @transform_3, window_bounds = array<i64: 64, 64>}, {pipeline_mode = #tpu.pipeline_mode<synchronous>, transform_indices = @transform_4, window_bounds = array<i64: 1, 64>}, {pipeline_mode = #tpu.pipeline_mode<synchronous>, transform_indices = @transform_5, window_bounds = array<i64: 64, 64>}, {pipeline_mode = #tpu.pipeline_mode<synchronous>, transform_indices = @transform_6, window_bounds = array<i64: 1, 64>}, {transform_indices = @transform_7, window_bounds = array<i64: 1000, 64>}]} {
    %get3A = arith.constant 0 : index
    %get3A_0 = arith.constant 0 : index
    %get3A_1 = vector.load %arg1[%get3A, %get3A_0] : memref<1000x128xf32, #tpu.memory_space<vmem>>, vector<1000x128xf32>
    %get3A_2 = arith.constant 0 : index
    %get3A_3 = arith.constant 0 : index
    %get3A_4 = vector.load %arg2[%get3A_2, %get3A_3] : memref<128x64xf32, #tpu.memory_space<vmem>>, vector<128x64xf32>
    %dot_general3A = arith.constant dense<0.000000e+00> : vector<1000x64xf32>
    %dot_general3A_5 = tpu.matmul %get3A_1, %get3A_4, %dot_general3A {dimension_numbers = #tpu.dot_dimension_numbers<[1], [0], [0], [1], [0, 0, 1, 1], [], []>, transpose_lhs_hint = false} : vector<1000x128xf32>, vector<128x64xf32>, vector<1000x64xf32> -> vector<1000x64xf32>
    %get3A_6 = arith.constant 0 : index
    %get3A_7 = arith.constant 0 : index
    %get3A_8 = vector.load %arg3[%get3A_6, %get3A_7] : memref<1x64xf32, #tpu.memory_space<vmem>>, vector<1x64xf32>
    %add3A = vector.broadcast %get3A_8 : vector<1x64xf32> to vector<1000x64xf32>
    %add3A_9 = arith.addf %dot_general3A_5, %add3A : vector<1000x64xf32>
    %max3A = arith.constant 0.000000e+00 : f32
    %max3A_10 = vector.broadcast %max3A : f32 to vector<1000x64xf32>
    %max3A_11 = arith.maximumf %add3A_9, %max3A_10 : vector<1000x64xf32>
    %get3A_12 = arith.constant 0 : index
    %get3A_13 = arith.constant 0 : index
    %get3A_14 = vector.load %arg4[%get3A_12, %get3A_13] : memref<64x64xf32, #tpu.memory_space<vmem>>, vector<64x64xf32>
    %dot_general3A_15 = arith.constant dense<0.000000e+00> : vector<1000x64xf32>
    %dot_general3A_16 = tpu.matmul %max3A_11, %get3A_14, %dot_general3A_15 {dimension_numbers = #tpu.dot_dimension_numbers<[1], [0], [0], [1], [0, 0, 1, 1], [], []>, transpose_lhs_hint = false} : vector<1000x64xf32>, vector<64x64xf32>, vector<1000x64xf32> -> vector<1000x64xf32>
    %get3A_17 = arith.constant 0 : index
    %get3A_18 = arith.constant 0 : index
    %get3A_19 = vector.load %arg5[%get3A_17, %get3A_18] : memref<1x64xf32, #tpu.memory_space<vmem>>, vector<1x64xf32>
    %add3A_20 = vector.broadcast %get3A_19 : vector<1x64xf32> to vector<1000x64xf32>
    %add3A_21 = arith.addf %dot_general3A_16, %add3A_20 : vector<1000x64xf32>
    %max3A_22 = arith.constant 0.000000e+00 : f32
    %max3A_23 = vector.broadcast %max3A_22 : f32 to vector<1000x64xf32>
    %max3A_24 = arith.maximumf %add3A_21, %max3A_23 : vector<1000x64xf32>
    %get3A_25 = arith.constant 0 : index
    %get3A_26 = arith.constant 0 : index
    %get3A_27 = vector.load %arg6[%get3A_25, %get3A_26] : memref<64x64xf32, #tpu.memory_space<vmem>>, vector<64x64xf32>
    %dot_general3A_28 = arith.constant dense<0.000000e+00> : vector<1000x64xf32>
    %dot_general3A_29 = tpu.matmul %max3A_24, %get3A_27, %dot_general3A_28 {dimension_numbers = #tpu.dot_dimension_numbers<[1], [0], [0], [1], [0, 0, 1, 1], [], []>, transpose_lhs_hint = false} : vector<1000x64xf32>, vector<64x64xf32>, vector<1000x64xf32> -> vector<1000x64xf32>
    %get3A_30 = arith.constant 0 : index
    %get3A_31 = arith.constant 0 : index
    %get3A_32 = vector.load %arg7[%get3A_30, %get3A_31] : memref<1x64xf32, #tpu.memory_space<vmem>>, vector<1x64xf32>
    %add3A_33 = vector.broadcast %get3A_32 : vector<1x64xf32> to vector<1000x64xf32>
    %add3A_34 = arith.addf %dot_general3A_29, %add3A_33 : vector<1000x64xf32>
    %max3A_35 = arith.constant 0.000000e+00 : f32
    %max3A_36 = vector.broadcast %max3A_35 : f32 to vector<1000x64xf32>
    %max3A_37 = arith.maximumf %add3A_34, %max3A_36 : vector<1000x64xf32>
    %swap3A = arith.constant 0 : index
    %swap3A_38 = arith.constant 0 : index
    %swap3A_39 = vector.load %arg8[%swap3A, %swap3A_38] : memref<1000x64xf32, #tpu.memory_space<vmem>>, vector<1000x64xf32>
    tpu.vector_store %arg8[%swap3A, %swap3A_38], %max3A_37 {strides = array<i32>} : memref<1000x64xf32, #tpu.memory_space<vmem>>, vector<1000x64xf32>,
    return
  }
  func.func @transform_0(%arg0: i32) -> (i32, i32) {
    %c0_i32 = arith.constant 0 : i32
    %c0_i32_0 = arith.constant 0 : i32
    return %arg0, %c0_i32 : i32, i32
  }
  func.func @transform_1(%arg0: i32) -> (i32, i32) {
    %c0_i32 = arith.constant 0 : i32
    %c0_i32_0 = arith.constant 0 : i32
    %c0_i32_1 = arith.constant 0 : i32
    return %c0_i32, %c0_i32_0 : i32, i32
  }
  func.func @transform_2(%arg0: i32) -> (i32, i32) {
    %c0_i32 = arith.constant 0 : i32
    %c0_i32_0 = arith.constant 0 : i32
    %c0_i32_1 = arith.constant 0 : i32
    return %c0_i32, %c0_i32_0 : i32, i32
  }
  func.func @transform_3(%arg0: i32) -> (i32, i32) {
    %c0_i32 = arith.constant 0 : i32
    %c0_i32_0 = arith.constant 0 : i32
    %c0_i32_1 = arith.constant 0 : i32
    return %c0_i32, %c0_i32_0 : i32, i32
  }
  func.func @transform_4(%arg0: i32) -> (i32, i32) {
    %c0_i32 = arith.constant 0 : i32
    %c0_i32_0 = arith.constant 0 : i32
    %c0_i32_1 = arith.constant 0 : i32
    return %c0_i32, %c0_i32_0 : i32, i32
  }
  func.func @transform_5(%arg0: i32) -> (i32, i32) {
    %c0_i32 = arith.constant 0 : i32
    %c0_i32_0 = arith.constant 0 : i32
    %c0_i32_1 = arith.constant 0 : i32
    return %c0_i32, %c0_i32_0 : i32, i32
  }
  func.func @transform_6(%arg0: i32) -> (i32, i32) {
    %c0_i32 = arith.constant 0 : i32
    %c0_i32_0 = arith.constant 0 : i32
    %c0_i32_1 = arith.constant 0 : i32
    return %c0_i32, %c0_i32_0 : i32, i32
  }
  func.func @transform_7(%arg0: i32) -> (i32, i32) {
    %c0_i32 = arith.constant 0 : i32
    %c0_i32_0 = arith.constant 0 : i32
    return %arg0, %c0_i32 : i32, i32
  }
}

module attributes {stable_mosaic.version = 14 : i64} {
  func.func @_enc_post_body(%arg0: i32, %arg1: memref<1000x64xf32, #tpu.memory_space<vmem>>, %arg2: memref<64x128xf32, #tpu.memory_space<vmem>>, %arg3: memref<1x128xf32, #tpu.memory_space<vmem>>, %arg4: memref<1000x128xf32, #tpu.memory_space<vmem>>) attributes {dimension_semantics = [#tpu.dimension_semantics<arbitrary>], iteration_bounds = array<i64: 10>, scalar_prefetch = 0 : i64, scratch_operands = 0 : i64, tpu.core_type = #tpu.core_type<tc>, window_params = [{transform_indices = @transform_0, window_bounds = array<i64: 1000, 64>}, {pipeline_mode = #tpu.pipeline_mode<synchronous>, transform_indices = @transform_1, window_bounds = array<i64: 64, 128>}, {pipeline_mode = #tpu.pipeline_mode<synchronous>, transform_indices = @transform_2, window_bounds = array<i64: 1, 128>}, {transform_indices = @transform_3, window_bounds = array<i64: 1000, 128>}]} {
    %get3A = arith.constant 0 : index
    %get3A_0 = arith.constant 0 : index
    %get3A_1 = vector.load %arg1[%get3A, %get3A_0] : memref<1000x64xf32, #tpu.memory_space<vmem>>, vector<1000x64xf32>
    %get3A_2 = arith.constant 0 : index
    %get3A_3 = arith.constant 0 : index
    %get3A_4 = vector.load %arg2[%get3A_2, %get3A_3] : memref<64x128xf32, #tpu.memory_space<vmem>>, vector<64x128xf32>
    %dot_general3A = arith.constant dense<0.000000e+00> : vector<1000x128xf32>
    %dot_general3A_5 = tpu.matmul %get3A_1, %get3A_4, %dot_general3A {dimension_numbers = #tpu.dot_dimension_numbers<[1], [0], [0], [1], [0, 0, 1, 1], [], []>, transpose_lhs_hint = false} : vector<1000x64xf32>, vector<64x128xf32>, vector<1000x128xf32> -> vector<1000x128xf32>
    %get3A_6 = arith.constant 0 : index
    %get3A_7 = arith.constant 0 : index
    %get3A_8 = vector.load %arg3[%get3A_6, %get3A_7] : memref<1x128xf32, #tpu.memory_space<vmem>>, vector<1x128xf32>
    %add3A = vector.broadcast %get3A_8 : vector<1x128xf32> to vector<1000x128xf32>
    %add3A_9 = arith.addf %dot_general3A_5, %add3A : vector<1000x128xf32>
    %swap3A = arith.constant 0 : index
    %swap3A_10 = arith.constant 0 : index
    %swap3A_11 = vector.load %arg4[%swap3A, %swap3A_10] : memref<1000x128xf32, #tpu.memory_space<vmem>>, vector<1000x128xf32>
    tpu.vector_store %arg4[%swap3A, %swap3A_10], %add3A_9 {strides = array<i32>} : memref<1000x128xf32, #tpu.memory_space<vmem>>, vector<1000x128xf32>,
    return
  }
  func.func @transform_0(%arg0: i32) -> (i32, i32) {
    %c0_i32 = arith.constant 0 : i32
    %c0_i32_0 = arith.constant 0 : i32
    return %arg0, %c0_i32 : i32, i32
  }
  func.func @transform_1(%arg0: i32) -> (i32, i32) {
    %c0_i32 = arith.constant 0 : i32
    %c0_i32_0 = arith.constant 0 : i32
    %c0_i32_1 = arith.constant 0 : i32
    return %c0_i32, %c0_i32_0 : i32, i32
  }
  func.func @transform_2(%arg0: i32) -> (i32, i32) {
    %c0_i32 = arith.constant 0 : i32
    %c0_i32_0 = arith.constant 0 : i32
    %c0_i32_1 = arith.constant 0 : i32
    return %c0_i32, %c0_i32_0 : i32, i32
  }
  func.func @transform_3(%arg0: i32) -> (i32, i32) {
    %c0_i32 = arith.constant 0 : i32
    %c0_i32_0 = arith.constant 0 : i32
    return %arg0, %c0_i32 : i32, i32
  }
}

module attributes {stable_mosaic.version = 14 : i64} {
  func.func @_combine1_body(%arg0: i32, %arg1: memref<2x1000x128xf32, #tpu.memory_space<vmem>>, %arg2: memref<2x1000x128xf32, #tpu.memory_space<vmem>>, %arg3: memref<1000x128xf32, #tpu.memory_space<vmem>>, %arg4: memref<128x128xf32, #tpu.memory_space<vmem>>, %arg5: memref<128x128xf32, #tpu.memory_space<vmem>>, %arg6: memref<1x128xf32, #tpu.memory_space<vmem>>, %arg7: memref<1000x128xf32, #tpu.memory_space<vmem>>, %arg8: memref<1000x1xf32, #tpu.memory_space<vmem>>) attributes {dimension_semantics = [#tpu.dimension_semantics<arbitrary>], iteration_bounds = array<i64: 10>, scalar_prefetch = 0 : i64, scratch_operands = 0 : i64, tpu.core_type = #tpu.core_type<tc>, window_params = [{transform_indices = @transform_0, window_bounds = array<i64: 2, 1000, 128>}, {transform_indices = @transform_1, window_bounds = array<i64: 2, 1000, 128>}, {transform_indices = @transform_2, window_bounds = array<i64: 1000, 128>}, {pipeline_mode = #tpu.pipeline_mode<synchronous>, transform_indices = @transform_3, window_bounds = array<i64: 128, 128>}, {pipeline_mode = #tpu.pipeline_mode<synchronous>, transform_indices = @transform_4, window_bounds = array<i64: 128, 128>}, {pipeline_mode = #tpu.pipeline_mode<synchronous>, transform_indices = @transform_5, window_bounds = array<i64: 1, 128>}, {transform_indices = @transform_6, window_bounds = array<i64: 1000, 128>}, {transform_indices = @transform_7, window_bounds = array<i64: 1000, 1>}]} {
    %get3A = arith.constant 0 : index
    %get3A_0 = arith.constant 0 : index
    %get3A_1 = arith.constant 0 : index
    %get3A_2 = vector.load %arg1[%get3A, %get3A_0, %get3A_1] : memref<2x1000x128xf32, #tpu.memory_space<vmem>>, vector<2x1000x128xf32>
    %get3A_3 = arith.constant 0 : index
    %get3A_4 = arith.constant 0 : index
    %get3A_5 = arith.constant 0 : index
    %get3A_6 = vector.load %arg2[%get3A_3, %get3A_4, %get3A_5] : memref<2x1000x128xf32, #tpu.memory_space<vmem>>, vector<2x1000x128xf32>
    %slice3A = vector.extract_strided_slice %get3A_2 {offsets = [0, 0, 0], sizes = [1, 1000, 128], strides = [1, 1, 1]} : vector<2x1000x128xf32> to vector<1x1000x128xf32>
    %squeeze3A = vector.shape_cast %slice3A : vector<1x1000x128xf32> to vector<1000x128xf32>
    %slice3A_7 = vector.extract_strided_slice %get3A_2 {offsets = [1, 0, 0], sizes = [1, 1000, 128], strides = [1, 1, 1]} : vector<2x1000x128xf32> to vector<1x1000x128xf32>
    %squeeze3A_8 = vector.shape_cast %slice3A_7 : vector<1x1000x128xf32> to vector<1000x128xf32>
    %add3A = arith.addf %squeeze3A, %squeeze3A_8 : vector<1000x128xf32>
    %slice3A_9 = vector.extract_strided_slice %get3A_6 {offsets = [0, 0, 0], sizes = [1, 1000, 128], strides = [1, 1, 1]} : vector<2x1000x128xf32> to vector<1x1000x128xf32>
    %squeeze3A_10 = vector.shape_cast %slice3A_9 : vector<1x1000x128xf32> to vector<1000x128xf32>
    %slice3A_11 = vector.extract_strided_slice %get3A_6 {offsets = [1, 0, 0], sizes = [1, 1000, 128], strides = [1, 1, 1]} : vector<2x1000x128xf32> to vector<1x1000x128xf32>
    %squeeze3A_12 = vector.shape_cast %slice3A_11 : vector<1x1000x128xf32> to vector<1000x128xf32>
    %add3A_13 = arith.addf %squeeze3A_10, %squeeze3A_12 : vector<1000x128xf32>
    %slice3A_14 = vector.extract_strided_slice %add3A_13 {offsets = [0, 0], sizes = [1000, 1], strides = [1, 1]} : vector<1000x128xf32> to vector<1000x1xf32>
    %swap3A = arith.constant 0 : index
    %swap3A_15 = arith.constant 0 : index
    %swap3A_16 = vector.load %arg8[%swap3A, %swap3A_15] : memref<1000x1xf32, #tpu.memory_space<vmem>>, vector<1000x1xf32>
    tpu.vector_store %arg8[%swap3A, %swap3A_15], %slice3A_14 {strides = array<i32>} : memref<1000x1xf32, #tpu.memory_space<vmem>>, vector<1000x1xf32>,
    %max3A = arith.constant 1.000000e+00 : f32
    %max3A_17 = vector.broadcast %max3A : f32 to vector<1000x1xf32>
    %max3A_18 = arith.maximumf %slice3A_14, %max3A_17 : vector<1000x1xf32>
    %div3A = vector.broadcast %max3A_18 : vector<1000x1xf32> to vector<1000x128xf32>
    %div3A_19 = arith.divf %add3A, %div3A : vector<1000x128xf32>
    %get3A_20 = arith.constant 0 : index
    %get3A_21 = arith.constant 0 : index
    %get3A_22 = vector.load %arg4[%get3A_20, %get3A_21] : memref<128x128xf32, #tpu.memory_space<vmem>>, vector<128x128xf32>
    %dot_general3A = arith.constant dense<0.000000e+00> : vector<1000x128xf32>
    %dot_general3A_23 = tpu.matmul %div3A_19, %get3A_22, %dot_general3A {dimension_numbers = #tpu.dot_dimension_numbers<[1], [0], [0], [1], [0, 0, 1, 1], [], []>, transpose_lhs_hint = false} : vector<1000x128xf32>, vector<128x128xf32>, vector<1000x128xf32> -> vector<1000x128xf32>
    %get3A_24 = arith.constant 0 : index
    %get3A_25 = arith.constant 0 : index
    %get3A_26 = vector.load %arg6[%get3A_24, %get3A_25] : memref<1x128xf32, #tpu.memory_space<vmem>>, vector<1x128xf32>
    %add3A_27 = vector.broadcast %get3A_26 : vector<1x128xf32> to vector<1000x128xf32>
    %add3A_28 = arith.addf %dot_general3A_23, %add3A_27 : vector<1000x128xf32>
    %get3A_29 = arith.constant 0 : index
    %get3A_30 = arith.constant 0 : index
    %get3A_31 = vector.load %arg3[%get3A_29, %get3A_30] : memref<1000x128xf32, #tpu.memory_space<vmem>>, vector<1000x128xf32>
    %get3A_32 = arith.constant 0 : index
    %get3A_33 = arith.constant 0 : index
    %get3A_34 = vector.load %arg5[%get3A_32, %get3A_33] : memref<128x128xf32, #tpu.memory_space<vmem>>, vector<128x128xf32>
    %dot_general3A_35 = arith.constant dense<0.000000e+00> : vector<1000x128xf32>
    %dot_general3A_36 = tpu.matmul %get3A_31, %get3A_34, %dot_general3A_35 {dimension_numbers = #tpu.dot_dimension_numbers<[1], [0], [0], [1], [0, 0, 1, 1], [], []>, transpose_lhs_hint = false} : vector<1000x128xf32>, vector<128x128xf32>, vector<1000x128xf32> -> vector<1000x128xf32>
    %add3A_37 = arith.addf %add3A_28, %dot_general3A_36 : vector<1000x128xf32>
    %max3A_38 = arith.constant 0.000000e+00 : f32
    %max3A_39 = vector.broadcast %max3A_38 : f32 to vector<1000x128xf32>
    %max3A_40 = arith.maximumf %add3A_37, %max3A_39 : vector<1000x128xf32>
    %swap3A_41 = arith.constant 0 : index
    %swap3A_42 = arith.constant 0 : index
    %swap3A_43 = vector.load %arg7[%swap3A_41, %swap3A_42] : memref<1000x128xf32, #tpu.memory_space<vmem>>, vector<1000x128xf32>
    tpu.vector_store %arg7[%swap3A_41, %swap3A_42], %max3A_40 {strides = array<i32>} : memref<1000x128xf32, #tpu.memory_space<vmem>>, vector<1000x128xf32>,
    return
  }
  func.func @transform_0(%arg0: i32) -> (i32, i32, i32) {
    %c0_i32 = arith.constant 0 : i32
    %c0_i32_0 = arith.constant 0 : i32
    %c0_i32_1 = arith.constant 0 : i32
    return %c0_i32, %arg0, %c0_i32_0 : i32, i32, i32
  }
  func.func @transform_1(%arg0: i32) -> (i32, i32, i32) {
    %c0_i32 = arith.constant 0 : i32
    %c0_i32_0 = arith.constant 0 : i32
    %c0_i32_1 = arith.constant 0 : i32
    return %c0_i32, %arg0, %c0_i32_0 : i32, i32, i32
  }
  func.func @transform_2(%arg0: i32) -> (i32, i32) {
    %c0_i32 = arith.constant 0 : i32
    %c0_i32_0 = arith.constant 0 : i32
    return %arg0, %c0_i32 : i32, i32
  }
  func.func @transform_3(%arg0: i32) -> (i32, i32) {
    %c0_i32 = arith.constant 0 : i32
    %c0_i32_0 = arith.constant 0 : i32
    %c0_i32_1 = arith.constant 0 : i32
    return %c0_i32, %c0_i32_0 : i32, i32
  }
  func.func @transform_4(%arg0: i32) -> (i32, i32) {
    %c0_i32 = arith.constant 0 : i32
    %c0_i32_0 = arith.constant 0 : i32
    %c0_i32_1 = arith.constant 0 : i32
    return %c0_i32, %c0_i32_0 : i32, i32
  }
  func.func @transform_5(%arg0: i32) -> (i32, i32) {
    %c0_i32 = arith.constant 0 : i32
    %c0_i32_0 = arith.constant 0 : i32
    %c0_i32_1 = arith.constant 0 : i32
    return %c0_i32, %c0_i32_0 : i32, i32
  }
  func.func @transform_6(%arg0: i32) -> (i32, i32) {
    %c0_i32 = arith.constant 0 : i32
    %c0_i32_0 = arith.constant 0 : i32
    return %arg0, %c0_i32 : i32, i32
  }
  func.func @transform_7(%arg0: i32) -> (i32, i32) {
    %c0_i32 = arith.constant 0 : i32
    %c0_i32_0 = arith.constant 0 : i32
    return %arg0, %c0_i32 : i32, i32
  }
}

module attributes {stable_mosaic.version = 14 : i64} {
  func.func @_combine_body(%arg0: i32, %arg1: memref<2x1000x128xf32, #tpu.memory_space<vmem>>, %arg2: memref<1000x1xf32, #tpu.memory_space<vmem>>, %arg3: memref<1000x128xf32, #tpu.memory_space<vmem>>, %arg4: memref<128x128xf32, #tpu.memory_space<vmem>>, %arg5: memref<128x128xf32, #tpu.memory_space<vmem>>, %arg6: memref<1x128xf32, #tpu.memory_space<vmem>>, %arg7: memref<1000x128xf32, #tpu.memory_space<vmem>>) attributes {dimension_semantics = [#tpu.dimension_semantics<arbitrary>], iteration_bounds = array<i64: 10>, scalar_prefetch = 0 : i64, scratch_operands = 0 : i64, tpu.core_type = #tpu.core_type<tc>, window_params = [{transform_indices = @transform_0, window_bounds = array<i64: 2, 1000, 128>}, {transform_indices = @transform_1, window_bounds = array<i64: 1000, 1>}, {transform_indices = @transform_2, window_bounds = array<i64: 1000, 128>}, {pipeline_mode = #tpu.pipeline_mode<synchronous>, transform_indices = @transform_3, window_bounds = array<i64: 128, 128>}, {pipeline_mode = #tpu.pipeline_mode<synchronous>, transform_indices = @transform_4, window_bounds = array<i64: 128, 128>}, {pipeline_mode = #tpu.pipeline_mode<synchronous>, transform_indices = @transform_5, window_bounds = array<i64: 1, 128>}, {transform_indices = @transform_6, window_bounds = array<i64: 1000, 128>}]} {
    %get3A = arith.constant 0 : index
    %get3A_0 = arith.constant 0 : index
    %get3A_1 = arith.constant 0 : index
    %get3A_2 = vector.load %arg1[%get3A, %get3A_0, %get3A_1] : memref<2x1000x128xf32, #tpu.memory_space<vmem>>, vector<2x1000x128xf32>
    %slice3A = vector.extract_strided_slice %get3A_2 {offsets = [0, 0, 0], sizes = [1, 1000, 128], strides = [1, 1, 1]} : vector<2x1000x128xf32> to vector<1x1000x128xf32>
    %squeeze3A = vector.shape_cast %slice3A : vector<1x1000x128xf32> to vector<1000x128xf32>
    %slice3A_3 = vector.extract_strided_slice %get3A_2 {offsets = [1, 0, 0], sizes = [1, 1000, 128], strides = [1, 1, 1]} : vector<2x1000x128xf32> to vector<1x1000x128xf32>
    %squeeze3A_4 = vector.shape_cast %slice3A_3 : vector<1x1000x128xf32> to vector<1000x128xf32>
    %add3A = arith.addf %squeeze3A, %squeeze3A_4 : vector<1000x128xf32>
    %get3A_5 = arith.constant 0 : index
    %get3A_6 = arith.constant 0 : index
    %get3A_7 = vector.load %arg2[%get3A_5, %get3A_6] : memref<1000x1xf32, #tpu.memory_space<vmem>>, vector<1000x1xf32>
    %max3A = arith.constant 1.000000e+00 : f32
    %max3A_8 = vector.broadcast %max3A : f32 to vector<1000x1xf32>
    %max3A_9 = arith.maximumf %get3A_7, %max3A_8 : vector<1000x1xf32>
    %div3A = vector.broadcast %max3A_9 : vector<1000x1xf32> to vector<1000x128xf32>
    %div3A_10 = arith.divf %add3A, %div3A : vector<1000x128xf32>
    %get3A_11 = arith.constant 0 : index
    %get3A_12 = arith.constant 0 : index
    %get3A_13 = vector.load %arg4[%get3A_11, %get3A_12] : memref<128x128xf32, #tpu.memory_space<vmem>>, vector<128x128xf32>
    %dot_general3A = arith.constant dense<0.000000e+00> : vector<1000x128xf32>
    %dot_general3A_14 = tpu.matmul %div3A_10, %get3A_13, %dot_general3A {dimension_numbers = #tpu.dot_dimension_numbers<[1], [0], [0], [1], [0, 0, 1, 1], [], []>, transpose_lhs_hint = false} : vector<1000x128xf32>, vector<128x128xf32>, vector<1000x128xf32> -> vector<1000x128xf32>
    %get3A_15 = arith.constant 0 : index
    %get3A_16 = arith.constant 0 : index
    %get3A_17 = vector.load %arg6[%get3A_15, %get3A_16] : memref<1x128xf32, #tpu.memory_space<vmem>>, vector<1x128xf32>
    %add3A_18 = vector.broadcast %get3A_17 : vector<1x128xf32> to vector<1000x128xf32>
    %add3A_19 = arith.addf %dot_general3A_14, %add3A_18 : vector<1000x128xf32>
    %get3A_20 = arith.constant 0 : index
    %get3A_21 = arith.constant 0 : index
    %get3A_22 = vector.load %arg3[%get3A_20, %get3A_21] : memref<1000x128xf32, #tpu.memory_space<vmem>>, vector<1000x128xf32>
    %get3A_23 = arith.constant 0 : index
    %get3A_24 = arith.constant 0 : index
    %get3A_25 = vector.load %arg5[%get3A_23, %get3A_24] : memref<128x128xf32, #tpu.memory_space<vmem>>, vector<128x128xf32>
    %dot_general3A_26 = arith.constant dense<0.000000e+00> : vector<1000x128xf32>
    %dot_general3A_27 = tpu.matmul %get3A_22, %get3A_25, %dot_general3A_26 {dimension_numbers = #tpu.dot_dimension_numbers<[1], [0], [0], [1], [0, 0, 1, 1], [], []>, transpose_lhs_hint = false} : vector<1000x128xf32>, vector<128x128xf32>, vector<1000x128xf32> -> vector<1000x128xf32>
    %add3A_28 = arith.addf %add3A_19, %dot_general3A_27 : vector<1000x128xf32>
    %max3A_29 = arith.constant 0.000000e+00 : f32
    %max3A_30 = vector.broadcast %max3A_29 : f32 to vector<1000x128xf32>
    %max3A_31 = arith.maximumf %add3A_28, %max3A_30 : vector<1000x128xf32>
    %swap3A = arith.constant 0 : index
    %swap3A_32 = arith.constant 0 : index
    %swap3A_33 = vector.load %arg7[%swap3A, %swap3A_32] : memref<1000x128xf32, #tpu.memory_space<vmem>>, vector<1000x128xf32>
    tpu.vector_store %arg7[%swap3A, %swap3A_32], %max3A_31 {strides = array<i32>} : memref<1000x128xf32, #tpu.memory_space<vmem>>, vector<1000x128xf32>,
    return
  }
  func.func @transform_0(%arg0: i32) -> (i32, i32, i32) {
    %c0_i32 = arith.constant 0 : i32
    %c0_i32_0 = arith.constant 0 : i32
    %c0_i32_1 = arith.constant 0 : i32
    return %c0_i32, %arg0, %c0_i32_0 : i32, i32, i32
  }
  func.func @transform_1(%arg0: i32) -> (i32, i32) {
    %c0_i32 = arith.constant 0 : i32
    %c0_i32_0 = arith.constant 0 : i32
    return %arg0, %c0_i32 : i32, i32
  }
  func.func @transform_2(%arg0: i32) -> (i32, i32) {
    %c0_i32 = arith.constant 0 : i32
    %c0_i32_0 = arith.constant 0 : i32
    return %arg0, %c0_i32 : i32, i32
  }
  func.func @transform_3(%arg0: i32) -> (i32, i32) {
    %c0_i32 = arith.constant 0 : i32
    %c0_i32_0 = arith.constant 0 : i32
    %c0_i32_1 = arith.constant 0 : i32
    return %c0_i32, %c0_i32_0 : i32, i32
  }
  func.func @transform_4(%arg0: i32) -> (i32, i32) {
    %c0_i32 = arith.constant 0 : i32
    %c0_i32_0 = arith.constant 0 : i32
    %c0_i32_1 = arith.constant 0 : i32
    return %c0_i32, %c0_i32_0 : i32, i32
  }
  func.func @transform_5(%arg0: i32) -> (i32, i32) {
    %c0_i32 = arith.constant 0 : i32
    %c0_i32_0 = arith.constant 0 : i32
    %c0_i32_1 = arith.constant 0 : i32
    return %c0_i32, %c0_i32_0 : i32, i32
  }
  func.func @transform_6(%arg0: i32) -> (i32, i32) {
    %c0_i32 = arith.constant 0 : i32
    %c0_i32_0 = arith.constant 0 : i32
    return %arg0, %c0_i32 : i32, i32
  }
}

module attributes {stable_mosaic.version = 14 : i64} {
  func.func @_pool_body(%arg0: i32, %arg1: memref<1000x128xf32, #tpu.memory_space<vmem>>, %arg2: memref<1x1x1000xi32, #tpu.memory_space<vmem>>, %arg3: memref<64x128xf32, #tpu.memory_space<vmem>>) attributes {dimension_semantics = [#tpu.dimension_semantics<arbitrary>], iteration_bounds = array<i64: 10>, scalar_prefetch = 0 : i64, scratch_operands = 0 : i64, tpu.core_type = #tpu.core_type<tc>, window_params = [{transform_indices = @transform_0, window_bounds = array<i64: 1000, 128>}, {transform_indices = @transform_1, window_bounds = array<i64: 1, 1, 1000>}, {pipeline_mode = #tpu.pipeline_mode<synchronous>, transform_indices = @transform_2, window_bounds = array<i64: 64, 128>}]} {
    %eq3A = arith.constant 0 : i32
    %eq3A_0 = arith.cmpi eq, %arg0, %eq3A : i32
    %convert_element_type3A = arith.extui %eq3A_0 : i1 to i32
    %cond3A = arith.constant 0 : i32
    %cond3A_1 = arith.cmpi ne, %convert_element_type3A, %cond3A : i32
    scf.if %cond3A_1 {
      %broadcast_in_dim3A_20 = arith.constant 0.000000e+00 : f32
      %broadcast_in_dim3A_21 = vector.broadcast %broadcast_in_dim3A_20 : f32 to vector<64x128xf32>
      %swap3A_22 = arith.constant 0 : index
      %swap3A_23 = arith.constant 0 : index
      %swap3A_24 = vector.load %arg3[%swap3A_22, %swap3A_23] : memref<64x128xf32, #tpu.memory_space<vmem>>, vector<64x128xf32>
      tpu.vector_store %arg3[%swap3A_22, %swap3A_23], %broadcast_in_dim3A_21 {strides = array<i32>} : memref<64x128xf32, #tpu.memory_space<vmem>>, vector<64x128xf32>,
    } else {
    }
    %get3A = arith.constant 0 : index
    %get3A_2 = arith.constant 0 : index
    %get3A_3 = arith.constant 0 : index
    %get3A_4 = vector.load %arg2[%get3A, %get3A_2, %get3A_3] : memref<1x1x1000xi32, #tpu.memory_space<vmem>>, vector<1x1x1000xi32>
    %get3A_5 = vector.shape_cast %get3A_4 : vector<1x1x1000xi32> to vector<1000xi32>
    %broadcast_in_dim3A = vector.shape_cast %get3A_5 : vector<1000xi32> to vector<1000x1xi32>
    %iota3A = tpu.iota {dimensions = array<i32: 1>} : vector<1x64xi32>
    %eq3A_6 = vector.broadcast %broadcast_in_dim3A : vector<1000x1xi32> to vector<1000x64xi32>
    %eq3A_7 = vector.broadcast %iota3A : vector<1x64xi32> to vector<1000x64xi32>
    %eq3A_8 = arith.cmpi eq, %eq3A_6, %eq3A_7 : vector<1000x64xi32>
    %convert_element_type3A_9 = arith.extui %eq3A_8 : vector<1000x64xi1> to vector<1000x64xi32>
    %convert_element_type3A_10 = arith.sitofp %convert_element_type3A_9 : vector<1000x64xi32> to vector<1000x64xf32>
    %get3A_11 = arith.constant 0 : index
    %get3A_12 = arith.constant 0 : index
    %get3A_13 = vector.load %arg3[%get3A_11, %get3A_12] : memref<64x128xf32, #tpu.memory_space<vmem>>, vector<64x128xf32>
    %get3A_14 = arith.constant 0 : index
    %get3A_15 = arith.constant 0 : index
    %get3A_16 = vector.load %arg1[%get3A_14, %get3A_15] : memref<1000x128xf32, #tpu.memory_space<vmem>>, vector<1000x128xf32>
    %dot_general3A = arith.constant dense<0.000000e+00> : vector<64x128xf32>
    %dot_general3A_17 = tpu.matmul %convert_element_type3A_10, %get3A_16, %dot_general3A {dimension_numbers = #tpu.dot_dimension_numbers<[0], [0], [1], [1], [0, 1, 1, 1], [], []>, precision = #tpu.contract_precision<fp32>, transpose_lhs_hint = false} : vector<1000x64xf32>, vector<1000x128xf32>, vector<64x128xf32> -> vector<64x128xf32>
    %add3A = arith.addf %get3A_13, %dot_general3A_17 : vector<64x128xf32>
    %swap3A = arith.constant 0 : index
    %swap3A_18 = arith.constant 0 : index
    %swap3A_19 = vector.load %arg3[%swap3A, %swap3A_18] : memref<64x128xf32, #tpu.memory_space<vmem>>, vector<64x128xf32>
    tpu.vector_store %arg3[%swap3A, %swap3A_18], %add3A {strides = array<i32>} : memref<64x128xf32, #tpu.memory_space<vmem>>, vector<64x128xf32>,
    return
  }
  func.func @transform_0(%arg0: i32) -> (i32, i32) {
    %c0_i32 = arith.constant 0 : i32
    %c0_i32_0 = arith.constant 0 : i32
    return %arg0, %c0_i32 : i32, i32
  }
  func.func @transform_1(%arg0: i32) -> (i32, i32, i32) {
    %c0_i32 = arith.constant 0 : i32
    %c0_i32_0 = arith.constant 0 : i32
    %c0_i32_1 = arith.constant 0 : i32
    return %arg0, %c0_i32, %c0_i32_0 : i32, i32, i32
  }
  func.func @transform_2(%arg0: i32) -> (i32, i32) {
    %c0_i32 = arith.constant 0 : i32
    %c0_i32_0 = arith.constant 0 : i32
    %c0_i32_1 = arith.constant 0 : i32
    return %c0_i32, %c0_i32_0 : i32, i32
  }
}

module attributes {stable_mosaic.version = 14 : i64} {
  func.func @_dec_mm_body(%arg0: memref<64x128xf32, #tpu.memory_space<vmem>>, %arg1: memref<128x128xf32, #tpu.memory_space<vmem>>, %arg2: memref<1x128xf32, #tpu.memory_space<vmem>>, %arg3: memref<64x128xf32, #tpu.memory_space<vmem>>, %arg4: memref<128x128xf32, #tpu.memory_space<vmem>>, %arg5: memref<1x128xf32, #tpu.memory_space<vmem>>, %arg6: memref<64x128xf32, #tpu.memory_space<vmem>>, %arg7: memref<64x128xf32, #tpu.memory_space<vmem>>) attributes {dimension_semantics = [], scalar_prefetch = 0 : i64, scratch_operands = 0 : i64, tpu.core_type = #tpu.core_type<tc>} {
    %get3A = arith.constant 0 : index
    %get3A_0 = arith.constant 0 : index
    %get3A_1 = vector.load %arg0[%get3A, %get3A_0] : memref<64x128xf32, #tpu.memory_space<vmem>>, vector<64x128xf32>
    %get3A_2 = arith.constant 0 : index
    %get3A_3 = arith.constant 0 : index
    %get3A_4 = vector.load %arg1[%get3A_2, %get3A_3] : memref<128x128xf32, #tpu.memory_space<vmem>>, vector<128x128xf32>
    %dot_general3A = arith.constant dense<0.000000e+00> : vector<64x128xf32>
    %dot_general3A_5 = tpu.matmul %get3A_1, %get3A_4, %dot_general3A {dimension_numbers = #tpu.dot_dimension_numbers<[1], [0], [0], [1], [0, 0, 1, 1], [], []>, transpose_lhs_hint = false} : vector<64x128xf32>, vector<128x128xf32>, vector<64x128xf32> -> vector<64x128xf32>
    %get3A_6 = arith.constant 0 : index
    %get3A_7 = arith.constant 0 : index
    %get3A_8 = vector.load %arg2[%get3A_6, %get3A_7] : memref<1x128xf32, #tpu.memory_space<vmem>>, vector<1x128xf32>
    %add3A = vector.broadcast %get3A_8 : vector<1x128xf32> to vector<64x128xf32>
    %add3A_9 = arith.addf %dot_general3A_5, %add3A : vector<64x128xf32>
    %max3A = arith.constant 0.000000e+00 : f32
    %max3A_10 = vector.broadcast %max3A : f32 to vector<64x128xf32>
    %max3A_11 = arith.maximumf %add3A_9, %max3A_10 : vector<64x128xf32>
    %swap3A = arith.constant 0 : index
    %swap3A_12 = arith.constant 0 : index
    %swap3A_13 = vector.load %arg6[%swap3A, %swap3A_12] : memref<64x128xf32, #tpu.memory_space<vmem>>, vector<64x128xf32>
    tpu.vector_store %arg6[%swap3A, %swap3A_12], %max3A_11 {strides = array<i32>} : memref<64x128xf32, #tpu.memory_space<vmem>>, vector<64x128xf32>,
    %get3A_14 = arith.constant 0 : index
    %get3A_15 = arith.constant 0 : index
    %get3A_16 = vector.load %arg3[%get3A_14, %get3A_15] : memref<64x128xf32, #tpu.memory_space<vmem>>, vector<64x128xf32>
    %get3A_17 = arith.constant 0 : index
    %get3A_18 = arith.constant 0 : index
    %get3A_19 = vector.load %arg4[%get3A_17, %get3A_18] : memref<128x128xf32, #tpu.memory_space<vmem>>, vector<128x128xf32>
    %dot_general3A_20 = arith.constant dense<0.000000e+00> : vector<64x128xf32>
    %dot_general3A_21 = tpu.matmul %get3A_16, %get3A_19, %dot_general3A_20 {dimension_numbers = #tpu.dot_dimension_numbers<[1], [0], [0], [1], [0, 0, 1, 1], [], []>, transpose_lhs_hint = false} : vector<64x128xf32>, vector<128x128xf32>, vector<64x128xf32> -> vector<64x128xf32>
    %get3A_22 = arith.constant 0 : index
    %get3A_23 = arith.constant 0 : index
    %get3A_24 = vector.load %arg5[%get3A_22, %get3A_23] : memref<1x128xf32, #tpu.memory_space<vmem>>, vector<1x128xf32>
    %add3A_25 = vector.broadcast %get3A_24 : vector<1x128xf32> to vector<64x128xf32>
    %add3A_26 = arith.addf %dot_general3A_21, %add3A_25 : vector<64x128xf32>
    %max3A_27 = arith.constant 0.000000e+00 : f32
    %max3A_28 = vector.broadcast %max3A_27 : f32 to vector<64x128xf32>
    %max3A_29 = arith.maximumf %add3A_26, %max3A_28 : vector<64x128xf32>
    %swap3A_30 = arith.constant 0 : index
    %swap3A_31 = arith.constant 0 : index
    %swap3A_32 = vector.load %arg7[%swap3A_30, %swap3A_31] : memref<64x128xf32, #tpu.memory_space<vmem>>, vector<64x128xf32>
    tpu.vector_store %arg7[%swap3A_30, %swap3A_31], %max3A_29 {strides = array<i32>} : memref<64x128xf32, #tpu.memory_space<vmem>>, vector<64x128xf32>,
    return
  }
}

module attributes {stable_mosaic.version = 14 : i64} {
  func.func @_dec_mm_body(%arg0: memref<64x128xf32, #tpu.memory_space<vmem>>, %arg1: memref<128x1xf32, #tpu.memory_space<vmem>>, %arg2: memref<1x1xf32, #tpu.memory_space<vmem>>, %arg3: memref<64x128xf32, #tpu.memory_space<vmem>>, %arg4: memref<128x1xf32, #tpu.memory_space<vmem>>, %arg5: memref<1x1xf32, #tpu.memory_space<vmem>>, %arg6: memref<64x1xf32, #tpu.memory_space<vmem>>, %arg7: memref<64x1xf32, #tpu.memory_space<vmem>>) attributes {dimension_semantics = [], scalar_prefetch = 0 : i64, scratch_operands = 0 : i64, tpu.core_type = #tpu.core_type<tc>} {
    %get3A = arith.constant 0 : index
    %get3A_0 = arith.constant 0 : index
    %get3A_1 = vector.load %arg0[%get3A, %get3A_0] : memref<64x128xf32, #tpu.memory_space<vmem>>, vector<64x128xf32>
    %get3A_2 = arith.constant 0 : index
    %get3A_3 = arith.constant 0 : index
    %get3A_4 = vector.load %arg1[%get3A_2, %get3A_3] : memref<128x1xf32, #tpu.memory_space<vmem>>, vector<128x1xf32>
    %dot_general3A = arith.constant dense<0.000000e+00> : vector<64x1xf32>
    %dot_general3A_5 = tpu.matmul %get3A_1, %get3A_4, %dot_general3A {dimension_numbers = #tpu.dot_dimension_numbers<[1], [0], [0], [1], [0, 0, 1, 1], [], []>, transpose_lhs_hint = false} : vector<64x128xf32>, vector<128x1xf32>, vector<64x1xf32> -> vector<64x1xf32>
    %get3A_6 = arith.constant 0 : index
    %get3A_7 = arith.constant 0 : index
    %get3A_8 = vector.load %arg2[%get3A_6, %get3A_7] : memref<1x1xf32, #tpu.memory_space<vmem>>, vector<1x1xf32>
    %add3A = vector.broadcast %get3A_8 : vector<1x1xf32> to vector<64x1xf32>
    %add3A_9 = arith.addf %dot_general3A_5, %add3A : vector<64x1xf32>
    %max3A = arith.constant 0.000000e+00 : f32
    %max3A_10 = vector.broadcast %max3A : f32 to vector<64x1xf32>
    %max3A_11 = arith.maximumf %add3A_9, %max3A_10 : vector<64x1xf32>
    %swap3A = arith.constant 0 : index
    %swap3A_12 = arith.constant 0 : index
    %swap3A_13 = vector.load %arg6[%swap3A, %swap3A_12] : memref<64x1xf32, #tpu.memory_space<vmem>>, vector<64x1xf32>
    tpu.vector_store %arg6[%swap3A, %swap3A_12], %max3A_11 {strides = array<i32>} : memref<64x1xf32, #tpu.memory_space<vmem>>, vector<64x1xf32>,
    %get3A_14 = arith.constant 0 : index
    %get3A_15 = arith.constant 0 : index
    %get3A_16 = vector.load %arg3[%get3A_14, %get3A_15] : memref<64x128xf32, #tpu.memory_space<vmem>>, vector<64x128xf32>
    %get3A_17 = arith.constant 0 : index
    %get3A_18 = arith.constant 0 : index
    %get3A_19 = vector.load %arg4[%get3A_17, %get3A_18] : memref<128x1xf32, #tpu.memory_space<vmem>>, vector<128x1xf32>
    %dot_general3A_20 = arith.constant dense<0.000000e+00> : vector<64x1xf32>
    %dot_general3A_21 = tpu.matmul %get3A_16, %get3A_19, %dot_general3A_20 {dimension_numbers = #tpu.dot_dimension_numbers<[1], [0], [0], [1], [0, 0, 1, 1], [], []>, transpose_lhs_hint = false} : vector<64x128xf32>, vector<128x1xf32>, vector<64x1xf32> -> vector<64x1xf32>
    %get3A_22 = arith.constant 0 : index
    %get3A_23 = arith.constant 0 : index
    %get3A_24 = vector.load %arg5[%get3A_22, %get3A_23] : memref<1x1xf32, #tpu.memory_space<vmem>>, vector<1x1xf32>
    %add3A_25 = vector.broadcast %get3A_24 : vector<1x1xf32> to vector<64x1xf32>
    %add3A_26 = arith.addf %dot_general3A_21, %add3A_25 : vector<64x1xf32>
    %max3A_27 = arith.constant 0.000000e+00 : f32
    %max3A_28 = vector.broadcast %max3A_27 : f32 to vector<64x1xf32>
    %max3A_29 = arith.maximumf %add3A_26, %max3A_28 : vector<64x1xf32>
    %swap3A_30 = arith.constant 0 : index
    %swap3A_31 = arith.constant 0 : index
    %swap3A_32 = vector.load %arg7[%swap3A_30, %swap3A_31] : memref<64x1xf32, #tpu.memory_space<vmem>>, vector<64x1xf32>
    tpu.vector_store %arg7[%swap3A_30, %swap3A_31], %max3A_29 {strides = array<i32>} : memref<64x1xf32, #tpu.memory_space<vmem>>, vector<64x1xf32>,
    return
  }
}

</mosaic_0001>

<sc_bundles>
// kernel: kernel.14.cloned.1.call-start
scs
__scs_entry_jumppad:
0x0: {  	(pc) =	sbr.rel $0x88, $3  }
0x1: {  	(tag) =	ssettag $0x0;
	lr =	simm.s32 $0x1  }
0x2: {  	[smem:$0x3F7B] =	sst lr;
	_ =	strace $0xD0000000  }
0x3: {  	_ = 	snop  }
0x4: {  	_ = 	snop  }
0x5: {  	_ = 	snop  }
0x6: {  	_ = 	snop  }
0x7: {  	_ = 	snop  }
__scs_overlays_trampoline_lowered:
0x8: {  	[smem:$0x3F8A] =	sst s0  }
0x9: {  	[smem:$0x3F8B] =	sst s1  }
0xa: {  	[smem:$0x3F8C] =	sst s2  }
0xb: {  	[smem:$0x3F8D] =	sst s3  }
0xc: {  	[smem:$0x3F8E] =	sst s4  }
0xd: {  	[smem:$0x3F8F] =	sst s5  }
0xe: {  	[smem:$0x3F90] =	sst s6  }
0xf: {  	[smem:$0x3F91] =	sst s7  }
0x10: {  	[smem:$0x3F92] =	sst s8  }
0x11: {  	[smem:$0x3F93] =	sst s9;
	s0 =	simm.s32 @!p0 $0x0  }
0x12: {  	s1 =	sld [smem:$0x3F79];
	s0 =	simm.s32 @p0 $0x1  }
0x13: {  	[smem:$0x3F94] =	sst s0;
	s0 =	simm.s32 @!p1 $0x0  }
0x14: {  	s2 =	sld [smem:$0x3F78];
	s0 =	simm.s32 @p1 $0x1  }
0x15: {  	[smem:$0x3F95] =	sst s0;
	s0 =	simm.s32 @!p2 $0x0  }
0x16: {  	s3 =	sld [smem:$0x3FDB];
	s0 =	simm.s32 @p2 $0x1  }
0x17: {  	s4 =	simm.s32 $0x1BF5;
	[smem:$0x3F97] =	sst s0  }
0x18: {  	s0 =	sld [smem:$0x3F7A];
	_ =	swait.ge [sflag:s4], $0x0  }
0x19: {  	s7 =	sld [smem:$0x3F7B]  }
0x1a: {  	s8 =	sadd.s32 $0xFFFFE003, lr  }
0x1b: {  	s9 =	sadd.s32 $0xFFFFFEF7, lr;
	s5 =	simm.s32 $0xFFFFFFFF;
	p2 =	slt.u32 s8, $0xFFFFF086  }
0x1c: {  	p1 =	slt.u32 s9, $0xF7A;
	s5 =	simm.s32 @!p2 $0x0  }
0x1d: {  	s5 =	simm.s32 @p1 $0x1;
	p0 =	seq.s32 s7, s2  }
0x1e: {  	s7 =	smul.u32 @!p0 $0xF7A, s2;
	p2 =	seq.s32 @!p0 s5, $0x0  }
0x1f: {  	s9 =	smul.u32 $0xF7A, s1;
	s8 =	simm.s32 @!p0 $0x1BF5;
	p2 =	por !p2, p0  }
0x20: {  	[sflag:s8] =	ssyncset.s32 @!p0 $0xFFFFF086;
	s6 =	sadd.s32 @!p0 s3, s7;
	s7 =	simm.s32 @!p0 $0x108  }
0x21: {  	s3 =	sadd.s32 s3, s9;
	s6 =	sadd.s32 @!p0 $0x88, s6;
	s7 =	simm.s32 @p2 $0x1082  }
0x22: {  	[simem:s7], [sflag:s8] =	dma.local @!p0 [hbm:s6], $0xF7A  }
0x23: {  	s9 =	sor.u32 $0xD0000000, s2;
	s6 =	simm.s32 $0x108;
	_ =	swait.ge @!p0 [sflag:s8], $0x0  }
0x24: {  	s3 =	sadd.s32 $0x88, s3;
	s6 =	simm.s32 @!p1 $0x1082;
	[sflag:s4] =	ssyncset.s32 $0xFFFFF086  }
0x25: {  	[simem:s6], [sflag:s4] =	dma.local [hbm:s3], $0xF7A  }
0x26: {  	[smem:$0x3F7B] =	sst s1;
	(tag) =	ssettag s2;
	_ =	strace s9  }
0x27: {  	s1 =	sld [smem:$0x3F8B]  }
0x28: {  	s2 =	sld [smem:$0x3F8C]  }
0x29: {  	s4 =	sld [smem:$0x3F8E]  }
0x2a: {  	p0 =	seq.s32 s5, $0x0;
	s5 =	sld [smem:$0x3F8F]  }
0x2b: {  	s6 =	sld [smem:$0x3F90]  }
0x2c: {  	s7 =	sld [smem:$0x3F91]  }
0x2d: {  	s3 =	simm.s32 $0x108;
	s8 =	sld [smem:$0x3F92]  }
0x2e: {  	s3 =	simm.s32 @!p0 $0x1082;
	s9 =	sld [smem:$0x3F93]  }
0x2f: {  	lr =	sadd.s32 s0, s3;
	s0 =	sld [smem:$0x3F8A]  }
0x30: {  	s3 =	sld [smem:$0x3F8D]  }
0x31: {  	[smem:$0x3F96] =	sst s10  }
0x32: {  	s10 =	sld [smem:$0x3F94];
	_ =	sdelay $0x3  }
0x33: {  	p0 =	seq.s32 s10, $0x1;
	s10 =	sld [smem:$0x3F96];
	_ =	sdelay $0x3  }
0x34: {  	[smem:$0x3F96] =	sst s10  }
0x35: {  	s10 =	sld [smem:$0x3F95];
	_ =	sdelay $0x3  }
0x36: {  	p1 =	seq.s32 s10, $0x1;
	s10 =	sld [smem:$0x3F96];
	_ =	sdelay $0x3  }
0x37: {  	[smem:$0x3F96] =	sst s10  }
0x38: {  	s10 =	sld [smem:$0x3F97]  }
0x39: {  	_ = 	snop;
	(pc) =	sbr.ind lr, $3  }
0x3a: {  	_ = 	snop  }
0x3b: {  	_ = 	snop  }
0x3c: {  	p2 =	seq.s32 s10, $0x1;
	s10 =	sld [smem:$0x3F96]  }
0x3d: {  	_ =	shalt  }
0x3e: {  	_ =	shalt  }
0x3f: {  	_ =	shalt  }
0x40: {  	_ =	shalt  }
0x41: {  	_ =	shalt  }
0x42: {  	_ =	shalt  }
0x43: {  	_ =	shalt  }
0x44: {  	_ =	shalt  }
0x45: {  	_ =	shalt  }
0x46: {  	_ =	shalt  }
0x47: {  	_ =	shalt  }
0x48: {  	_ =	shalt  }
0x49: {  	_ =	shalt  }
0x4a: {  	_ =	shalt  }
0x4b: {  	_ =	shalt  }
0x4c: {  	_ =	shalt  }
0x4d: {  	_ =	shalt  }
0x4e: {  	_ =	shalt  }
0x4f: {  	_ =	shalt  }
0x50: {  	_ =	shalt  }
0x51: {  	_ =	shalt  }
0x52: {  	_ =	shalt  }
0x53: {  	_ =	shalt  }
0x54: {  	_ =	shalt  }
0x55: {  	_ =	shalt  }
0x56: {  	_ =	shalt  }
0x57: {  	_ =	shalt  }
0x58: {  	_ =	shalt  }
0x59: {  	_ =	shalt  }
0x5a: {  	_ =	shalt  }
0x5b: {  	_ =	shalt  }
0x5c: {  	_ =	shalt  }
0x5d: {  	_ =	shalt  }
0x5e: {  	_ =	shalt  }
0x5f: {  	_ =	shalt  }
0x60: {  	_ =	shalt  }
0x61: {  	_ =	shalt  }
0x62: {  	_ =	shalt  }
0x63: {  	_ =	shalt  }
0x64: {  	_ =	shalt  }
0x65: {  	_ =	shalt  }
0x66: {  	_ =	shalt  }
0x67: {  	_ =	shalt  }
0x68: {  	_ =	shalt  }
0x69: {  	_ =	shalt  }
0x6a: {  	_ =	shalt  }
0x6b: {  	_ =	shalt  }
0x6c: {  	_ =	shalt  }
0x6d: {  	_ =	shalt  }
0x6e: {  	_ =	shalt  }
0x6f: {  	_ =	shalt  }
0x70: {  	_ =	shalt  }
0x71: {  	_ =	shalt  }
0x72: {  	_ =	shalt  }
0x73: {  	_ =	shalt  }
0x74: {  	_ =	shalt  }
0x75: {  	_ =	shalt  }
0x76: {  	_ =	shalt  }
0x77: {  	_ =	shalt  }
0x78: {  	_ =	shalt  }
0x79: {  	_ =	shalt  }
0x7a: {  	_ =	shalt  }
0x7b: {  	_ =	shalt  }
0x7c: {  	_ =	shalt  }
0x7d: {  	_ =	shalt  }
0x7e: {  	_ =	shalt  }
0x7f: {  	_ =	shalt  }
0x80: {  	_ =	shalt  }
0x81: {  	_ =	shalt  }
0x82: {  	_ =	shalt  }
0x83: {  	_ =	shalt  }
0x84: {  	_ =	shalt  }
0x85: {  	_ =	shalt  }
0x86: {  	_ =	shalt  }
0x87: {  	_ =	shalt  }
.Lfunc_end0:
.L_simem_size_0:
called_computation_lowered:
.L_overlay_start_0:
0x88: {  	s2 =	sld [smem:$0x3FD9]  }
0x89: {  	s3 =	sld [smem:$0x3FFE];
	_ =	sdelay $0x1  }
0x8a: {  	s1 =	srdreg.scid  }
0x8b: {  	s0 =	sand.u32 $0x1, s1  }
0x8c: {  	s17 =	sshll.u32 s0, $0xA;
	s2 =	sadd.s32 s3, s2  }
0x8d: {  	s2 =	sadd.s32 s2, s17  }
0x8e: {  	[smem:$0x3FA2] =	sst s2  }
0x8f: {  	_ = 	snop  }
0x90: {  	(tm) =	ssettm $0x1  }
0x91: {  	s18 =	sld [smem:$0x3FFB];
	_ =	sdelay $0x3  }
0x92: {  	_ =	strace s18  }
0x93: {  	s2 =	sld [smem:$0x3FFC];
	_ =	sdelay $0x3  }
0x94: {  	_ =	strace s2  }
0x95: {  	s2 =	sld [smem:$0x3FFD];
	_ =	sdelay $0x3  }
0x96: {  	_ =	strace s2  }
0x97: {  	_ =	strace $0x8FFFFFFF  }
0x98: {  	s19 =	sld [smem:$0x3FDB];
	_ =	sdelay $0x1  }
0x99: {  	s20 =	simm.s32 $_scs_section_size  }
0x9a: {  	s4 =	simm.s32 $_size__tile_overlayer_lowered;
	s5 =	simm.s32 $_tile_overlayer_lowered  }
0x9b: {  	s6 =	simm.s32 $0x1BFF;
	s21 =	sshll.u32 s5, $0x1;
	s3 =	sadd.s32 s20, s19  }
0x9c: {  	s22 =	simm.s32 $0x0;
	s4 =	sshll.u32 s4, $0x1;
	s5 =	sadd.s32 s21, s3  }
0x9d: {  	[timem:s22], [sflag:s6] =	dma.local [hbm:s5], s4  }
0x9e: {  	_ =	swait.ge [sflag:s6], s4  }
0x9f: {  	s4 =	ssub.s32 $0x0, s4;
	[sflag:s6] =	ssyncset.done $0x0  }
0xa0: {  	[sflag:s6] =	ssyncadd.s32 s4;
	_ =	sdelay $0x1  }
0xa1: {  	s23 =	simm.s32 $0x1B8B  }
0xa2: {  	_ =	swait.ge [sflag:s23], $0x1  }
0xa3: {  	[sflag:s23] =	ssyncset.done $0x0  }
0xa4: {  	[sflag:s23] =	ssyncadd.s32 $0xFFFFFFFF  }
0xa5: {  	s4 =	sld [smem:$0x0]  }
0xa6: {  	s5 =	sand.u32 $0xFFFFFFFE, s1  }
0xa7: {  	p0 =	sne.s32 s1, s5  }
0xa8: {  	s5 =	sshll.u32 @p0 s5, $0xE  }
0xa9: {  	s5 =	sadd.s32 @p0 $0x11B8D, s5;
	s6 =	sshll.u32 @p0 s4, $0x11  }
0xaa: {  	s5 =	sor.u32 @p0 s6, s5  }
0xab: {  	[sflag:s5] =	ssyncadd.remote.s32 @p0 $0x1;
	_ =	sdelay $0x1  }
0xac: {  	s5 =	simm.s32 @p0 $0x1B8D  }
0xad: {  	_ =	swait.eq @p0 [sflag:s5], $0x1  }
0xae: {  	[sflag:s5] =	ssyncadd.s32 @p0 $0xFFFFFFFF  }
0xaf: {  	s6 =	sshll.u32 @!p0 s1, $0xE  }
0xb0: {  	s6 =	sor.u32 @!p0 $0x4000, s6;
	s5 =	simm.s32 @!p0 $0x1B8D  }
0xb1: {  	s4 =	sshll.u32 @!p0 s4, $0x11;
	s6 =	sadd.s32 @!p0 $0x11B8D, s6;
	_ =	swait.eq @!p0 [sflag:s5], $0x1  }
0xb2: {  	s4 =	sor.u32 @!p0 s4, s6;
	[sflag:s5] =	ssyncadd.s32 @!p0 $0xFFFFFFFF  }
0xb3: {  	s25 =	simm.s32 $0x1B8E;
	s24 =	sld [smem:$0x3FFE];
	[sflag:s4] =	ssyncadd.remote.s32 @!p0 $0x1  }
0xb4: {  	s26 =	simm.s32 $execute0_lowered;
	[smem:$0x3FD2] =	sst s25  }
0xb5: {  	s5 =	sshll.u32 s26, $0x1;
	_ =	strace $0x80000049;
	[dreg:$0x1] =	wrdreg $0xFFFFFFFF  }
0xb6: {  	s28 =	simm.s32 $_size_execute0_lowered;
	s3 =	sadd.s32 s3, s5;
	[dreg:$0x0] =	wrdreg $0x0  }
0xb7: {  	s5 =	sshll.u32 s28, $0x1;
	[dreg:$0x2] =	wrdreg s3  }
0xb8: {  	[dreg:$0x3] =	wrdreg s5  }
0xb9: {  	[dreg:$0x4] =	wrdreg $0xC0  }
0xba: {  	_ =	task [dreg:s22], $0x5FFFF  }
0xbb: {  	[dreg:$0x1] =	wrdreg $0xFFFFFFFF  }
0xbc: {  	[dreg:$0x0] =	wrdreg $0x60  }
0xbd: {  	[dreg:$0x2] =	wrdreg s24  }
0xbe: {  	[dreg:$0x3] =	wrdreg $0x41800  }
0xbf: {  	[dreg:$0x4] =	wrdreg $0x9  }
0xc0: {  	_ =	task.clear_ibuf [dreg:s22], $0x5FFFF;
	_ =	strace $0x90000049  }
0xc1: {  	s29 =	simm.s32 $0x9;
	_ =	strace $0x8000004B  }
0xc2: {  	_ =	swait.ge [sflag:s29], $0x1  }
0xc3: {  	[sflag:s29] =	ssyncadd.s32 $0xFFFFFFFF  }
0xc4: {  	_ =	strace $0x9000004B  }
0xc5: {  	_ =	sfence  }
0xc6: {  	s30 =	sld [smem:$0x0];
	_ =	sdelay $0x2  }
0xc7: {  	s31 =	sshll.u32 s1, $0xD;
	s1 =	sshrl.u32 s1, $0x2  }
0xc8: {  	s4 =	sand.u32 $0x4000, s31;
	s1 =	sadd.s32 s1, s30  }
0xc9: {  	s0 =	sor.u32 s4, s0;
	s1 =	sshll.u32 s1, $0x11  }
0xca: {  	s0 =	sor.u32 s1, s0  }
0xcb: {  	s0 =	sadd.s32 $0x8F2B, s0  }
0xcc: {  	[sflag:s0] =	ssyncadd.remote.s32 $0x1  }
0xcd: {  	_ =	sfence.sel $0xFFFF  }
0xce: {  	[dreg:$0x0] =	wrdreg $0xFFFFFFFF;
	(pc) =	sbr.abs _section_cstart, $3  }
0xcf: {  	[dreg:$0x1] =	wrdreg $0xFFFFFFFF  }
0xd0: {  	_ =	task.clear_ibuf [dreg:s22], $0x2FFFF;
	_ =	strace $0x9FFFFFFF  }
0xd1: {  	(tm) =	ssettm $0x7FFFFFFF  }
tec
execute0_lowered:
.L_overlay_start_1:
0x0: {  	(tag) =	ssettag $0x1  }
0x1: {  	s5 =	rddreg [dreg:$0x0]  }
0x2: {  	s1 =	rddreg [dreg:$0x1]  }
0x3: {  	s0 =	rddreg [dreg:$0x2];
	s2 =	simm.s32 $0x0;
	s3 =	srdreg.scid  }
0x4: {  	s17 =	simm.s32 $0x40;
	s18 =	simm.s32 $0x100;
	s19 =	simm.s32 $0x80  }
0x5: {  	s20 =	simm.s32 $0x1;
	s7 =	sand.u32 $0x1, s3;
	s3 =	stileid.u32  }
0x6: {  	s21 =	simm.s32 $0x2;
	s22 =	simm.s32 $0x2100;
	s9 =	smul.u32 $0x4E000, s3  }
0x7: {  	[smem:$0x7FF] =	sst s2;
	s4 =	sadd.s32 $0x3400, s5;
	s12 =	smul.u32 $0x138800, s7  }
0x8: {  	s14 =	sadd.s32 $0x8C400, s5;
	_ =	strace $0x8000004A;
	s13 =	smul.u32 $0x27100, s7  }
0x9: {  	s6 =	sshll.u32 s7, $0x4;
	s8 =	ssub.s32 $0x2, s7;
	s28 =	smul.u32 $0x2710, s3  }
0xa: {  	s15 =	smul.u32 $0x13800, s3;
	s6 =	sor.u32 s3, s6;
	s23 =	sshrl.u32 s8, $0x1  }
0xb: {  	p0 =	sne.s32 s3, $0xF;
	s10 =	smul.u32 $0x2710, s6;
	s11 =	ssub.s32 s8, s23  }
0xc: {  	s24 =	sshrl.u32 s9, $0x2;
	s6 =	sadd.s32 $0x138000, s1;
	s26 =	sshrl.u32 s12, $0x3  }
0xd: {  	s13 =	sadd.s32 s28, s13;
	s12 =	sadd.s32 s15, s12;
	s15 =	simm.s32 $0x2180  }
0xe: {  	s23 =	simm.s32 $0x10;
	s5 =	sadd.s32 s24, s1;
	s29 =	sadd.s32 s14, s26  }
0xf: {  	s16 =	sadd.s32 $0x40, s13;
	s31 =	sshrl.u32 s12, $0x3;
	s12 =	sadd.s32 $0x80, s13  }
0x10: {  	s24 =	simm.s32 $0x2980;
	s25 =	sshrl.u32 s10, $0x3;
	s9 =	sadd.s32 $0x27000, s29  }
0x11: {  	s10 =	smax.u32 s11, $0x1;
	s30 =	sshrl.u32 s16, $0x3;
	s14 =	sadd.s32 s31, s14  }
0x12: {  	s16 =	simm.s32 $0x3;
	s7 =	sadd.s32 s4, s25;
	s13 =	sadd.s32 s30, s4  }
0x13: {  	v0 =	vimm.f32 $0.0e+00;
	v1 =	vimm.f32 $1.000000000e+00;
	s25 =	simm.s32 $0x0;
	s8 =	sadd.s32 $0x4E0, s7;
	s11 =	sadd.s32 $0x4D8, s7  }
.LBB2_1:
0x14: {  	s26 =	simm.s32 $0x0;
	s28 =	simm.s32 $0x200  }
.LBB2_2:
0x15: {  	p1 =	sne.s32 s28, $0x1E00;
	[tilespmem:s26+$0x21F0] =	vst v0  }
0x16: {  	[tilespmem:s26+$0x2180] =	vst v0  }
0x17: {  	[tilespmem:s26+$0x2190] =	vst v0  }
.Ltmp0:
0x18: {  	[tilespmem:s26+$0x21A0] =	vst v0;
	(pc) =	sbr.rel @p1 .LBB2_2-.Ltmp0, $4  }
0x19: {  	[tilespmem:s26+$0x21B0] =	vst v0  }
0x1a: {  	[tilespmem:s26+$0x21C0] =	vst v0  }
0x1b: {  	[tilespmem:s26+$0x21D0] =	vst v0  }
0x1c: {  	[tilespmem:s26+$0x21E0] =	vst v0;
	s26 =	sshra.s32 s28, $0x2;
	s28 =	sadd.s32 $0x200, s28  }
0x1d: {  	[tilespmem:s26+$0x21F0] =	vst v0  }
0x1e: {  	[tilespmem:s26+$0x2180] =	vst v0  }
0x1f: {  	[tilespmem:s26+$0x2190] =	vst v0  }
0x20: {  	[tilespmem:s26+$0x21A0] =	vst v0  }
0x21: {  	[tilespmem:s26+$0x21B0] =	vst v0  }
0x22: {  	[tilespmem:s26+$0x21C0] =	vst v0  }
0x23: {  	[tilespmem:s26+$0x21D0] =	vst v0  }
0x24: {  	[tilespmem:s26+$0x21E0] =	vst v0;
	s26 =	simm.s32 $0x0;
	s28 =	simm.s32 $0x200  }
.LBB2_4:
0x25: {  	p1 =	sne.s32 s28, $0x7E00;
	[tilespmem:s26+$0x170] =	vst v1  }
0x26: {  	[tilespmem:s26+$0x100] =	vst v1  }
0x27: {  	[tilespmem:s26+$0x110] =	vst v1  }
.Ltmp1:
0x28: {  	[tilespmem:s26+$0x120] =	vst v1;
	(pc) =	sbr.rel @p1 .LBB2_4-.Ltmp1, $4  }
0x29: {  	[tilespmem:s26+$0x130] =	vst v1  }
0x2a: {  	[tilespmem:s26+$0x140] =	vst v1  }
0x2b: {  	[tilespmem:s26+$0x150] =	vst v1  }
0x2c: {  	[tilespmem:s26+$0x160] =	vst v1;
	s26 =	sshra.s32 s28, $0x2;
	s28 =	sadd.s32 $0x200, s28  }
0x2d: {  	[tilespmem:s26+$0x170] =	vst v1  }
0x2e: {  	[tilespmem:s26+$0x100] =	vst v1  }
0x2f: {  	[tilespmem:s26+$0x110] =	vst v1  }
0x30: {  	[tilespmem:s26+$0x120] =	vst v1  }
0x31: {  	[tilespmem:s26+$0x130] =	vst v1  }
0x32: {  	[tilespmem:s26+$0x140] =	vst v1  }
0x33: {  	[tilespmem:s26+$0x150] =	vst v1  }
0x34: {  	[tilespmem:s26+$0x160] =	vst v1;
	s31 =	sadd.s32 $0x0, s5  }
0x35: {  	[spmem:s31] =	stream.linear.scatter [tilespmem:s15], [sflag:$0x3], $0x800, $0x38;
	[tilespmem:$0x17A00] =	vst v63  }
0x36: {  	s26 =	simm.s32 $0x2000;
	_ =	swait.ge [sflag:s16], $0x800  }
.LBB2_6:
0x37: {  	s28 =	sshra.s32 s26, $0x2;
	[sflag:s16] =	ssyncset.done $0x0;
	p1 =	sne.s32 s26, $0x4C000  }
.Ltmp2:
0x38: {  	s28 =	sadd.s32 s28, s5;
	[sflag:s16] =	ssyncadd.s32 $0xFFFFF800;
	(pc) =	sbr.rel @p1 .LBB2_6-.Ltmp2, $3  }
0x39: {  	[spmem:s28] =	stream.linear.scatter [tilespmem:s15], [sflag:$0x3], $0x800, $0x38;
	[tilespmem:$0x17A00] =	vst v63  }
0x3a: {  	s26 =	sadd.s32 $0x2000, s26;
	_ =	sdelay $0x1  }
0x3b: {  	_ =	swait.ge [sflag:s16], $0x800  }
0x3c: {  	[sflag:s16] =	ssyncset.done $0x0  }
0x3d: {  	s26 =	simm.s32 @!p0 $0x2180;
	[sflag:s16] =	ssyncadd.s32 $0xFFFFF800  }
0x3e: {  	[spmem:s6] =	stream.linear.scatter @!p0 [tilespmem:s26], [sflag:$0x3], $0x800, $0x38;
	[tilespmem:$0x17A00] =	vst v63  }
0x3f: {  	s26 =	simm.s32 @!p0 $0x3  }
0x40: {  	_ =	swait.ge @!p0 [sflag:s26], $0x800  }
0x41: {  	[sflag:s26] =	ssyncset.done @!p0 $0x0  }
0x42: {  	[sflag:s26] =	ssyncadd.s32 @!p0 $0xFFFFF800  }
0x43: {  	s31 =	simm.s32 $0x0;
	[bflag:$0x0] =	sbarrier.arrive $0xFFFF  }
0x44: {  	[tilespmem:s31], [sflag:$0x3] =	stream.linear.gather [hbm4b:s7+s31], $0x40, $0x38;
	[tilespmem:$0x17A00] =	vst v63  }
0x45: {  	_ =	swait.ge [sflag:s16], $0x40  }
0x46: {  	[sflag:s16] =	ssyncset.done $0x0  }
0x47: {  	[sflag:s16] =	ssyncadd.s32 $0xFFFFFFC0  }
0x48: {  	[spmem:s1] =	stream.indirect.scatter.add.f32 [tilespmem:s18], [sflag:$0x1], $0x80, s31, s17, $0xb8;
	[tilespmem:$0x17A00] =	vst v63  }
0x49: {  	s30 =	sadd.s32 $0x0, s13  }
0x4a: {  	[tilespmem:s19], [sflag:$0x3] =	stream.linear.gather [hbm4b:s30+s2], $0x40, $0x38;
	[tilespmem:$0x17A00] =	vst v63  }
0x4b: {  	_ =	swait.ge [sflag:s16], $0x40  }
0x4c: {  	[sflag:s16] =	ssyncset.done $0x0  }
0x4d: {  	[sflag:s16] =	ssyncadd.s32 $0xFFFFFFC0  }
0x4e: {  	[spmem:s1] =	stream.indirect.scatter.add.f32 [tilespmem:s18], [sflag:$0x2], $0x80, s19, s17, $0xb8;
	[tilespmem:$0x17A00] =	vst v63  }
0x4f: {  	_ =	swait.ge [sflag:s20], $0x2000  }
0x50: {  	s31 =	sshrl.u32 s12, $0x3;
	[sflag:s20] =	ssyncset.done $0x0  }
0x51: {  	s26 =	sadd.s32 s4, s31;
	[sflag:s20] =	ssyncadd.s32 $0xFFFFE000  }
0x52: {  	[tilespmem:s2], [sflag:$0x3] =	stream.linear.gather [hbm4b:s26+s2], $0x40, $0x38;
	[tilespmem:$0x17A00] =	vst v63  }
0x53: {  	_ =	swait.ge [sflag:s16], $0x40  }
0x54: {  	[sflag:s16] =	ssyncset.done $0x0  }
0x55: {  	[sflag:s16] =	ssyncadd.s32 $0xFFFFFFC0  }
0x56: {  	[spmem:s1] =	stream.indirect.scatter.add.f32 [tilespmem:s18], [sflag:$0x1], $0x80, s2, s17, $0xb8;
	[tilespmem:$0x17A00] =	vst v63  }
0x57: {  	s28 =	simm.s32 $0x10;
	_ =	swait.ge [sflag:s21], $0x2000  }
0x58: {  	s29 =	simm.s32 $0x20;
	s26 =	sadd.s32 $0x80, s12;
	[sflag:s21] =	ssyncset.done $0x0  }
.LBB2_8:
0x59: {  	s30 =	sadd.s32 s28, s13  }
0x5a: {  	[sflag:s21] =	ssyncadd.s32 $0xFFFFE000;
	s28 =	smov.u32 s29;
	s31 =	sadd.s32 $0x10, s29  }
0x5b: {  	[tilespmem:s19], [sflag:$0x3] =	stream.linear.gather [hbm4b:s30+s2], $0x40, $0x38;
	[tilespmem:$0x17A00] =	vst v63  }
0x5c: {  	p1 =	sne.s32 s29, $0x4C0;
	_ =	swait.ge [sflag:s16], $0x40  }
0x5d: {  	[sflag:s16] =	ssyncset.done $0x0  }
0x5e: {  	[sflag:s16] =	ssyncadd.s32 $0xFFFFFFC0  }
0x5f: {  	[spmem:s1] =	stream.indirect.scatter.add.f32 [tilespmem:s18], [sflag:$0x2], $0x80, s19, s17, $0xb8;
	[tilespmem:$0x17A00] =	vst v63  }
0x60: {  	_ =	swait.ge [sflag:s20], $0x2000  }
0x61: {  	s29 =	sshrl.u32 s26, $0x3;
	[sflag:s20] =	ssyncset.done $0x0  }
0x62: {  	s29 =	sadd.s32 s4, s29;
	[sflag:s20] =	ssyncadd.s32 $0xFFFFE000  }
0x63: {  	[tilespmem:s2], [sflag:$0x3] =	stream.linear.gather [hbm4b:s29+s2], $0x40, $0x38;
	[tilespmem:$0x17A00] =	vst v63  }
0x64: {  	_ =	swait.ge [sflag:s16], $0x40  }
.Ltmp3:
0x65: {  	[sflag:s16] =	ssyncset.done $0x0;
	(pc) =	sbr.rel @p1 .LBB2_8-.Ltmp3, $4  }
0x66: {  	[sflag:s16] =	ssyncadd.s32 $0xFFFFFFC0  }
0x67: {  	[spmem:s1] =	stream.indirect.scatter.add.f32 [tilespmem:s18], [sflag:$0x1], $0x80, s2, s17, $0xb8;
	[tilespmem:$0x17A00] =	vst v63  }
0x68: {  	_ =	swait.ge [sflag:s21], $0x2000  }
0x69: {  	s26 =	sadd.s32 $0x80, s26;
	s29 =	smov.u32 s31;
	[sflag:s21] =	ssyncset.done $0x0  }
0x6a: {  	s28 =	sadd.s32 s28, s13;
	[sflag:s21] =	ssyncadd.s32 $0xFFFFE000  }
0x6b: {  	[tilespmem:s19], [sflag:$0x3] =	stream.linear.gather [hbm4b:s28+s2], $0x40, $0x38;
	[tilespmem:$0x17A00] =	vst v63  }
0x6c: {  	_ =	swait.ge [sflag:s16], $0x40  }
0x6d: {  	[sflag:s16] =	ssyncset.done $0x0  }
0x6e: {  	[sflag:s16] =	ssyncadd.s32 $0xFFFFFFC0  }
0x6f: {  	[spmem:s1] =	stream.indirect.scatter.add.f32 [tilespmem:s18], [sflag:$0x2], $0x80, s19, s17, $0xb8;
	[tilespmem:$0x17A00] =	vst v63  }
0x70: {  	_ =	swait.ge [sflag:s20], $0x2000  }
0x71: {  	s26 =	sshrl.u32 s26, $0x3;
	[sflag:s20] =	ssyncset.done $0x0  }
0x72: {  	s26 =	sadd.s32 s4, s26;
	[sflag:s20] =	ssyncadd.s32 $0xFFFFE000  }
0x73: {  	[tilespmem:s2], [sflag:$0x3] =	stream.linear.gather [hbm4b:s26+s2], $0x40, $0x38;
	[tilespmem:$0x17A00] =	vst v63  }
0x74: {  	_ =	swait.ge [sflag:s16], $0x40  }
0x75: {  	[sflag:s16] =	ssyncset.done $0x0  }
0x76: {  	[sflag:s16] =	ssyncadd.s32 $0xFFFFFFC0  }
0x77: {  	[spmem:s1] =	stream.indirect.scatter.add.f32 [tilespmem:s18], [sflag:$0x1], $0x80, s2, s17, $0xb8;
	[tilespmem:$0x17A00] =	vst v63  }
0x78: {  	_ =	swait.ge [sflag:s21], $0x2000  }
0x79: {  	[sflag:s21] =	ssyncset.done $0x0  }
0x7a: {  	s30 =	simm.s32 $0x0;
	[sflag:s21] =	ssyncadd.s32 $0xFFFFE000  }
0x7b: {  	[tilespmem:s19], [sflag:$0x3] =	stream.linear.gather [hbm4b:s11+s30], $0x40, $0x38;
	[tilespmem:$0x17A00] =	vst v63  }
0x7c: {  	_ =	swait.ge [sflag:s16], $0x40  }
0x7d: {  	[sflag:s16] =	ssyncset.done $0x0  }
0x7e: {  	[sflag:s16] =	ssyncadd.s32 $0xFFFFFFC0  }
0x7f: {  	[spmem:s1] =	stream.indirect.scatter.add.f32 [tilespmem:s18], [sflag:$0x2], $0x80, s19, s17, $0xb8;
	[tilespmem:$0x17A00] =	vst v63  }
0x80: {  	_ =	swait.ge [sflag:s20], $0x2000  }
0x81: {  	[sflag:s20] =	ssyncset.done $0x0  }
0x82: {  	[sflag:s20] =	ssyncadd.s32 $0xFFFFE000  }
0x83: {  	_ =	swait.ge [sflag:s21], $0x2000  }
0x84: {  	[sflag:s21] =	ssyncset.done $0x0  }
0x85: {  	[sflag:s21] =	ssyncadd.s32 $0xFFFFE000  }
0x86: {  	[tilespmem:s22], [sflag:$0x3] =	stream.linear.gather [hbm4b:s8+s30], $0x10, $0x38;
	[tilespmem:$0x17A00] =	vst v63  }
0x87: {  	_ =	swait.ge [sflag:s16], $0x10  }
0x88: {  	[sflag:s16] =	ssyncset.done $0x0  }
0x89: {  	[sflag:s16] =	ssyncadd.s32 $0xFFFFFFF0  }
0x8a: {  	[spmem:s1] =	stream.indirect.scatter.add.f32 [tilespmem:s18], [sflag:$0x3], $0x80, s22, s23, $0xb8;
	[tilespmem:$0x17A00] =	vst v63  }
0x8b: {  	_ =	swait.ge [sflag:s16], $0x800  }
0x8c: {  	[sflag:s16] =	ssyncset.done $0x0  }
0x8d: {  	[sflag:s16] =	ssyncadd.s32 $0xFFFFF800  }
0x8e: {  	[bflag:$0x0] =	sbarrier.arrive $0xFFFF  }
0x8f: {  	[tilespmem:s24], [sflag:$0x3] =	stream.linear.gather [spmem:s5], $0x1800, $0x38;
	[tilespmem:$0x17A00] =	vst v63  }
0x90: {  	_ =	swait.ge [sflag:s16], $0x1800  }
0x91: {  	[sflag:s16] =	ssyncset.done $0x0  }
0x92: {  	s31 =	sadd.s32 $0x0, s14;
	[sflag:s16] =	ssyncadd.s32 $0xFFFFE800  }
0x93: {  	[hbm4b:s31+s2] =	stream.linear.scatter [tilespmem:s24], [sflag:$0x3], $0x1800, $0x38;
	[tilespmem:$0x17A00] =	vst v63  }
0x94: {  	_ =	swait.ge [sflag:s16], $0x1800  }
0x95: {  	s28 =	smov.u32 s5;
	s26 =	simm.s32 $0x300;
	[sflag:s16] =	ssyncset.done $0x0  }
.LBB2_10:
0x96: {  	p1 =	sne.s32 s26, $0x2400;
	[sflag:s16] =	ssyncadd.s32 $0xFFFFE800;
	s28 =	sadd.s32 $0x1800, s28  }
0x97: {  	[tilespmem:s24], [sflag:$0x3] =	stream.linear.gather [spmem:s28], $0x1800, $0x38;
	[tilespmem:$0x17A00] =	vst v63  }
0x98: {  	s29 =	smov.u32 s26;
	s26 =	sadd.s32 $0x300, s26;
	_ =	swait.ge [sflag:s16], $0x1800  }
.Ltmp4:
0x99: {  	[sflag:s16] =	ssyncset.done $0x0;
	(pc) =	sbr.rel @p1 .LBB2_10-.Ltmp4, $4  }
0x9a: {  	s29 =	sadd.s32 s29, s14;
	[sflag:s16] =	ssyncadd.s32 $0xFFFFE800  }
0x9b: {  	[hbm4b:s29+s2] =	stream.linear.scatter [tilespmem:s24], [sflag:$0x3], $0x1800, $0x38;
	[tilespmem:$0x17A00] =	vst v63  }
0x9c: {  	_ =	swait.ge [sflag:s16], $0x1800  }
0x9d: {  	[sflag:s16] =	ssyncset.done $0x0  }
0x9e: {  	[sflag:s16] =	ssyncadd.s32 $0xFFFFE800;
	s26 =	simm.s32 @!p0 $0x2180;
	s28 =	simm.s32 @!p0 $0x3  }
0x9f: {  	[tilespmem:s26], [sflag:$0x3] =	stream.linear.gather @!p0 [spmem:s6], $0x800, $0x38;
	[tilespmem:$0x17A00] =	vst v63  }
0xa0: {  	s25 =	sadd.s32 $0x1, s25;
	_ =	swait.ge @!p0 [sflag:s28], $0x800  }
0xa1: {  	p1 =	sne.s32 s25, s10;
	[sflag:s28] =	ssyncset.done @!p0 $0x0  }
.Ltmp5:
0xa2: {  	s29 =	simm.s32 @!p0 $0x0;
	[sflag:s28] =	ssyncadd.s32 @!p0 $0xFFFFF800;
	(pc) =	sbr.rel @p1 .LBB2_1-.Ltmp5, $4  }
0xa3: {  	[hbm4b:s9+s29] =	stream.linear.scatter @!p0 [tilespmem:s26], [sflag:$0x3], $0x800, $0x38;
	[tilespmem:$0x17A00] =	vst v63  }
0xa4: {  	_ =	swait.ge @!p0 [sflag:s28], $0x800  }
0xa5: {  	[sflag:s28] =	ssyncset.done @!p0 $0x0  }
0xa6: {  	[sflag:s28] =	ssyncadd.s32 @!p0 $0xFFFFF800  }
0xa7: {  	_ =	sfence.sel $0x180000  }
0xa8: {  	[bflag:$0x0] =	sbarrier.arrive $0xFFFF  }
0xa9: {  	p0 =	sne.s32 s3, $0x0;
	_ =	strace $0x9000004A  }
0xaa: {  	s0 =	sadd.s32 @!p0 $0x100000, s0;
	[bflag:$0x2] =	sbarrier.arrive $0xFFFF  }
0xab: {  	[sflag:s0] =	ssyncadd.tile.s32 @!p0 $0x1;
	_ =	shalt  }
.Lfunc_end2:
_tile_overlayer_lowered:
.L_overlay_start_2:
0xac: {  	(tag) =	ssettag $0x2  }
0xad: {  	s0 =	rddreg [dreg:$0x0];
	s2 =	stileid.u32  }
0xae: {  	s1 =	rddreg [dreg:$0x1];
	p0 =	sne.s32 s2, $0x0  }
0xaf: {  	s3 =	rddreg [dreg:$0x2];
	[bflag:$0x3] =	sbarrier.arrive $0xFFFF;
	s2 =	simm.s32 @!p0 $0x1C03  }
0xb0: {  	[timem:s3], [sflag:s2] =	dma.local @!p0 [hbm:s0], s1  }
0xb1: {  	s0 =	simm.s32 @!p0 $0x3  }
0xb2: {  	_ =	swait.ge @!p0 [sflag:s0], s1  }
0xb3: {  	s1 =	ssub.s32 @!p0 $0x0, s1;
	[sflag:s0] =	ssyncset.done @!p0 $0x0  }
0xb4: {  	[sflag:s0] =	ssyncadd.s32 @!p0 s1  }
0xb5: {  	[bflag:$0x3] =	sbarrier.arrive $0xFFFF  }
0xb6: {  	_ =	shalt  }

// kernel: kernel.17.cloned.1.call-start
scs
__scs_entry_jumppad:
0x0: {  	(pc) =	sbr.rel $0x88, $3  }
0x1: {  	(tag) =	ssettag $0x0;
	lr =	simm.s32 $0x1  }
0x2: {  	[smem:$0x3F7B] =	sst lr;
	_ =	strace $0xD0000000  }
0x3: {  	_ = 	snop  }
0x4: {  	_ = 	snop  }
0x5: {  	_ = 	snop  }
0x6: {  	_ = 	snop  }
0x7: {  	_ = 	snop  }
__scs_overlays_trampoline_lowered:
0x8: {  	[smem:$0x3F8A] =	sst s0  }
0x9: {  	[smem:$0x3F8B] =	sst s1  }
0xa: {  	[smem:$0x3F8C] =	sst s2  }
0xb: {  	[smem:$0x3F8D] =	sst s3  }
0xc: {  	[smem:$0x3F8E] =	sst s4  }
0xd: {  	[smem:$0x3F8F] =	sst s5  }
0xe: {  	[smem:$0x3F90] =	sst s6  }
0xf: {  	[smem:$0x3F91] =	sst s7  }
0x10: {  	[smem:$0x3F92] =	sst s8  }
0x11: {  	[smem:$0x3F93] =	sst s9;
	s0 =	simm.s32 @!p0 $0x0  }
0x12: {  	s1 =	sld [smem:$0x3F79];
	s0 =	simm.s32 @p0 $0x1  }
0x13: {  	[smem:$0x3F94] =	sst s0;
	s0 =	simm.s32 @!p1 $0x0  }
0x14: {  	s2 =	sld [smem:$0x3F78];
	s0 =	simm.s32 @p1 $0x1  }
0x15: {  	[smem:$0x3F95] =	sst s0;
	s0 =	simm.s32 @!p2 $0x0  }
0x16: {  	s3 =	sld [smem:$0x3FDB];
	s0 =	simm.s32 @p2 $0x1  }
0x17: {  	s4 =	simm.s32 $0x1BF5;
	[smem:$0x3F97] =	sst s0  }
0x18: {  	s0 =	sld [smem:$0x3F7A];
	_ =	swait.ge [sflag:s4], $0x0  }
0x19: {  	s7 =	sld [smem:$0x3F7B]  }
0x1a: {  	s8 =	sadd.s32 $0xFFFFE003, lr  }
0x1b: {  	s9 =	sadd.s32 $0xFFFFFEF7, lr;
	s5 =	simm.s32 $0xFFFFFFFF;
	p2 =	slt.u32 s8, $0xFFFFF086  }
0x1c: {  	p1 =	slt.u32 s9, $0xF7A;
	s5 =	simm.s32 @!p2 $0x0  }
0x1d: {  	s5 =	simm.s32 @p1 $0x1;
	p0 =	seq.s32 s7, s2  }
0x1e: {  	s7 =	smul.u32 @!p0 $0xF7A, s2;
	p2 =	seq.s32 @!p0 s5, $0x0  }
0x1f: {  	s9 =	smul.u32 $0xF7A, s1;
	s8 =	simm.s32 @!p0 $0x1BF5;
	p2 =	por !p2, p0  }
0x20: {  	[sflag:s8] =	ssyncset.s32 @!p0 $0xFFFFF086;
	s6 =	sadd.s32 @!p0 s3, s7;
	s7 =	simm.s32 @!p0 $0x108  }
0x21: {  	s3 =	sadd.s32 s3, s9;
	s6 =	sadd.s32 @!p0 $0x88, s6;
	s7 =	simm.s32 @p2 $0x1082  }
0x22: {  	[simem:s7], [sflag:s8] =	dma.local @!p0 [hbm:s6], $0xF7A  }
0x23: {  	s9 =	sor.u32 $0xD0000000, s2;
	s6 =	simm.s32 $0x108;
	_ =	swait.ge @!p0 [sflag:s8], $0x0  }
0x24: {  	s3 =	sadd.s32 $0x88, s3;
	s6 =	simm.s32 @!p1 $0x1082;
	[sflag:s4] =	ssyncset.s32 $0xFFFFF086  }
0x25: {  	[simem:s6], [sflag:s4] =	dma.local [hbm:s3], $0xF7A  }
0x26: {  	[smem:$0x3F7B] =	sst s1;
	(tag) =	ssettag s2;
	_ =	strace s9  }
0x27: {  	s1 =	sld [smem:$0x3F8B]  }
0x28: {  	s2 =	sld [smem:$0x3F8C]  }
0x29: {  	s4 =	sld [smem:$0x3F8E]  }
0x2a: {  	p0 =	seq.s32 s5, $0x0;
	s5 =	sld [smem:$0x3F8F]  }
0x2b: {  	s6 =	sld [smem:$0x3F90]  }
0x2c: {  	s7 =	sld [smem:$0x3F91]  }
0x2d: {  	s3 =	simm.s32 $0x108;
	s8 =	sld [smem:$0x3F92]  }
0x2e: {  	s3 =	simm.s32 @!p0 $0x1082;
	s9 =	sld [smem:$0x3F93]  }
0x2f: {  	lr =	sadd.s32 s0, s3;
	s0 =	sld [smem:$0x3F8A]  }
0x30: {  	s3 =	sld [smem:$0x3F8D]  }
0x31: {  	[smem:$0x3F96] =	sst s10  }
0x32: {  	s10 =	sld [smem:$0x3F94];
	_ =	sdelay $0x3  }
0x33: {  	p0 =	seq.s32 s10, $0x1;
	s10 =	sld [smem:$0x3F96];
	_ =	sdelay $0x3  }
0x34: {  	[smem:$0x3F96] =	sst s10  }
0x35: {  	s10 =	sld [smem:$0x3F95];
	_ =	sdelay $0x3  }
0x36: {  	p1 =	seq.s32 s10, $0x1;
	s10 =	sld [smem:$0x3F96];
	_ =	sdelay $0x3  }
0x37: {  	[smem:$0x3F96] =	sst s10  }
0x38: {  	s10 =	sld [smem:$0x3F97]  }
0x39: {  	_ = 	snop;
	(pc) =	sbr.ind lr, $3  }
0x3a: {  	_ = 	snop  }
0x3b: {  	_ = 	snop  }
0x3c: {  	p2 =	seq.s32 s10, $0x1;
	s10 =	sld [smem:$0x3F96]  }
0x3d: {  	_ =	shalt  }
0x3e: {  	_ =	shalt  }
0x3f: {  	_ =	shalt  }
0x40: {  	_ =	shalt  }
0x41: {  	_ =	shalt  }
0x42: {  	_ =	shalt  }
0x43: {  	_ =	shalt  }
0x44: {  	_ =	shalt  }
0x45: {  	_ =	shalt  }
0x46: {  	_ =	shalt  }
0x47: {  	_ =	shalt  }
0x48: {  	_ =	shalt  }
0x49: {  	_ =	shalt  }
0x4a: {  	_ =	shalt  }
0x4b: {  	_ =	shalt  }
0x4c: {  	_ =	shalt  }
0x4d: {  	_ =	shalt  }
0x4e: {  	_ =	shalt  }
0x4f: {  	_ =	shalt  }
0x50: {  	_ =	shalt  }
0x51: {  	_ =	shalt  }
0x52: {  	_ =	shalt  }
0x53: {  	_ =	shalt  }
0x54: {  	_ =	shalt  }
0x55: {  	_ =	shalt  }
0x56: {  	_ =	shalt  }
0x57: {  	_ =	shalt  }
0x58: {  	_ =	shalt  }
0x59: {  	_ =	shalt  }
0x5a: {  	_ =	shalt  }
0x5b: {  	_ =	shalt  }
0x5c: {  	_ =	shalt  }
0x5d: {  	_ =	shalt  }
0x5e: {  	_ =	shalt  }
0x5f: {  	_ =	shalt  }
0x60: {  	_ =	shalt  }
0x61: {  	_ =	shalt  }
0x62: {  	_ =	shalt  }
0x63: {  	_ =	shalt  }
0x64: {  	_ =	shalt  }
0x65: {  	_ =	shalt  }
0x66: {  	_ =	shalt  }
0x67: {  	_ =	shalt  }
0x68: {  	_ =	shalt  }
0x69: {  	_ =	shalt  }
0x6a: {  	_ =	shalt  }
0x6b: {  	_ =	shalt  }
0x6c: {  	_ =	shalt  }
0x6d: {  	_ =	shalt  }
0x6e: {  	_ =	shalt  }
0x6f: {  	_ =	shalt  }
0x70: {  	_ =	shalt  }
0x71: {  	_ =	shalt  }
0x72: {  	_ =	shalt  }
0x73: {  	_ =	shalt  }
0x74: {  	_ =	shalt  }
0x75: {  	_ =	shalt  }
0x76: {  	_ =	shalt  }
0x77: {  	_ =	shalt  }
0x78: {  	_ =	shalt  }
0x79: {  	_ =	shalt  }
0x7a: {  	_ =	shalt  }
0x7b: {  	_ =	shalt  }
0x7c: {  	_ =	shalt  }
0x7d: {  	_ =	shalt  }
0x7e: {  	_ =	shalt  }
0x7f: {  	_ =	shalt  }
0x80: {  	_ =	shalt  }
0x81: {  	_ =	shalt  }
0x82: {  	_ =	shalt  }
0x83: {  	_ =	shalt  }
0x84: {  	_ =	shalt  }
0x85: {  	_ =	shalt  }
0x86: {  	_ =	shalt  }
0x87: {  	_ =	shalt  }
.Lfunc_end0:
.L_simem_size_0:
called_computation.1_lowered:
.L_overlay_start_0:
0x88: {  	s2 =	sld [smem:$0x3FD9]  }
0x89: {  	s3 =	sld [smem:$0x3FFE];
	_ =	sdelay $0x1  }
0x8a: {  	s1 =	srdreg.scid  }
0x8b: {  	s0 =	sand.u32 $0x1, s1  }
0x8c: {  	s16 =	sshll.u32 s0, $0xA;
	s2 =	sadd.s32 s3, s2  }
0x8d: {  	s2 =	sadd.s32 s2, s16  }
0x8e: {  	[smem:$0x3FA2] =	sst s2  }
0x8f: {  	_ = 	snop  }
0x90: {  	(tm) =	ssettm $0x1  }
0x91: {  	s17 =	sld [smem:$0x3FFB];
	_ =	sdelay $0x3  }
0x92: {  	_ =	strace s17  }
0x93: {  	s2 =	sld [smem:$0x3FFC];
	_ =	sdelay $0x3  }
0x94: {  	_ =	strace s2  }
0x95: {  	s2 =	sld [smem:$0x3FFD];
	_ =	sdelay $0x3  }
0x96: {  	_ =	strace s2  }
0x97: {  	_ =	strace $0x8FFFFFFF  }
0x98: {  	s18 =	sld [smem:$0x3FDB];
	_ =	sdelay $0x1  }
0x99: {  	s19 =	simm.s32 $_scs_section_size  }
0x9a: {  	s4 =	simm.s32 $_size__tile_overlayer_lowered;
	s5 =	simm.s32 $_tile_overlayer_lowered  }
0x9b: {  	s22 =	simm.s32 $0x1BFF;
	s21 =	sshll.u32 s5, $0x1;
	s2 =	sadd.s32 s19, s18  }
0x9c: {  	s6 =	simm.s32 $0x0;
	s20 =	sshll.u32 s4, $0x1;
	s4 =	sadd.s32 s21, s2  }
0x9d: {  	[timem:s6], [sflag:s22] =	dma.local [hbm:s4], s20  }
0x9e: {  	_ =	swait.ge [sflag:s22], s20  }
0x9f: {  	s3 =	ssub.s32 $0x0, s20;
	[sflag:s22] =	ssyncset.done $0x0  }
0xa0: {  	[sflag:s22] =	ssyncadd.s32 s3;
	_ =	sdelay $0x1  }
0xa1: {  	s23 =	simm.s32 $0x1B8B  }
0xa2: {  	_ =	swait.ge [sflag:s23], $0x1  }
0xa3: {  	[sflag:s23] =	ssyncset.done $0x0  }
0xa4: {  	s25 =	simm.s32 $0x1B8E;
	s24 =	sld [smem:$0x3FFE];
	[sflag:s23] =	ssyncadd.s32 $0xFFFFFFFF  }
0xa5: {  	s26 =	simm.s32 $execute0_lowered;
	[smem:$0x3FD2] =	sst s25  }
0xa6: {  	s4 =	sshll.u32 s26, $0x1;
	_ =	strace $0x80000046;
	[dreg:$0x1] =	wrdreg $0xFFFFFFFF  }
0xa7: {  	s28 =	simm.s32 $_size_execute0_lowered;
	s2 =	sadd.s32 s2, s4;
	[dreg:$0x0] =	wrdreg $0x0  }
0xa8: {  	s4 =	sshll.u32 s28, $0x1;
	[dreg:$0x2] =	wrdreg s2  }
0xa9: {  	[dreg:$0x3] =	wrdreg s4  }
0xaa: {  	[dreg:$0x4] =	wrdreg $0xC0  }
0xab: {  	_ =	task [dreg:s6], $0x5FFFF  }
0xac: {  	[dreg:$0x1] =	wrdreg $0xFFFFFFFF  }
0xad: {  	[dreg:$0x0] =	wrdreg $0x60  }
0xae: {  	[dreg:$0x2] =	wrdreg s24  }
0xaf: {  	[dreg:$0x3] =	wrdreg $0x63000  }
0xb0: {  	[dreg:$0x4] =	wrdreg $0xA  }
0xb1: {  	_ =	task.clear_ibuf [dreg:s6], $0x5FFFF;
	_ =	strace $0x90000046  }
0xb2: {  	s29 =	simm.s32 $0xA;
	_ =	strace $0x80000048  }
0xb3: {  	_ =	swait.ge [sflag:s29], $0x1  }
0xb4: {  	[sflag:s29] =	ssyncadd.s32 $0xFFFFFFFF  }
0xb5: {  	_ =	strace $0x90000048  }
0xb6: {  	_ =	sfence  }
0xb7: {  	s30 =	sld [smem:$0x0];
	_ =	sdelay $0x2  }
0xb8: {  	s31 =	sshll.u32 s1, $0xD;
	s1 =	sshrl.u32 s1, $0x2  }
0xb9: {  	s3 =	sand.u32 $0x4000, s31;
	s1 =	sadd.s32 s1, s30  }
0xba: {  	s0 =	sor.u32 s3, s0;
	s1 =	sshll.u32 s1, $0x11  }
0xbb: {  	s0 =	sor.u32 s1, s0  }
0xbc: {  	s0 =	sadd.s32 $0x8F2B, s0  }
0xbd: {  	[sflag:s0] =	ssyncadd.remote.s32 $0x1  }
0xbe: {  	_ =	sfence.sel $0xFFFF  }
0xbf: {  	[dreg:$0x0] =	wrdreg $0xFFFFFFFF;
	(pc) =	sbr.abs _section_cstart, $3  }
0xc0: {  	[dreg:$0x1] =	wrdreg $0xFFFFFFFF  }
0xc1: {  	_ =	task.clear_ibuf [dreg:s6], $0x2FFFF;
	_ =	strace $0x9FFFFFFF  }
0xc2: {  	(tm) =	ssettm $0x7FFFFFFF  }
0xc3: {  	_ =	shalt  }
tec
execute0_lowered:
.L_overlay_start_1:
0x0: {  	(tag) =	ssettag $0x1  }
0x1: {  	s0 =	rddreg [dreg:$0x0]  }
0x2: {  	s1 =	rddreg [dreg:$0x1]  }
0x3: {  	s2 =	simm.s32 $0x0;
	s3 =	srdreg.scid;
	s15 =	stileid.u32  }
0x4: {  	s28 =	simm.s32 $0x2180;
	s29 =	simm.s32 $0x2200;
	s30 =	simm.s32 $0x1  }
0x5: {  	s31 =	simm.s32 $0x2;
	[smem:$0x7FF] =	sst s2;
	s8 =	smul.u32 $0x4E000, s15  }
0x6: {  	s3 =	sand.u32 $0x1, s3;
	s4 =	sadd.s32 $0x17000, s0;
	s14 =	smul.u32 $0x2710, s15  }
0x7: {  	s22 =	smul.u32 $0x13800, s15;
	p0 =	sne.s32 s15, $0xF;
	_ =	strace $0x80000047  }
0x8: {  	s5 =	sshll.u32 s3, $0x4;
	s7 =	ssub.s32 $0x2, s3;
	s11 =	smul.u32 $0x138800, s3  }
0x9: {  	s3 =	smul.u32 $0x27100, s3;
	s6 =	sor.u32 s15, s5;
	s5 =	sadd.s32 $0xD200, s0  }
0xa: {  	s9 =	sshrl.u32 s7, $0x1;
	s19 =	sshrl.u32 s8, $0x2;
	s8 =	sadd.s32 $0x138000, s1  }
0xb: {  	s10 =	smul.u32 $0x2710, s6;
	s6 =	sadd.s32 $0x3400, s0;
	s0 =	sadd.s32 $0x3E200, s0  }
0xc: {  	s9 =	ssub.s32 s7, s9;
	s7 =	sadd.s32 s19, s1;
	s21 =	sshrl.u32 s11, $0x3  }
0xd: {  	s3 =	sadd.s32 s14, s3;
	s25 =	sadd.s32 s22, s11;
	s22 =	simm.s32 $0x3  }
0xe: {  	s11 =	simm.s32 $0x0;
	s9 =	smax.u32 s9, $0x1;
	s24 =	sadd.s32 $0x40, s3  }
0xf: {  	s17 =	sadd.s32 $0x80, s3;
	s26 =	sshrl.u32 s25, $0x3;
	s25 =	simm.s32 $0x100  }
0x10: {  	s3 =	simm.s32 $0x4280;
	s10 =	sshrl.u32 s10, $0x3;
	[dreg:$0x8] =	wrdreg s9  }
0x11: {  	s9 =	sshrl.u32 s24, $0x3;
	s24 =	simm.s32 $0x40;
	s12 =	sadd.s32 s5, s10  }
0x12: {  	s20 =	sadd.s32 s6, s10;
	s13 =	sadd.s32 $0x4E0, s10;
	s10 =	sadd.s32 $0x4D8, s10  }
0x13: {  	s18 =	sadd.s32 s9, s6;
	s19 =	sadd.s32 s9, s5;
	[dreg:$0x3] =	wrdreg s12  }
0x14: {  	s9 =	simm.s32 $0x10;
	[dreg:$0x4] =	wrdreg s20;
	s16 =	sadd.s32 s5, s13  }
0x15: {  	s12 =	sadd.s32 s0, s21;
	s13 =	sadd.s32 s6, s13;
	[dreg:$0x5] =	wrdreg s16  }
0x16: {  	s23 =	sadd.s32 s5, s10;
	s10 =	sadd.s32 s6, s10;
	[dreg:$0x6] =	wrdreg s13  }
0x17: {  	s20 =	sadd.s32 s26, s0;
	s21 =	simm.s32 $0x4300;
	[dreg:$0x9] =	wrdreg s23  }
0x18: {  	s26 =	simm.s32 $0x2100;
	s12 =	sadd.s32 $0x27000, s12;
	[dreg:$0xa] =	wrdreg s10  }
0x19: {  	v0 =	vimm.f32 $0.0e+00;
	s23 =	simm.s32 $0x80;
	s10 =	simm.s32 $0x4B00;
	[dreg:$0x7] =	wrdreg s12  }
.LBB2_1:
0x1a: {  	s12 =	simm.s32 $0x0;
	s13 =	simm.s32 $0x200  }
.LBB2_2:
0x1b: {  	p1 =	sne.s32 s13, $0x1E00;
	[tilespmem:s12+$0x4370] =	vst v0  }
0x1c: {  	[tilespmem:s12+$0x4300] =	vst v0  }
0x1d: {  	[tilespmem:s12+$0x4310] =	vst v0  }
.Ltmp0:
0x1e: {  	[tilespmem:s12+$0x4320] =	vst v0;
	(pc) =	sbr.rel @p1 .LBB2_2-.Ltmp0, $4  }
0x1f: {  	[tilespmem:s12+$0x4330] =	vst v0  }
0x20: {  	[tilespmem:s12+$0x4340] =	vst v0  }
0x21: {  	[tilespmem:s12+$0x4350] =	vst v0  }
0x22: {  	[tilespmem:s12+$0x4360] =	vst v0;
	s12 =	sshra.s32 s13, $0x2;
	s13 =	sadd.s32 $0x200, s13  }
0x23: {  	[tilespmem:s12+$0x4370] =	vst v0  }
0x24: {  	[tilespmem:s12+$0x4300] =	vst v0  }
0x25: {  	[tilespmem:s12+$0x4310] =	vst v0  }
0x26: {  	[tilespmem:s12+$0x4320] =	vst v0  }
0x27: {  	[tilespmem:s12+$0x4330] =	vst v0  }
0x28: {  	[tilespmem:s12+$0x4340] =	vst v0  }
0x29: {  	[tilespmem:s12+$0x4350] =	vst v0  }
0x2a: {  	[tilespmem:s12+$0x4360] =	vst v0;
	s16 =	sadd.s32 $0x0, s7  }
0x2b: {  	[spmem:s16] =	stream.linear.scatter [tilespmem:s21], [sflag:$0x3], $0x800, $0x38;
	[tilespmem:$0x19B80] =	vst v63  }
0x2c: {  	s12 =	simm.s32 $0x2000;
	_ =	swait.ge [sflag:s22], $0x800  }
.LBB2_4:
0x2d: {  	s13 =	sshra.s32 s12, $0x2;
	[sflag:s22] =	ssyncset.done $0x0;
	p1 =	sne.s32 s12, $0x4C000  }
.Ltmp1:
0x2e: {  	s13 =	sadd.s32 s13, s7;
	[sflag:s22] =	ssyncadd.s32 $0xFFFFF800;
	(pc) =	sbr.rel @p1 .LBB2_4-.Ltmp1, $3  }
0x2f: {  	[spmem:s13] =	stream.linear.scatter [tilespmem:s21], [sflag:$0x3], $0x800, $0x38;
	[tilespmem:$0x19B80] =	vst v63  }
0x30: {  	s12 =	sadd.s32 $0x2000, s12;
	_ =	sdelay $0x1  }
0x31: {  	_ =	swait.ge [sflag:s22], $0x800  }
0x32: {  	[sflag:s22] =	ssyncset.done $0x0  }
0x33: {  	s12 =	simm.s32 @!p0 $0x4300;
	[sflag:s22] =	ssyncadd.s32 $0xFFFFF800  }
0x34: {  	[spmem:s8] =	stream.linear.scatter @!p0 [tilespmem:s12], [sflag:$0x3], $0x800, $0x38;
	[tilespmem:$0x19B80] =	vst v63  }
0x35: {  	s12 =	simm.s32 @!p0 $0x3  }
0x36: {  	_ =	swait.ge @!p0 [sflag:s12], $0x800  }
0x37: {  	[sflag:s12] =	ssyncset.done @!p0 $0x0  }
0x38: {  	[sflag:s12] =	ssyncadd.s32 @!p0 $0xFFFFF800  }
0x39: {  	[bflag:$0x0] =	sbarrier.arrive $0xFFFF  }
0x3a: {  	s16 =	simm.s32 $0x0;
	s0 =	rddreg [dreg:$0x3]  }
0x3b: {  	[tilespmem:s16], [sflag:$0x3] =	stream.linear.gather [hbm4b:s0+s16], $0x40, $0x38;
	[tilespmem:$0x19B80] =	vst v63  }
0x3c: {  	_ =	swait.ge [sflag:s22], $0x40  }
0x3d: {  	[sflag:s22] =	ssyncset.done $0x0  }
0x3e: {  	s13 =	rddreg [dreg:$0x4];
	[sflag:s22] =	ssyncadd.s32 $0xFFFFFFC0  }
0x3f: {  	[tilespmem:s23], [sflag:$0x3] =	stream.linear.gather [hbm4b:s13+s16], $0x40, $0x38;
	[tilespmem:$0x19B80] =	vst v63  }
0x40: {  	_ =	swait.ge [sflag:s22], $0x40  }
0x41: {  	[sflag:s22] =	ssyncset.done $0x0  }
0x42: {  	[sflag:s22] =	ssyncadd.s32 $0xFFFFFFC0  }
0x43: {  	[tilespmem:s25], [sflag:$0x1] =	stream.indirect.gather [hbm4b:s4+s24], $0x80, s16, s24, $0xb8;
	[tilespmem:$0x19B80] =	vst v63  }
0x44: {  	s14 =	sadd.s32 $0x0, s19  }
0x45: {  	[tilespmem:s26], [sflag:$0x3] =	stream.linear.gather [hbm4b:s14+s2], $0x40, $0x38;
	[tilespmem:$0x19B80] =	vst v63  }
0x46: {  	_ =	swait.ge [sflag:s22], $0x40  }
0x47: {  	[sflag:s22] =	ssyncset.done $0x0  }
0x48: {  	s15 =	sadd.s32 $0x0, s18;
	[sflag:s22] =	ssyncadd.s32 $0xFFFFFFC0  }
0x49: {  	[tilespmem:s28], [sflag:$0x3] =	stream.linear.gather [hbm4b:s15+s2], $0x40, $0x38;
	[tilespmem:$0x19B80] =	vst v63  }
0x4a: {  	_ =	swait.ge [sflag:s22], $0x40  }
0x4b: {  	[sflag:s22] =	ssyncset.done $0x0  }
0x4c: {  	[sflag:s22] =	ssyncadd.s32 $0xFFFFFFC0  }
0x4d: {  	[tilespmem:s29], [sflag:$0x2] =	stream.indirect.gather [hbm4b:s4+s24], $0x80, s26, s24, $0xb8;
	[tilespmem:$0x19B80] =	vst v63  }
0x4e: {  	_ =	swait.ge [sflag:s30], $0x2000  }
0x4f: {  	[sflag:s30] =	ssyncset.done $0x0  }
0x50: {  	[sflag:s30] =	ssyncadd.s32 $0xFFFFE000  }
0x51: {  	[spmem:s1] =	stream.indirect.scatter.add.f32 [tilespmem:s25], [sflag:$0x3], $0x80, s23, s24, $0xb8;
	[tilespmem:$0x19B80] =	vst v63  }
0x52: {  	_ =	swait.ge [sflag:s22], $0x2000  }
0x53: {  	s16 =	sshrl.u32 s17, $0x3;
	[sflag:s22] =	ssyncset.done $0x0  }
0x54: {  	s13 =	sadd.s32 s5, s16;
	[sflag:s22] =	ssyncadd.s32 $0xFFFFE000  }
0x55: {  	[tilespmem:s2], [sflag:$0x3] =	stream.linear.gather [hbm4b:s13+s2], $0x40, $0x38;
	[tilespmem:$0x19B80] =	vst v63  }
0x56: {  	_ =	swait.ge [sflag:s22], $0x40  }
0x57: {  	[sflag:s22] =	ssyncset.done $0x0  }
0x58: {  	s12 =	sadd.s32 s6, s16;
	[sflag:s22] =	ssyncadd.s32 $0xFFFFFFC0  }
0x59: {  	[tilespmem:s23], [sflag:$0x3] =	stream.linear.gather [hbm4b:s12+s2], $0x40, $0x38;
	[tilespmem:$0x19B80] =	vst v63  }
0x5a: {  	_ =	swait.ge [sflag:s22], $0x40  }
0x5b: {  	[sflag:s22] =	ssyncset.done $0x0  }
0x5c: {  	[sflag:s22] =	ssyncadd.s32 $0xFFFFFFC0  }
0x5d: {  	[tilespmem:s25], [sflag:$0x1] =	stream.indirect.gather [hbm4b:s4+s24], $0x80, s2, s24, $0xb8;
	[tilespmem:$0x19B80] =	vst v63  }
0x5e: {  	_ =	swait.ge [sflag:s31], $0x2000  }
0x5f: {  	[sflag:s31] =	ssyncset.done $0x0  }
0x60: {  	[sflag:s31] =	ssyncadd.s32 $0xFFFFE000  }
0x61: {  	[spmem:s1] =	stream.indirect.scatter.add.f32 [tilespmem:s29], [sflag:$0x3], $0x80, s28, s24, $0xb8;
	[tilespmem:$0x19B80] =	vst v63  }
0x62: {  	s14 =	simm.s32 $0x20;
	_ =	swait.ge [sflag:s22], $0x2000  }
0x63: {  	s13 =	simm.s32 $0x10;
	s12 =	sadd.s32 $0x80, s17;
	[sflag:s22] =	ssyncset.done $0x0  }
.LBB2_6:
0x64: {  	s16 =	sadd.s32 s13, s19  }
0x65: {  	[sflag:s22] =	ssyncadd.s32 $0xFFFFE000;
	s0 =	smov.u32 s14;
	s15 =	sadd.s32 $0x10, s14  }
0x66: {  	[tilespmem:s26], [sflag:$0x3] =	stream.linear.gather [hbm4b:s16+s2], $0x40, $0x38;
	[tilespmem:$0x19B80] =	vst v63  }
0x67: {  	p1 =	sne.s32 s14, $0x4C0;
	_ =	swait.ge [sflag:s22], $0x40  }
0x68: {  	[sflag:s22] =	ssyncset.done $0x0  }
0x69: {  	s14 =	sadd.s32 s13, s18;
	s13 =	smov.u32 s0;
	[sflag:s22] =	ssyncadd.s32 $0xFFFFFFC0  }
0x6a: {  	[tilespmem:s28], [sflag:$0x3] =	stream.linear.gather [hbm4b:s14+s2], $0x40, $0x38;
	[tilespmem:$0x19B80] =	vst v63  }
0x6b: {  	_ =	swait.ge [sflag:s22], $0x40  }
0x6c: {  	[sflag:s22] =	ssyncset.done $0x0  }
0x6d: {  	[sflag:s22] =	ssyncadd.s32 $0xFFFFFFC0  }
0x6e: {  	[tilespmem:s29], [sflag:$0x2] =	stream.indirect.gather [hbm4b:s4+s24], $0x80, s26, s24, $0xb8;
	[tilespmem:$0x19B80] =	vst v63  }
0x6f: {  	_ =	swait.ge [sflag:s30], $0x2000  }
0x70: {  	[sflag:s30] =	ssyncset.done $0x0  }
0x71: {  	[sflag:s30] =	ssyncadd.s32 $0xFFFFE000  }
0x72: {  	[spmem:s1] =	stream.indirect.scatter.add.f32 [tilespmem:s25], [sflag:$0x3], $0x80, s23, s24, $0xb8;
	[tilespmem:$0x19B80] =	vst v63  }
0x73: {  	_ =	swait.ge [sflag:s22], $0x2000  }
0x74: {  	s0 =	sshrl.u32 s12, $0x3;
	[sflag:s22] =	ssyncset.done $0x0  }
0x75: {  	s14 =	sadd.s32 s5, s0;
	[sflag:s22] =	ssyncadd.s32 $0xFFFFE000  }
0x76: {  	[tilespmem:s2], [sflag:$0x3] =	stream.linear.gather [hbm4b:s14+s2], $0x40, $0x38;
	[tilespmem:$0x19B80] =	vst v63  }
0x77: {  	_ =	swait.ge [sflag:s22], $0x40  }
0x78: {  	[sflag:s22] =	ssyncset.done $0x0  }
0x79: {  	s0 =	sadd.s32 s6, s0;
	[sflag:s22] =	ssyncadd.s32 $0xFFFFFFC0  }
0x7a: {  	[tilespmem:s23], [sflag:$0x3] =	stream.linear.gather [hbm4b:s0+s2], $0x40, $0x38;
	[tilespmem:$0x19B80] =	vst v63  }
0x7b: {  	_ =	swait.ge [sflag:s22], $0x40  }
0x7c: {  	[sflag:s22] =	ssyncset.done $0x0  }
0x7d: {  	[sflag:s22] =	ssyncadd.s32 $0xFFFFFFC0  }
0x7e: {  	[tilespmem:s25], [sflag:$0x1] =	stream.indirect.gather [hbm4b:s4+s24], $0x80, s2, s24, $0xb8;
	[tilespmem:$0x19B80] =	vst v63  }
0x7f: {  	_ =	swait.ge [sflag:s31], $0x2000  }
.Ltmp2:
0x80: {  	[sflag:s31] =	ssyncset.done $0x0;
	(pc) =	sbr.rel @p1 .LBB2_6-.Ltmp2, $4  }
0x81: {  	[sflag:s31] =	ssyncadd.s32 $0xFFFFE000  }
0x82: {  	[spmem:s1] =	stream.indirect.scatter.add.f32 [tilespmem:s29], [sflag:$0x3], $0x80, s28, s24, $0xb8;
	[tilespmem:$0x19B80] =	vst v63  }
0x83: {  	_ =	swait.ge [sflag:s22], $0x2000  }
0x84: {  	s12 =	sadd.s32 $0x80, s12;
	s14 =	smov.u32 s15;
	[sflag:s22] =	ssyncset.done $0x0  }
0x85: {  	s0 =	sadd.s32 s13, s19;
	[sflag:s22] =	ssyncadd.s32 $0xFFFFE000  }
0x86: {  	[tilespmem:s26], [sflag:$0x3] =	stream.linear.gather [hbm4b:s0+s2], $0x40, $0x38;
	[tilespmem:$0x19B80] =	vst v63  }
0x87: {  	_ =	swait.ge [sflag:s22], $0x40  }
0x88: {  	[sflag:s22] =	ssyncset.done $0x0  }
0x89: {  	s13 =	sadd.s32 s13, s18;
	[sflag:s22] =	ssyncadd.s32 $0xFFFFFFC0  }
0x8a: {  	[tilespmem:s28], [sflag:$0x3] =	stream.linear.gather [hbm4b:s13+s2], $0x40, $0x38;
	[tilespmem:$0x19B80] =	vst v63  }
0x8b: {  	_ =	swait.ge [sflag:s22], $0x40  }
0x8c: {  	[sflag:s22] =	ssyncset.done $0x0  }
0x8d: {  	[sflag:s22] =	ssyncadd.s32 $0xFFFFFFC0  }
0x8e: {  	[tilespmem:s29], [sflag:$0x2] =	stream.indirect.gather [hbm4b:s4+s24], $0x80, s26, s24, $0xb8;
	[tilespmem:$0x19B80] =	vst v63  }
0x8f: {  	_ =	swait.ge [sflag:s30], $0x2000  }
0x90: {  	[sflag:s30] =	ssyncset.done $0x0  }
0x91: {  	[sflag:s30] =	ssyncadd.s32 $0xFFFFE000  }
0x92: {  	[spmem:s1] =	stream.indirect.scatter.add.f32 [tilespmem:s25], [sflag:$0x3], $0x80, s23, s24, $0xb8;
	[tilespmem:$0x19B80] =	vst v63  }
0x93: {  	_ =	swait.ge [sflag:s22], $0x2000  }
0x94: {  	s14 =	sshrl.u32 s12, $0x3;
	[sflag:s22] =	ssyncset.done $0x0  }
0x95: {  	s12 =	sadd.s32 s5, s14;
	[sflag:s22] =	ssyncadd.s32 $0xFFFFE000  }
0x96: {  	[tilespmem:s2], [sflag:$0x3] =	stream.linear.gather [hbm4b:s12+s2], $0x40, $0x38;
	[tilespmem:$0x19B80] =	vst v63  }
0x97: {  	_ =	swait.ge [sflag:s22], $0x40  }
0x98: {  	[sflag:s22] =	ssyncset.done $0x0  }
0x99: {  	s0 =	sadd.s32 s6, s14;
	[sflag:s22] =	ssyncadd.s32 $0xFFFFFFC0  }
0x9a: {  	[tilespmem:s23], [sflag:$0x3] =	stream.linear.gather [hbm4b:s0+s2], $0x40, $0x38;
	[tilespmem:$0x19B80] =	vst v63  }
0x9b: {  	_ =	swait.ge [sflag:s22], $0x40  }
0x9c: {  	[sflag:s22] =	ssyncset.done $0x0  }
0x9d: {  	[sflag:s22] =	ssyncadd.s32 $0xFFFFFFC0  }
0x9e: {  	[tilespmem:s25], [sflag:$0x1] =	stream.indirect.gather [hbm4b:s4+s24], $0x80, s2, s24, $0xb8;
	[tilespmem:$0x19B80] =	vst v63  }
0x9f: {  	_ =	swait.ge [sflag:s31], $0x2000  }
0xa0: {  	[sflag:s31] =	ssyncset.done $0x0  }
0xa1: {  	[sflag:s31] =	ssyncadd.s32 $0xFFFFE000  }
0xa2: {  	[spmem:s1] =	stream.indirect.scatter.add.f32 [tilespmem:s29], [sflag:$0x3], $0x80, s28, s24, $0xb8;
	[tilespmem:$0x19B80] =	vst v63  }
0xa3: {  	_ =	swait.ge [sflag:s22], $0x2000  }
0xa4: {  	[sflag:s22] =	ssyncset.done $0x0  }
0xa5: {  	s0 =	simm.s32 $0x0;
	s15 =	rddreg [dreg:$0x9];
	[sflag:s22] =	ssyncadd.s32 $0xFFFFE000  }
0xa6: {  	[tilespmem:s26], [sflag:$0x3] =	stream.linear.gather [hbm4b:s15+s0], $0x40, $0x38;
	[tilespmem:$0x19B80] =	vst v63  }
0xa7: {  	_ =	swait.ge [sflag:s22], $0x40  }
0xa8: {  	[sflag:s22] =	ssyncset.done $0x0  }
0xa9: {  	s16 =	rddreg [dreg:$0xa];
	[sflag:s22] =	ssyncadd.s32 $0xFFFFFFC0  }
0xaa: {  	[tilespmem:s28], [sflag:$0x3] =	stream.linear.gather [hbm4b:s16+s0], $0x40, $0x38;
	[tilespmem:$0x19B80] =	vst v63  }
0xab: {  	_ =	swait.ge [sflag:s22], $0x40  }
0xac: {  	[sflag:s22] =	ssyncset.done $0x0  }
0xad: {  	[sflag:s22] =	ssyncadd.s32 $0xFFFFFFC0  }
0xae: {  	[tilespmem:s29], [sflag:$0x2] =	stream.indirect.gather [hbm4b:s4+s24], $0x80, s26, s24, $0xb8;
	[tilespmem:$0x19B80] =	vst v63  }
0xaf: {  	_ =	swait.ge [sflag:s30], $0x2000  }
0xb0: {  	[sflag:s30] =	ssyncset.done $0x0  }
0xb1: {  	[sflag:s30] =	ssyncadd.s32 $0xFFFFE000  }
0xb2: {  	[spmem:s1] =	stream.indirect.scatter.add.f32 [tilespmem:s25], [sflag:$0x3], $0x80, s23, s24, $0xb8;
	[tilespmem:$0x19B80] =	vst v63  }
0xb3: {  	_ =	swait.ge [sflag:s22], $0x2000  }
0xb4: {  	[sflag:s22] =	ssyncset.done $0x0  }
0xb5: {  	[sflag:s22] =	ssyncadd.s32 $0xFFFFE000  }
0xb6: {  	_ =	swait.ge [sflag:s31], $0x2000  }
0xb7: {  	[sflag:s31] =	ssyncset.done $0x0  }
0xb8: {  	[sflag:s31] =	ssyncadd.s32 $0xFFFFE000  }
0xb9: {  	[spmem:s1] =	stream.indirect.scatter.add.f32 [tilespmem:s29], [sflag:$0x3], $0x80, s28, s24, $0xb8;
	[tilespmem:$0x19B80] =	vst v63  }
0xba: {  	_ =	swait.ge [sflag:s22], $0x2000  }
0xbb: {  	[sflag:s22] =	ssyncset.done $0x0  }
0xbc: {  	s14 =	simm.s32 $0x4200;
	s13 =	rddreg [dreg:$0x5];
	[sflag:s22] =	ssyncadd.s32 $0xFFFFE000  }
0xbd: {  	[tilespmem:s14], [sflag:$0x3] =	stream.linear.gather [hbm4b:s13+s0], $0x10, $0x38;
	[tilespmem:$0x19B80] =	vst v63  }
0xbe: {  	_ =	swait.ge [sflag:s22], $0x10  }
0xbf: {  	[sflag:s22] =	ssyncset.done $0x0  }
0xc0: {  	s15 =	rddreg [dreg:$0x6];
	[sflag:s22] =	ssyncadd.s32 $0xFFFFFFF0  }
0xc1: {  	[tilespmem:s3], [sflag:$0x3] =	stream.linear.gather [hbm4b:s15+s0], $0x10, $0x38;
	[tilespmem:$0x19B80] =	vst v63  }
0xc2: {  	_ =	swait.ge [sflag:s22], $0x10  }
0xc3: {  	[sflag:s22] =	ssyncset.done $0x0  }
0xc4: {  	[sflag:s22] =	ssyncadd.s32 $0xFFFFFFF0  }
0xc5: {  	[tilespmem:s21], [sflag:$0x1] =	stream.indirect.gather [hbm4b:s4+s9], $0x80, s14, s9, $0xb8;
	[tilespmem:$0x19B80] =	vst v63  }
0xc6: {  	_ =	swait.ge [sflag:s30], $0x800  }
0xc7: {  	[sflag:s30] =	ssyncset.done $0x0  }
0xc8: {  	[sflag:s30] =	ssyncadd.s32 $0xFFFFF800  }
0xc9: {  	[spmem:s1] =	stream.indirect.scatter.add.f32 [tilespmem:s21], [sflag:$0x3], $0x80, s3, s9, $0xb8;
	[tilespmem:$0x19B80] =	vst v63  }
0xca: {  	_ =	swait.ge [sflag:s22], $0x800  }
0xcb: {  	[sflag:s22] =	ssyncset.done $0x0  }
0xcc: {  	[sflag:s22] =	ssyncadd.s32 $0xFFFFF800  }
0xcd: {  	[bflag:$0x0] =	sbarrier.arrive $0xFFFF  }
0xce: {  	[tilespmem:s10], [sflag:$0x3] =	stream.linear.gather [spmem:s7], $0x1800, $0x38;
	[tilespmem:$0x19B80] =	vst v63  }
0xcf: {  	_ =	swait.ge [sflag:s22], $0x1800  }
0xd0: {  	[sflag:s22] =	ssyncset.done $0x0  }
0xd1: {  	s16 =	sadd.s32 $0x0, s20;
	[sflag:s22] =	ssyncadd.s32 $0xFFFFE800  }
0xd2: {  	[hbm4b:s16+s2] =	stream.linear.scatter [tilespmem:s10], [sflag:$0x3], $0x1800, $0x38;
	[tilespmem:$0x19B80] =	vst v63  }
0xd3: {  	_ =	swait.ge [sflag:s22], $0x1800  }
0xd4: {  	s12 =	simm.s32 $0x300;
	s13 =	smov.u32 s7;
	[sflag:s22] =	ssyncset.done $0x0  }
.LBB2_8:
0xd5: {  	p1 =	sne.s32 s12, $0x2400;
	[sflag:s22] =	ssyncadd.s32 $0xFFFFE800;
	s13 =	sadd.s32 $0x1800, s13  }
0xd6: {  	[tilespmem:s10], [sflag:$0x3] =	stream.linear.gather [spmem:s13], $0x1800, $0x38;
	[tilespmem:$0x19B80] =	vst v63  }
0xd7: {  	s0 =	smov.u32 s12;
	s12 =	sadd.s32 $0x300, s12;
	_ =	swait.ge [sflag:s22], $0x1800  }
.Ltmp3:
0xd8: {  	[sflag:s22] =	ssyncset.done $0x0;
	(pc) =	sbr.rel @p1 .LBB2_8-.Ltmp3, $4  }
0xd9: {  	s0 =	sadd.s32 s0, s20;
	[sflag:s22] =	ssyncadd.s32 $0xFFFFE800  }
0xda: {  	[hbm4b:s0+s2] =	stream.linear.scatter [tilespmem:s10], [sflag:$0x3], $0x1800, $0x38;
	[tilespmem:$0x19B80] =	vst v63  }
0xdb: {  	_ =	swait.ge [sflag:s22], $0x1800  }
0xdc: {  	[sflag:s22] =	ssyncset.done $0x0  }
0xdd: {  	[sflag:s22] =	ssyncadd.s32 $0xFFFFE800;
	s0 =	simm.s32 @!p0 $0x4300;
	s12 =	simm.s32 @!p0 $0x3  }
0xde: {  	[tilespmem:s0], [sflag:$0x3] =	stream.linear.gather @!p0 [spmem:s8], $0x800, $0x38;
	[tilespmem:$0x19B80] =	vst v63  }
0xdf: {  	_ =	swait.ge @!p0 [sflag:s12], $0x800  }
0xe0: {  	[sflag:s12] =	ssyncset.done @!p0 $0x0  }
0xe1: {  	s13 =	simm.s32 @!p0 $0x0;
	s14 =	rddreg [dreg:$0x7];
	[sflag:s12] =	ssyncadd.s32 @!p0 $0xFFFFF800  }
0xe2: {  	[hbm4b:s14+s13] =	stream.linear.scatter @!p0 [tilespmem:s0], [sflag:$0x3], $0x800, $0x38;
	[tilespmem:$0x19B80] =	vst v63  }
0xe3: {  	_ =	swait.ge @!p0 [sflag:s12], $0x800  }
0xe4: {  	s11 =	sadd.s32 $0x1, s11;
	s16 =	rddreg [dreg:$0x8]  }
0xe5: {  	p1 =	sne.s32 s11, s16  }
.Ltmp4:
0xe6: {  	_ = 	snop;
	(pc) =	sbr.rel @p1 .LBB2_1-.Ltmp4, $3  }
0xe7: {  	_ =	sdelay $0x1  }
0xe8: {  	[sflag:s12] =	ssyncset.done @!p0 $0x0  }
0xe9: {  	[sflag:s12] =	ssyncadd.s32 @!p0 $0xFFFFF800  }
0xea: {  	_ =	sfence.sel $0x180000  }
0xeb: {  	[bflag:$0x0] =	sbarrier.arrive $0xFFFF  }
0xec: {  	_ =	strace $0x90000047  }
0xed: {  	s0 =	stileid.u32;
	[bflag:$0x2] =	sbarrier.arrive $0xFFFF  }
0xee: {  	p0 =	sne.s32 s0, $0x0;
	s0 =	rddreg [dreg:$0x2]  }
0xef: {  	s0 =	sadd.s32 @!p0 $0x100000, s0  }
0xf0: {  	[sflag:s0] =	ssyncadd.tile.s32 @!p0 $0x1;
	_ =	shalt  }
.Lfunc_end2:
_tile_overlayer_lowered:
.L_overlay_start_2:
0xf1: {  	(tag) =	ssettag $0x2  }
0xf2: {  	s0 =	rddreg [dreg:$0x0];
	s2 =	stileid.u32  }
0xf3: {  	s1 =	rddreg [dreg:$0x1];
	p0 =	sne.s32 s2, $0x0  }
0xf4: {  	s3 =	rddreg [dreg:$0x2];
	[bflag:$0x3] =	sbarrier.arrive $0xFFFF;
	s2 =	simm.s32 @!p0 $0x1C03  }
0xf5: {  	[timem:s3], [sflag:s2] =	dma.local @!p0 [hbm:s0], s1  }
0xf6: {  	s0 =	simm.s32 @!p0 $0x3  }
0xf7: {  	_ =	swait.ge @!p0 [sflag:s0], s1  }
0xf8: {  	s1 =	ssub.s32 @!p0 $0x0, s1;
	[sflag:s0] =	ssyncset.done @!p0 $0x0  }
0xf9: {  	[sflag:s0] =	ssyncadd.s32 @!p0 s1  }
0xfa: {  	[bflag:$0x3] =	sbarrier.arrive $0xFFFF  }
0xfb: {  	_ =	shalt  }

// kernel: kernel.20.cloned.1.call-start
scs
__scs_entry_jumppad:
0x0: {  	(pc) =	sbr.rel $0x88, $3  }
0x1: {  	(tag) =	ssettag $0x0;
	lr =	simm.s32 $0x1  }
0x2: {  	[smem:$0x3F7B] =	sst lr;
	_ =	strace $0xD0000000  }
0x3: {  	_ = 	snop  }
0x4: {  	_ = 	snop  }
0x5: {  	_ = 	snop  }
0x6: {  	_ = 	snop  }
0x7: {  	_ = 	snop  }
__scs_overlays_trampoline_lowered:
0x8: {  	[smem:$0x3F8A] =	sst s0  }
0x9: {  	[smem:$0x3F8B] =	sst s1  }
0xa: {  	[smem:$0x3F8C] =	sst s2  }
0xb: {  	[smem:$0x3F8D] =	sst s3  }
0xc: {  	[smem:$0x3F8E] =	sst s4  }
0xd: {  	[smem:$0x3F8F] =	sst s5  }
0xe: {  	[smem:$0x3F90] =	sst s6  }
0xf: {  	[smem:$0x3F91] =	sst s7  }
0x10: {  	[smem:$0x3F92] =	sst s8  }
0x11: {  	[smem:$0x3F93] =	sst s9;
	s0 =	simm.s32 @!p0 $0x0  }
0x12: {  	s1 =	sld [smem:$0x3F79];
	s0 =	simm.s32 @p0 $0x1  }
0x13: {  	[smem:$0x3F94] =	sst s0;
	s0 =	simm.s32 @!p1 $0x0  }
0x14: {  	s2 =	sld [smem:$0x3F78];
	s0 =	simm.s32 @p1 $0x1  }
0x15: {  	[smem:$0x3F95] =	sst s0;
	s0 =	simm.s32 @!p2 $0x0  }
0x16: {  	s3 =	sld [smem:$0x3FDB];
	s0 =	simm.s32 @p2 $0x1  }
0x17: {  	s4 =	simm.s32 $0x1BF5;
	[smem:$0x3F97] =	sst s0  }
0x18: {  	s0 =	sld [smem:$0x3F7A];
	_ =	swait.ge [sflag:s4], $0x0  }
0x19: {  	s7 =	sld [smem:$0x3F7B]  }
0x1a: {  	s8 =	sadd.s32 $0xFFFFE003, lr  }
0x1b: {  	s9 =	sadd.s32 $0xFFFFFEF7, lr;
	s5 =	simm.s32 $0xFFFFFFFF;
	p2 =	slt.u32 s8, $0xFFFFF086  }
0x1c: {  	p1 =	slt.u32 s9, $0xF7A;
	s5 =	simm.s32 @!p2 $0x0  }
0x1d: {  	s5 =	simm.s32 @p1 $0x1;
	p0 =	seq.s32 s7, s2  }
0x1e: {  	s7 =	smul.u32 @!p0 $0xF7A, s2;
	p2 =	seq.s32 @!p0 s5, $0x0  }
0x1f: {  	s9 =	smul.u32 $0xF7A, s1;
	s8 =	simm.s32 @!p0 $0x1BF5;
	p2 =	por !p2, p0  }
0x20: {  	[sflag:s8] =	ssyncset.s32 @!p0 $0xFFFFF086;
	s6 =	sadd.s32 @!p0 s3, s7;
	s7 =	simm.s32 @!p0 $0x108  }
0x21: {  	s3 =	sadd.s32 s3, s9;
	s6 =	sadd.s32 @!p0 $0x88, s6;
	s7 =	simm.s32 @p2 $0x1082  }
0x22: {  	[simem:s7], [sflag:s8] =	dma.local @!p0 [hbm:s6], $0xF7A  }
0x23: {  	s9 =	sor.u32 $0xD0000000, s2;
	s6 =	simm.s32 $0x108;
	_ =	swait.ge @!p0 [sflag:s8], $0x0  }
0x24: {  	s3 =	sadd.s32 $0x88, s3;
	s6 =	simm.s32 @!p1 $0x1082;
	[sflag:s4] =	ssyncset.s32 $0xFFFFF086  }
0x25: {  	[simem:s6], [sflag:s4] =	dma.local [hbm:s3], $0xF7A  }
0x26: {  	[smem:$0x3F7B] =	sst s1;
	(tag) =	ssettag s2;
	_ =	strace s9  }
0x27: {  	s1 =	sld [smem:$0x3F8B]  }
0x28: {  	s2 =	sld [smem:$0x3F8C]  }
0x29: {  	s4 =	sld [smem:$0x3F8E]  }
0x2a: {  	p0 =	seq.s32 s5, $0x0;
	s5 =	sld [smem:$0x3F8F]  }
0x2b: {  	s6 =	sld [smem:$0x3F90]  }
0x2c: {  	s7 =	sld [smem:$0x3F91]  }
0x2d: {  	s3 =	simm.s32 $0x108;
	s8 =	sld [smem:$0x3F92]  }
0x2e: {  	s3 =	simm.s32 @!p0 $0x1082;
	s9 =	sld [smem:$0x3F93]  }
0x2f: {  	lr =	sadd.s32 s0, s3;
	s0 =	sld [smem:$0x3F8A]  }
0x30: {  	s3 =	sld [smem:$0x3F8D]  }
0x31: {  	[smem:$0x3F96] =	sst s10  }
0x32: {  	s10 =	sld [smem:$0x3F94];
	_ =	sdelay $0x3  }
0x33: {  	p0 =	seq.s32 s10, $0x1;
	s10 =	sld [smem:$0x3F96];
	_ =	sdelay $0x3  }
0x34: {  	[smem:$0x3F96] =	sst s10  }
0x35: {  	s10 =	sld [smem:$0x3F95];
	_ =	sdelay $0x3  }
0x36: {  	p1 =	seq.s32 s10, $0x1;
	s10 =	sld [smem:$0x3F96];
	_ =	sdelay $0x3  }
0x37: {  	[smem:$0x3F96] =	sst s10  }
0x38: {  	s10 =	sld [smem:$0x3F97]  }
0x39: {  	_ = 	snop;
	(pc) =	sbr.ind lr, $3  }
0x3a: {  	_ = 	snop  }
0x3b: {  	_ = 	snop  }
0x3c: {  	p2 =	seq.s32 s10, $0x1;
	s10 =	sld [smem:$0x3F96]  }
0x3d: {  	_ =	shalt  }
0x3e: {  	_ =	shalt  }
0x3f: {  	_ =	shalt  }
0x40: {  	_ =	shalt  }
0x41: {  	_ =	shalt  }
0x42: {  	_ =	shalt  }
0x43: {  	_ =	shalt  }
0x44: {  	_ =	shalt  }
0x45: {  	_ =	shalt  }
0x46: {  	_ =	shalt  }
0x47: {  	_ =	shalt  }
0x48: {  	_ =	shalt  }
0x49: {  	_ =	shalt  }
0x4a: {  	_ =	shalt  }
0x4b: {  	_ =	shalt  }
0x4c: {  	_ =	shalt  }
0x4d: {  	_ =	shalt  }
0x4e: {  	_ =	shalt  }
0x4f: {  	_ =	shalt  }
0x50: {  	_ =	shalt  }
0x51: {  	_ =	shalt  }
0x52: {  	_ =	shalt  }
0x53: {  	_ =	shalt  }
0x54: {  	_ =	shalt  }
0x55: {  	_ =	shalt  }
0x56: {  	_ =	shalt  }
0x57: {  	_ =	shalt  }
0x58: {  	_ =	shalt  }
0x59: {  	_ =	shalt  }
0x5a: {  	_ =	shalt  }
0x5b: {  	_ =	shalt  }
0x5c: {  	_ =	shalt  }
0x5d: {  	_ =	shalt  }
0x5e: {  	_ =	shalt  }
0x5f: {  	_ =	shalt  }
0x60: {  	_ =	shalt  }
0x61: {  	_ =	shalt  }
0x62: {  	_ =	shalt  }
0x63: {  	_ =	shalt  }
0x64: {  	_ =	shalt  }
0x65: {  	_ =	shalt  }
0x66: {  	_ =	shalt  }
0x67: {  	_ =	shalt  }
0x68: {  	_ =	shalt  }
0x69: {  	_ =	shalt  }
0x6a: {  	_ =	shalt  }
0x6b: {  	_ =	shalt  }
0x6c: {  	_ =	shalt  }
0x6d: {  	_ =	shalt  }
0x6e: {  	_ =	shalt  }
0x6f: {  	_ =	shalt  }
0x70: {  	_ =	shalt  }
0x71: {  	_ =	shalt  }
0x72: {  	_ =	shalt  }
0x73: {  	_ =	shalt  }
0x74: {  	_ =	shalt  }
0x75: {  	_ =	shalt  }
0x76: {  	_ =	shalt  }
0x77: {  	_ =	shalt  }
0x78: {  	_ =	shalt  }
0x79: {  	_ =	shalt  }
0x7a: {  	_ =	shalt  }
0x7b: {  	_ =	shalt  }
0x7c: {  	_ =	shalt  }
0x7d: {  	_ =	shalt  }
0x7e: {  	_ =	shalt  }
0x7f: {  	_ =	shalt  }
0x80: {  	_ =	shalt  }
0x81: {  	_ =	shalt  }
0x82: {  	_ =	shalt  }
0x83: {  	_ =	shalt  }
0x84: {  	_ =	shalt  }
0x85: {  	_ =	shalt  }
0x86: {  	_ =	shalt  }
0x87: {  	_ =	shalt  }
.Lfunc_end0:
.L_simem_size_0:
called_computation.2_lowered:
.L_overlay_start_0:
0x88: {  	s2 =	sld [smem:$0x3FD9]  }
0x89: {  	s3 =	sld [smem:$0x3FFE];
	_ =	sdelay $0x1  }
0x8a: {  	s1 =	srdreg.scid  }
0x8b: {  	s0 =	sand.u32 $0x1, s1  }
0x8c: {  	s16 =	sshll.u32 s0, $0xA;
	s2 =	sadd.s32 s3, s2  }
0x8d: {  	s2 =	sadd.s32 s2, s16  }
0x8e: {  	[smem:$0x3FA2] =	sst s2  }
0x8f: {  	_ = 	snop  }
0x90: {  	(tm) =	ssettm $0x1  }
0x91: {  	s17 =	sld [smem:$0x3FFB];
	_ =	sdelay $0x3  }
0x92: {  	_ =	strace s17  }
0x93: {  	s2 =	sld [smem:$0x3FFC];
	_ =	sdelay $0x3  }
0x94: {  	_ =	strace s2  }
0x95: {  	s2 =	sld [smem:$0x3FFD];
	_ =	sdelay $0x3  }
0x96: {  	_ =	strace s2  }
0x97: {  	_ =	strace $0x8FFFFFFF  }
0x98: {  	s18 =	sld [smem:$0x3FDB];
	_ =	sdelay $0x1  }
0x99: {  	s19 =	simm.s32 $_scs_section_size  }
0x9a: {  	s4 =	simm.s32 $_size__tile_overlayer_lowered;
	s5 =	simm.s32 $_tile_overlayer_lowered  }
0x9b: {  	s22 =	simm.s32 $0x1BFF;
	s21 =	sshll.u32 s5, $0x1;
	s2 =	sadd.s32 s19, s18  }
0x9c: {  	s6 =	simm.s32 $0x0;
	s20 =	sshll.u32 s4, $0x1;
	s4 =	sadd.s32 s21, s2  }
0x9d: {  	[timem:s6], [sflag:s22] =	dma.local [hbm:s4], s20  }
0x9e: {  	_ =	swait.ge [sflag:s22], s20  }
0x9f: {  	s3 =	ssub.s32 $0x0, s20;
	[sflag:s22] =	ssyncset.done $0x0  }
0xa0: {  	[sflag:s22] =	ssyncadd.s32 s3;
	_ =	sdelay $0x1  }
0xa1: {  	s23 =	simm.s32 $0x1B8B  }
0xa2: {  	_ =	swait.ge [sflag:s23], $0x1  }
0xa3: {  	[sflag:s23] =	ssyncset.done $0x0  }
0xa4: {  	s25 =	simm.s32 $0x1B8E;
	s24 =	sld [smem:$0x3FFE];
	[sflag:s23] =	ssyncadd.s32 $0xFFFFFFFF  }
0xa5: {  	s26 =	simm.s32 $execute0_lowered;
	[smem:$0x3FD2] =	sst s25  }
0xa6: {  	s4 =	sshll.u32 s26, $0x1;
	_ =	strace $0x8000004C;
	[dreg:$0x1] =	wrdreg $0xFFFFFFFF  }
0xa7: {  	s28 =	simm.s32 $_size_execute0_lowered;
	s2 =	sadd.s32 s2, s4;
	[dreg:$0x0] =	wrdreg $0x0  }
0xa8: {  	s4 =	sshll.u32 s28, $0x1;
	[dreg:$0x2] =	wrdreg s2  }
0xa9: {  	[dreg:$0x3] =	wrdreg s4  }
0xaa: {  	[dreg:$0x4] =	wrdreg $0xC0  }
0xab: {  	_ =	task [dreg:s6], $0x5FFFF  }
0xac: {  	[dreg:$0x1] =	wrdreg $0xFFFFFFFF  }
0xad: {  	[dreg:$0x0] =	wrdreg $0x60  }
0xae: {  	[dreg:$0x2] =	wrdreg s24  }
0xaf: {  	[dreg:$0x3] =	wrdreg $0x63000  }
0xb0: {  	[dreg:$0x4] =	wrdreg $0x9  }
0xb1: {  	_ =	task.clear_ibuf [dreg:s6], $0x5FFFF;
	_ =	strace $0x9000004C  }
0xb2: {  	s29 =	simm.s32 $0x9;
	_ =	strace $0x8000004E  }
0xb3: {  	_ =	swait.ge [sflag:s29], $0x1  }
0xb4: {  	[sflag:s29] =	ssyncadd.s32 $0xFFFFFFFF  }
0xb5: {  	_ =	strace $0x9000004E  }
0xb6: {  	_ =	sfence  }
0xb7: {  	s30 =	sld [smem:$0x0];
	_ =	sdelay $0x2  }
0xb8: {  	s31 =	sshll.u32 s1, $0xD;
	s1 =	sshrl.u32 s1, $0x2  }
0xb9: {  	s3 =	sand.u32 $0x4000, s31;
	s1 =	sadd.s32 s1, s30  }
0xba: {  	s0 =	sor.u32 s3, s0;
	s1 =	sshll.u32 s1, $0x11  }
0xbb: {  	s0 =	sor.u32 s1, s0  }
0xbc: {  	s0 =	sadd.s32 $0x8F2B, s0  }
0xbd: {  	[sflag:s0] =	ssyncadd.remote.s32 $0x1  }
0xbe: {  	_ =	sfence.sel $0xFFFF  }
0xbf: {  	[dreg:$0x0] =	wrdreg $0xFFFFFFFF;
	(pc) =	sbr.abs _section_cstart, $3  }
0xc0: {  	[dreg:$0x1] =	wrdreg $0xFFFFFFFF  }
0xc1: {  	_ =	task.clear_ibuf [dreg:s6], $0x2FFFF;
	_ =	strace $0x9FFFFFFF  }
0xc2: {  	(tm) =	ssettm $0x7FFFFFFF  }
0xc3: {  	_ =	shalt  }
tec
execute0_lowered:
.L_overlay_start_1:
0x0: {  	(tag) =	ssettag $0x1  }
0x1: {  	s0 =	rddreg [dreg:$0x0]  }
0x2: {  	s1 =	rddreg [dreg:$0x1]  }
0x3: {  	s2 =	simm.s32 $0x0;
	s3 =	srdreg.scid;
	s15 =	stileid.u32  }
0x4: {  	s28 =	simm.s32 $0x2180;
	s29 =	simm.s32 $0x2200;
	s30 =	simm.s32 $0x1  }
0x5: {  	s31 =	simm.s32 $0x2;
	[smem:$0x7FF] =	sst s2;
	s8 =	smul.u32 $0x4E000, s15  }
0x6: {  	s3 =	sand.u32 $0x1, s3;
	s4 =	sadd.s32 $0x17000, s0;
	s14 =	smul.u32 $0x2710, s15  }
0x7: {  	s22 =	smul.u32 $0x13800, s15;
	p0 =	sne.s32 s15, $0xF;
	_ =	strace $0x8000004D  }
0x8: {  	s5 =	sshll.u32 s3, $0x4;
	s7 =	ssub.s32 $0x2, s3;
	s11 =	smul.u32 $0x138800, s3  }
0x9: {  	s3 =	smul.u32 $0x27100, s3;
	s6 =	sor.u32 s15, s5;
	s5 =	sadd.s32 $0xD200, s0  }
0xa: {  	s9 =	sshrl.u32 s7, $0x1;
	s19 =	sshrl.u32 s8, $0x2;
	s8 =	sadd.s32 $0x138000, s1  }
0xb: {  	s10 =	smul.u32 $0x2710, s6;
	s6 =	sadd.s32 $0x3400, s0;
	s0 =	sadd.s32 $0x3E200, s0  }
0xc: {  	s9 =	ssub.s32 s7, s9;
	s7 =	sadd.s32 s19, s1;
	s21 =	sshrl.u32 s11, $0x3  }
0xd: {  	s3 =	sadd.s32 s14, s3;
	s25 =	sadd.s32 s22, s11;
	s22 =	simm.s32 $0x3  }
0xe: {  	s11 =	simm.s32 $0x0;
	s9 =	smax.u32 s9, $0x1;
	s24 =	sadd.s32 $0x40, s3  }
0xf: {  	s17 =	sadd.s32 $0x80, s3;
	s26 =	sshrl.u32 s25, $0x3;
	s25 =	simm.s32 $0x100  }
0x10: {  	s3 =	simm.s32 $0x4280;
	s10 =	sshrl.u32 s10, $0x3;
	[dreg:$0x8] =	wrdreg s9  }
0x11: {  	s9 =	sshrl.u32 s24, $0x3;
	s24 =	simm.s32 $0x40;
	s12 =	sadd.s32 s5, s10  }
0x12: {  	s20 =	sadd.s32 s6, s10;
	s13 =	sadd.s32 $0x4E0, s10;
	s10 =	sadd.s32 $0x4D8, s10  }
0x13: {  	s18 =	sadd.s32 s9, s6;
	s19 =	sadd.s32 s9, s5;
	[dreg:$0x3] =	wrdreg s12  }
0x14: {  	s9 =	simm.s32 $0x10;
	[dreg:$0x4] =	wrdreg s20;
	s16 =	sadd.s32 s5, s13  }
0x15: {  	s12 =	sadd.s32 s0, s21;
	s13 =	sadd.s32 s6, s13;
	[dreg:$0x5] =	wrdreg s16  }
0x16: {  	s23 =	sadd.s32 s5, s10;
	s10 =	sadd.s32 s6, s10;
	[dreg:$0x6] =	wrdreg s13  }
0x17: {  	s20 =	sadd.s32 s26, s0;
	s21 =	simm.s32 $0x4300;
	[dreg:$0x9] =	wrdreg s23  }
0x18: {  	s26 =	simm.s32 $0x2100;
	s12 =	sadd.s32 $0x27000, s12;
	[dreg:$0xa] =	wrdreg s10  }
0x19: {  	v0 =	vimm.f32 $0.0e+00;
	s23 =	simm.s32 $0x80;
	s10 =	simm.s32 $0x4B00;
	[dreg:$0x7] =	wrdreg s12  }
.LBB2_1:
0x1a: {  	s12 =	simm.s32 $0x0;
	s13 =	simm.s32 $0x200  }
.LBB2_2:
0x1b: {  	p1 =	sne.s32 s13, $0x1E00;
	[tilespmem:s12+$0x4370] =	vst v0  }
0x1c: {  	[tilespmem:s12+$0x4300] =	vst v0  }
0x1d: {  	[tilespmem:s12+$0x4310] =	vst v0  }
.Ltmp0:
0x1e: {  	[tilespmem:s12+$0x4320] =	vst v0;
	(pc) =	sbr.rel @p1 .LBB2_2-.Ltmp0, $4  }
0x1f: {  	[tilespmem:s12+$0x4330] =	vst v0  }
0x20: {  	[tilespmem:s12+$0x4340] =	vst v0  }
0x21: {  	[tilespmem:s12+$0x4350] =	vst v0  }
0x22: {  	[tilespmem:s12+$0x4360] =	vst v0;
	s12 =	sshra.s32 s13, $0x2;
	s13 =	sadd.s32 $0x200, s13  }
0x23: {  	[tilespmem:s12+$0x4370] =	vst v0  }
0x24: {  	[tilespmem:s12+$0x4300] =	vst v0  }
0x25: {  	[tilespmem:s12+$0x4310] =	vst v0  }
0x26: {  	[tilespmem:s12+$0x4320] =	vst v0  }
0x27: {  	[tilespmem:s12+$0x4330] =	vst v0  }
0x28: {  	[tilespmem:s12+$0x4340] =	vst v0  }
0x29: {  	[tilespmem:s12+$0x4350] =	vst v0  }
0x2a: {  	[tilespmem:s12+$0x4360] =	vst v0;
	s16 =	sadd.s32 $0x0, s7  }
0x2b: {  	[spmem:s16] =	stream.linear.scatter [tilespmem:s21], [sflag:$0x3], $0x800, $0x38;
	[tilespmem:$0x19B80] =	vst v63  }
0x2c: {  	s12 =	simm.s32 $0x2000;
	_ =	swait.ge [sflag:s22], $0x800  }
.LBB2_4:
0x2d: {  	s13 =	sshra.s32 s12, $0x2;
	[sflag:s22] =	ssyncset.done $0x0;
	p1 =	sne.s32 s12, $0x4C000  }
.Ltmp1:
0x2e: {  	s13 =	sadd.s32 s13, s7;
	[sflag:s22] =	ssyncadd.s32 $0xFFFFF800;
	(pc) =	sbr.rel @p1 .LBB2_4-.Ltmp1, $3  }
0x2f: {  	[spmem:s13] =	stream.linear.scatter [tilespmem:s21], [sflag:$0x3], $0x800, $0x38;
	[tilespmem:$0x19B80] =	vst v63  }
0x30: {  	s12 =	sadd.s32 $0x2000, s12;
	_ =	sdelay $0x1  }
0x31: {  	_ =	swait.ge [sflag:s22], $0x800  }
0x32: {  	[sflag:s22] =	ssyncset.done $0x0  }
0x33: {  	s12 =	simm.s32 @!p0 $0x4300;
	[sflag:s22] =	ssyncadd.s32 $0xFFFFF800  }
0x34: {  	[spmem:s8] =	stream.linear.scatter @!p0 [tilespmem:s12], [sflag:$0x3], $0x800, $0x38;
	[tilespmem:$0x19B80] =	vst v63  }
0x35: {  	s12 =	simm.s32 @!p0 $0x3  }
0x36: {  	_ =	swait.ge @!p0 [sflag:s12], $0x800  }
0x37: {  	[sflag:s12] =	ssyncset.done @!p0 $0x0  }
0x38: {  	[sflag:s12] =	ssyncadd.s32 @!p0 $0xFFFFF800  }
0x39: {  	[bflag:$0x0] =	sbarrier.arrive $0xFFFF  }
0x3a: {  	s16 =	simm.s32 $0x0;
	s0 =	rddreg [dreg:$0x3]  }
0x3b: {  	[tilespmem:s16], [sflag:$0x3] =	stream.linear.gather [hbm4b:s0+s16], $0x40, $0x38;
	[tilespmem:$0x19B80] =	vst v63  }
0x3c: {  	_ =	swait.ge [sflag:s22], $0x40  }
0x3d: {  	[sflag:s22] =	ssyncset.done $0x0  }
0x3e: {  	s13 =	rddreg [dreg:$0x4];
	[sflag:s22] =	ssyncadd.s32 $0xFFFFFFC0  }
0x3f: {  	[tilespmem:s23], [sflag:$0x3] =	stream.linear.gather [hbm4b:s13+s16], $0x40, $0x38;
	[tilespmem:$0x19B80] =	vst v63  }
0x40: {  	_ =	swait.ge [sflag:s22], $0x40  }
0x41: {  	[sflag:s22] =	ssyncset.done $0x0  }
0x42: {  	[sflag:s22] =	ssyncadd.s32 $0xFFFFFFC0  }
0x43: {  	[tilespmem:s25], [sflag:$0x1] =	stream.indirect.gather [hbm4b:s4+s24], $0x80, s16, s24, $0xb8;
	[tilespmem:$0x19B80] =	vst v63  }
0x44: {  	s14 =	sadd.s32 $0x0, s19  }
0x45: {  	[tilespmem:s26], [sflag:$0x3] =	stream.linear.gather [hbm4b:s14+s2], $0x40, $0x38;
	[tilespmem:$0x19B80] =	vst v63  }
0x46: {  	_ =	swait.ge [sflag:s22], $0x40  }
0x47: {  	[sflag:s22] =	ssyncset.done $0x0  }
0x48: {  	s15 =	sadd.s32 $0x0, s18;
	[sflag:s22] =	ssyncadd.s32 $0xFFFFFFC0  }
0x49: {  	[tilespmem:s28], [sflag:$0x3] =	stream.linear.gather [hbm4b:s15+s2], $0x40, $0x38;
	[tilespmem:$0x19B80] =	vst v63  }
0x4a: {  	_ =	swait.ge [sflag:s22], $0x40  }
0x4b: {  	[sflag:s22] =	ssyncset.done $0x0  }
0x4c: {  	[sflag:s22] =	ssyncadd.s32 $0xFFFFFFC0  }
0x4d: {  	[tilespmem:s29], [sflag:$0x2] =	stream.indirect.gather [hbm4b:s4+s24], $0x80, s26, s24, $0xb8;
	[tilespmem:$0x19B80] =	vst v63  }
0x4e: {  	_ =	swait.ge [sflag:s30], $0x2000  }
0x4f: {  	[sflag:s30] =	ssyncset.done $0x0  }
0x50: {  	[sflag:s30] =	ssyncadd.s32 $0xFFFFE000  }
0x51: {  	[spmem:s1] =	stream.indirect.scatter.add.f32 [tilespmem:s25], [sflag:$0x3], $0x80, s23, s24, $0xb8;
	[tilespmem:$0x19B80] =	vst v63  }
0x52: {  	_ =	swait.ge [sflag:s22], $0x2000  }
0x53: {  	s16 =	sshrl.u32 s17, $0x3;
	[sflag:s22] =	ssyncset.done $0x0  }
0x54: {  	s13 =	sadd.s32 s5, s16;
	[sflag:s22] =	ssyncadd.s32 $0xFFFFE000  }
0x55: {  	[tilespmem:s2], [sflag:$0x3] =	stream.linear.gather [hbm4b:s13+s2], $0x40, $0x38;
	[tilespmem:$0x19B80] =	vst v63  }
0x56: {  	_ =	swait.ge [sflag:s22], $0x40  }
0x57: {  	[sflag:s22] =	ssyncset.done $0x0  }
0x58: {  	s12 =	sadd.s32 s6, s16;
	[sflag:s22] =	ssyncadd.s32 $0xFFFFFFC0  }
0x59: {  	[tilespmem:s23], [sflag:$0x3] =	stream.linear.gather [hbm4b:s12+s2], $0x40, $0x38;
	[tilespmem:$0x19B80] =	vst v63  }
0x5a: {  	_ =	swait.ge [sflag:s22], $0x40  }
0x5b: {  	[sflag:s22] =	ssyncset.done $0x0  }
0x5c: {  	[sflag:s22] =	ssyncadd.s32 $0xFFFFFFC0  }
0x5d: {  	[tilespmem:s25], [sflag:$0x1] =	stream.indirect.gather [hbm4b:s4+s24], $0x80, s2, s24, $0xb8;
	[tilespmem:$0x19B80] =	vst v63  }
0x5e: {  	_ =	swait.ge [sflag:s31], $0x2000  }
0x5f: {  	[sflag:s31] =	ssyncset.done $0x0  }
0x60: {  	[sflag:s31] =	ssyncadd.s32 $0xFFFFE000  }
0x61: {  	[spmem:s1] =	stream.indirect.scatter.add.f32 [tilespmem:s29], [sflag:$0x3], $0x80, s28, s24, $0xb8;
	[tilespmem:$0x19B80] =	vst v63  }
0x62: {  	s14 =	simm.s32 $0x20;
	_ =	swait.ge [sflag:s22], $0x2000  }
0x63: {  	s13 =	simm.s32 $0x10;
	s12 =	sadd.s32 $0x80, s17;
	[sflag:s22] =	ssyncset.done $0x0  }
.LBB2_6:
0x64: {  	s16 =	sadd.s32 s13, s19  }
0x65: {  	[sflag:s22] =	ssyncadd.s32 $0xFFFFE000;
	s0 =	smov.u32 s14;
	s15 =	sadd.s32 $0x10, s14  }
0x66: {  	[tilespmem:s26], [sflag:$0x3] =	stream.linear.gather [hbm4b:s16+s2], $0x40, $0x38;
	[tilespmem:$0x19B80] =	vst v63  }
0x67: {  	p1 =	sne.s32 s14, $0x4C0;
	_ =	swait.ge [sflag:s22], $0x40  }
0x68: {  	[sflag:s22] =	ssyncset.done $0x0  }
0x69: {  	s14 =	sadd.s32 s13, s18;
	s13 =	smov.u32 s0;
	[sflag:s22] =	ssyncadd.s32 $0xFFFFFFC0  }
0x6a: {  	[tilespmem:s28], [sflag:$0x3] =	stream.linear.gather [hbm4b:s14+s2], $0x40, $0x38;
	[tilespmem:$0x19B80] =	vst v63  }
0x6b: {  	_ =	swait.ge [sflag:s22], $0x40  }
0x6c: {  	[sflag:s22] =	ssyncset.done $0x0  }
0x6d: {  	[sflag:s22] =	ssyncadd.s32 $0xFFFFFFC0  }
0x6e: {  	[tilespmem:s29], [sflag:$0x2] =	stream.indirect.gather [hbm4b:s4+s24], $0x80, s26, s24, $0xb8;
	[tilespmem:$0x19B80] =	vst v63  }
0x6f: {  	_ =	swait.ge [sflag:s30], $0x2000  }
0x70: {  	[sflag:s30] =	ssyncset.done $0x0  }
0x71: {  	[sflag:s30] =	ssyncadd.s32 $0xFFFFE000  }
0x72: {  	[spmem:s1] =	stream.indirect.scatter.add.f32 [tilespmem:s25], [sflag:$0x3], $0x80, s23, s24, $0xb8;
	[tilespmem:$0x19B80] =	vst v63  }
0x73: {  	_ =	swait.ge [sflag:s22], $0x2000  }
0x74: {  	s0 =	sshrl.u32 s12, $0x3;
	[sflag:s22] =	ssyncset.done $0x0  }
0x75: {  	s14 =	sadd.s32 s5, s0;
	[sflag:s22] =	ssyncadd.s32 $0xFFFFE000  }
0x76: {  	[tilespmem:s2], [sflag:$0x3] =	stream.linear.gather [hbm4b:s14+s2], $0x40, $0x38;
	[tilespmem:$0x19B80] =	vst v63  }
0x77: {  	_ =	swait.ge [sflag:s22], $0x40  }
0x78: {  	[sflag:s22] =	ssyncset.done $0x0  }
0x79: {  	s0 =	sadd.s32 s6, s0;
	[sflag:s22] =	ssyncadd.s32 $0xFFFFFFC0  }
0x7a: {  	[tilespmem:s23], [sflag:$0x3] =	stream.linear.gather [hbm4b:s0+s2], $0x40, $0x38;
	[tilespmem:$0x19B80] =	vst v63  }
0x7b: {  	_ =	swait.ge [sflag:s22], $0x40  }
0x7c: {  	[sflag:s22] =	ssyncset.done $0x0  }
0x7d: {  	[sflag:s22] =	ssyncadd.s32 $0xFFFFFFC0  }
0x7e: {  	[tilespmem:s25], [sflag:$0x1] =	stream.indirect.gather [hbm4b:s4+s24], $0x80, s2, s24, $0xb8;
	[tilespmem:$0x19B80] =	vst v63  }
0x7f: {  	_ =	swait.ge [sflag:s31], $0x2000  }
.Ltmp2:
0x80: {  	[sflag:s31] =	ssyncset.done $0x0;
	(pc) =	sbr.rel @p1 .LBB2_6-.Ltmp2, $4  }
0x81: {  	[sflag:s31] =	ssyncadd.s32 $0xFFFFE000  }
0x82: {  	[spmem:s1] =	stream.indirect.scatter.add.f32 [tilespmem:s29], [sflag:$0x3], $0x80, s28, s24, $0xb8;
	[tilespmem:$0x19B80] =	vst v63  }
0x83: {  	_ =	swait.ge [sflag:s22], $0x2000  }
0x84: {  	s12 =	sadd.s32 $0x80, s12;
	s14 =	smov.u32 s15;
	[sflag:s22] =	ssyncset.done $0x0  }
0x85: {  	s0 =	sadd.s32 s13, s19;
	[sflag:s22] =	ssyncadd.s32 $0xFFFFE000  }
0x86: {  	[tilespmem:s26], [sflag:$0x3] =	stream.linear.gather [hbm4b:s0+s2], $0x40, $0x38;
	[tilespmem:$0x19B80] =	vst v63  }
0x87: {  	_ =	swait.ge [sflag:s22], $0x40  }
0x88: {  	[sflag:s22] =	ssyncset.done $0x0  }
0x89: {  	s13 =	sadd.s32 s13, s18;
	[sflag:s22] =	ssyncadd.s32 $0xFFFFFFC0  }
0x8a: {  	[tilespmem:s28], [sflag:$0x3] =	stream.linear.gather [hbm4b:s13+s2], $0x40, $0x38;
	[tilespmem:$0x19B80] =	vst v63  }
0x8b: {  	_ =	swait.ge [sflag:s22], $0x40  }
0x8c: {  	[sflag:s22] =	ssyncset.done $0x0  }
0x8d: {  	[sflag:s22] =	ssyncadd.s32 $0xFFFFFFC0  }
0x8e: {  	[tilespmem:s29], [sflag:$0x2] =	stream.indirect.gather [hbm4b:s4+s24], $0x80, s26, s24, $0xb8;
	[tilespmem:$0x19B80] =	vst v63  }
0x8f: {  	_ =	swait.ge [sflag:s30], $0x2000  }
0x90: {  	[sflag:s30] =	ssyncset.done $0x0  }
0x91: {  	[sflag:s30] =	ssyncadd.s32 $0xFFFFE000  }
0x92: {  	[spmem:s1] =	stream.indirect.scatter.add.f32 [tilespmem:s25], [sflag:$0x3], $0x80, s23, s24, $0xb8;
	[tilespmem:$0x19B80] =	vst v63  }
0x93: {  	_ =	swait.ge [sflag:s22], $0x2000  }
0x94: {  	s14 =	sshrl.u32 s12, $0x3;
	[sflag:s22] =	ssyncset.done $0x0  }
0x95: {  	s12 =	sadd.s32 s5, s14;
	[sflag:s22] =	ssyncadd.s32 $0xFFFFE000  }
0x96: {  	[tilespmem:s2], [sflag:$0x3] =	stream.linear.gather [hbm4b:s12+s2], $0x40, $0x38;
	[tilespmem:$0x19B80] =	vst v63  }
0x97: {  	_ =	swait.ge [sflag:s22], $0x40  }
0x98: {  	[sflag:s22] =	ssyncset.done $0x0  }
0x99: {  	s0 =	sadd.s32 s6, s14;
	[sflag:s22] =	ssyncadd.s32 $0xFFFFFFC0  }
0x9a: {  	[tilespmem:s23], [sflag:$0x3] =	stream.linear.gather [hbm4b:s0+s2], $0x40, $0x38;
	[tilespmem:$0x19B80] =	vst v63  }
0x9b: {  	_ =	swait.ge [sflag:s22], $0x40  }
0x9c: {  	[sflag:s22] =	ssyncset.done $0x0  }
0x9d: {  	[sflag:s22] =	ssyncadd.s32 $0xFFFFFFC0  }
0x9e: {  	[tilespmem:s25], [sflag:$0x1] =	stream.indirect.gather [hbm4b:s4+s24], $0x80, s2, s24, $0xb8;
	[tilespmem:$0x19B80] =	vst v63  }
0x9f: {  	_ =	swait.ge [sflag:s31], $0x2000  }
0xa0: {  	[sflag:s31] =	ssyncset.done $0x0  }
0xa1: {  	[sflag:s31] =	ssyncadd.s32 $0xFFFFE000  }
0xa2: {  	[spmem:s1] =	stream.indirect.scatter.add.f32 [tilespmem:s29], [sflag:$0x3], $0x80, s28, s24, $0xb8;
	[tilespmem:$0x19B80] =	vst v63  }
0xa3: {  	_ =	swait.ge [sflag:s22], $0x2000  }
0xa4: {  	[sflag:s22] =	ssyncset.done $0x0  }
0xa5: {  	s0 =	simm.s32 $0x0;
	s15 =	rddreg [dreg:$0x9];
	[sflag:s22] =	ssyncadd.s32 $0xFFFFE000  }
0xa6: {  	[tilespmem:s26], [sflag:$0x3] =	stream.linear.gather [hbm4b:s15+s0], $0x40, $0x38;
	[tilespmem:$0x19B80] =	vst v63  }
0xa7: {  	_ =	swait.ge [sflag:s22], $0x40  }
0xa8: {  	[sflag:s22] =	ssyncset.done $0x0  }
0xa9: {  	s16 =	rddreg [dreg:$0xa];
	[sflag:s22] =	ssyncadd.s32 $0xFFFFFFC0  }
0xaa: {  	[tilespmem:s28], [sflag:$0x3] =	stream.linear.gather [hbm4b:s16+s0], $0x40, $0x38;
	[tilespmem:$0x19B80] =	vst v63  }
0xab: {  	_ =	swait.ge [sflag:s22], $0x40  }
0xac: {  	[sflag:s22] =	ssyncset.done $0x0  }
0xad: {  	[sflag:s22] =	ssyncadd.s32 $0xFFFFFFC0  }
0xae: {  	[tilespmem:s29], [sflag:$0x2] =	stream.indirect.gather [hbm4b:s4+s24], $0x80, s26, s24, $0xb8;
	[tilespmem:$0x19B80] =	vst v63  }
0xaf: {  	_ =	swait.ge [sflag:s30], $0x2000  }
0xb0: {  	[sflag:s30] =	ssyncset.done $0x0  }
0xb1: {  	[sflag:s30] =	ssyncadd.s32 $0xFFFFE000  }
0xb2: {  	[spmem:s1] =	stream.indirect.scatter.add.f32 [tilespmem:s25], [sflag:$0x3], $0x80, s23, s24, $0xb8;
	[tilespmem:$0x19B80] =	vst v63  }
0xb3: {  	_ =	swait.ge [sflag:s22], $0x2000  }
0xb4: {  	[sflag:s22] =	ssyncset.done $0x0  }
0xb5: {  	[sflag:s22] =	ssyncadd.s32 $0xFFFFE000  }
0xb6: {  	_ =	swait.ge [sflag:s31], $0x2000  }
0xb7: {  	[sflag:s31] =	ssyncset.done $0x0  }
0xb8: {  	[sflag:s31] =	ssyncadd.s32 $0xFFFFE000  }
0xb9: {  	[spmem:s1] =	stream.indirect.scatter.add.f32 [tilespmem:s29], [sflag:$0x3], $0x80, s28, s24, $0xb8;
	[tilespmem:$0x19B80] =	vst v63  }
0xba: {  	_ =	swait.ge [sflag:s22], $0x2000  }
0xbb: {  	[sflag:s22] =	ssyncset.done $0x0  }
0xbc: {  	s14 =	simm.s32 $0x4200;
	s13 =	rddreg [dreg:$0x5];
	[sflag:s22] =	ssyncadd.s32 $0xFFFFE000  }
0xbd: {  	[tilespmem:s14], [sflag:$0x3] =	stream.linear.gather [hbm4b:s13+s0], $0x10, $0x38;
	[tilespmem:$0x19B80] =	vst v63  }
0xbe: {  	_ =	swait.ge [sflag:s22], $0x10  }
0xbf: {  	[sflag:s22] =	ssyncset.done $0x0  }
0xc0: {  	s15 =	rddreg [dreg:$0x6];
	[sflag:s22] =	ssyncadd.s32 $0xFFFFFFF0  }
0xc1: {  	[tilespmem:s3], [sflag:$0x3] =	stream.linear.gather [hbm4b:s15+s0], $0x10, $0x38;
	[tilespmem:$0x19B80] =	vst v63  }
0xc2: {  	_ =	swait.ge [sflag:s22], $0x10  }
0xc3: {  	[sflag:s22] =	ssyncset.done $0x0  }
0xc4: {  	[sflag:s22] =	ssyncadd.s32 $0xFFFFFFF0  }
0xc5: {  	[tilespmem:s21], [sflag:$0x1] =	stream.indirect.gather [hbm4b:s4+s9], $0x80, s14, s9, $0xb8;
	[tilespmem:$0x19B80] =	vst v63  }
0xc6: {  	_ =	swait.ge [sflag:s30], $0x800  }
0xc7: {  	[sflag:s30] =	ssyncset.done $0x0  }
0xc8: {  	[sflag:s30] =	ssyncadd.s32 $0xFFFFF800  }
0xc9: {  	[spmem:s1] =	stream.indirect.scatter.add.f32 [tilespmem:s21], [sflag:$0x3], $0x80, s3, s9, $0xb8;
	[tilespmem:$0x19B80] =	vst v63  }
0xca: {  	_ =	swait.ge [sflag:s22], $0x800  }
0xcb: {  	[sflag:s22] =	ssyncset.done $0x0  }
0xcc: {  	[sflag:s22] =	ssyncadd.s32 $0xFFFFF800  }
0xcd: {  	[bflag:$0x0] =	sbarrier.arrive $0xFFFF  }
0xce: {  	[tilespmem:s10], [sflag:$0x3] =	stream.linear.gather [spmem:s7], $0x1800, $0x38;
	[tilespmem:$0x19B80] =	vst v63  }
0xcf: {  	_ =	swait.ge [sflag:s22], $0x1800  }
0xd0: {  	[sflag:s22] =	ssyncset.done $0x0  }
0xd1: {  	s16 =	sadd.s32 $0x0, s20;
	[sflag:s22] =	ssyncadd.s32 $0xFFFFE800  }
0xd2: {  	[hbm4b:s16+s2] =	stream.linear.scatter [tilespmem:s10], [sflag:$0x3], $0x1800, $0x38;
	[tilespmem:$0x19B80] =	vst v63  }
0xd3: {  	_ =	swait.ge [sflag:s22], $0x1800  }
0xd4: {  	s12 =	simm.s32 $0x300;
	s13 =	smov.u32 s7;
	[sflag:s22] =	ssyncset.done $0x0  }
.LBB2_8:
0xd5: {  	p1 =	sne.s32 s12, $0x2400;
	[sflag:s22] =	ssyncadd.s32 $0xFFFFE800;
	s13 =	sadd.s32 $0x1800, s13  }
0xd6: {  	[tilespmem:s10], [sflag:$0x3] =	stream.linear.gather [spmem:s13], $0x1800, $0x38;
	[tilespmem:$0x19B80] =	vst v63  }
0xd7: {  	s0 =	smov.u32 s12;
	s12 =	sadd.s32 $0x300, s12;
	_ =	swait.ge [sflag:s22], $0x1800  }
.Ltmp3:
0xd8: {  	[sflag:s22] =	ssyncset.done $0x0;
	(pc) =	sbr.rel @p1 .LBB2_8-.Ltmp3, $4  }
0xd9: {  	s0 =	sadd.s32 s0, s20;
	[sflag:s22] =	ssyncadd.s32 $0xFFFFE800  }
0xda: {  	[hbm4b:s0+s2] =	stream.linear.scatter [tilespmem:s10], [sflag:$0x3], $0x1800, $0x38;
	[tilespmem:$0x19B80] =	vst v63  }
0xdb: {  	_ =	swait.ge [sflag:s22], $0x1800  }
0xdc: {  	[sflag:s22] =	ssyncset.done $0x0  }
0xdd: {  	[sflag:s22] =	ssyncadd.s32 $0xFFFFE800;
	s0 =	simm.s32 @!p0 $0x4300;
	s12 =	simm.s32 @!p0 $0x3  }
0xde: {  	[tilespmem:s0], [sflag:$0x3] =	stream.linear.gather @!p0 [spmem:s8], $0x800, $0x38;
	[tilespmem:$0x19B80] =	vst v63  }
0xdf: {  	_ =	swait.ge @!p0 [sflag:s12], $0x800  }
0xe0: {  	[sflag:s12] =	ssyncset.done @!p0 $0x0  }
0xe1: {  	s13 =	simm.s32 @!p0 $0x0;
	s14 =	rddreg [dreg:$0x7];
	[sflag:s12] =	ssyncadd.s32 @!p0 $0xFFFFF800  }
0xe2: {  	[hbm4b:s14+s13] =	stream.linear.scatter @!p0 [tilespmem:s0], [sflag:$0x3], $0x800, $0x38;
	[tilespmem:$0x19B80] =	vst v63  }
0xe3: {  	_ =	swait.ge @!p0 [sflag:s12], $0x800  }
0xe4: {  	s11 =	sadd.s32 $0x1, s11;
	s16 =	rddreg [dreg:$0x8]  }
0xe5: {  	p1 =	sne.s32 s11, s16  }
.Ltmp4:
0xe6: {  	_ = 	snop;
	(pc) =	sbr.rel @p1 .LBB2_1-.Ltmp4, $3  }
0xe7: {  	_ =	sdelay $0x1  }
0xe8: {  	[sflag:s12] =	ssyncset.done @!p0 $0x0  }
0xe9: {  	[sflag:s12] =	ssyncadd.s32 @!p0 $0xFFFFF800  }
0xea: {  	_ =	sfence.sel $0x180000  }
0xeb: {  	[bflag:$0x0] =	sbarrier.arrive $0xFFFF  }
0xec: {  	_ =	strace $0x9000004D  }
0xed: {  	s0 =	stileid.u32;
	[bflag:$0x2] =	sbarrier.arrive $0xFFFF  }
0xee: {  	p0 =	sne.s32 s0, $0x0;
	s0 =	rddreg [dreg:$0x2]  }
0xef: {  	s0 =	sadd.s32 @!p0 $0x100000, s0  }
0xf0: {  	[sflag:s0] =	ssyncadd.tile.s32 @!p0 $0x1;
	_ =	shalt  }
.Lfunc_end2:
_tile_overlayer_lowered:
.L_overlay_start_2:
0xf1: {  	(tag) =	ssettag $0x2  }
0xf2: {  	s0 =	rddreg [dreg:$0x0];
	s2 =	stileid.u32  }
0xf3: {  	s1 =	rddreg [dreg:$0x1];
	p0 =	sne.s32 s2, $0x0  }
0xf4: {  	s3 =	rddreg [dreg:$0x2];
	[bflag:$0x3] =	sbarrier.arrive $0xFFFF;
	s2 =	simm.s32 @!p0 $0x1C03  }
0xf5: {  	[timem:s3], [sflag:s2] =	dma.local @!p0 [hbm:s0], s1  }
0xf6: {  	s0 =	simm.s32 @!p0 $0x3  }
0xf7: {  	_ =	swait.ge @!p0 [sflag:s0], s1  }
0xf8: {  	s1 =	ssub.s32 @!p0 $0x0, s1;
	[sflag:s0] =	ssyncset.done @!p0 $0x0  }
0xf9: {  	[sflag:s0] =	ssyncadd.s32 @!p0 s1  }
0xfa: {  	[bflag:$0x3] =	sbarrier.arrive $0xFFFF  }
0xfb: {  	_ =	shalt  }

// kernel: kernel.23.cloned.1.call-start
scs
__scs_entry_jumppad:
0x0: {  	(pc) =	sbr.rel $0x88, $3  }
0x1: {  	(tag) =	ssettag $0x0;
	lr =	simm.s32 $0x1  }
0x2: {  	[smem:$0x3F7B] =	sst lr;
	_ =	strace $0xD0000000  }
0x3: {  	_ = 	snop  }
0x4: {  	_ = 	snop  }
0x5: {  	_ = 	snop  }
0x6: {  	_ = 	snop  }
0x7: {  	_ = 	snop  }
__scs_overlays_trampoline_lowered:
0x8: {  	[smem:$0x3F8A] =	sst s0  }
0x9: {  	[smem:$0x3F8B] =	sst s1  }
0xa: {  	[smem:$0x3F8C] =	sst s2  }
0xb: {  	[smem:$0x3F8D] =	sst s3  }
0xc: {  	[smem:$0x3F8E] =	sst s4  }
0xd: {  	[smem:$0x3F8F] =	sst s5  }
0xe: {  	[smem:$0x3F90] =	sst s6  }
0xf: {  	[smem:$0x3F91] =	sst s7  }
0x10: {  	[smem:$0x3F92] =	sst s8  }
0x11: {  	[smem:$0x3F93] =	sst s9;
	s0 =	simm.s32 @!p0 $0x0  }
0x12: {  	s1 =	sld [smem:$0x3F79];
	s0 =	simm.s32 @p0 $0x1  }
0x13: {  	[smem:$0x3F94] =	sst s0;
	s0 =	simm.s32 @!p1 $0x0  }
0x14: {  	s2 =	sld [smem:$0x3F78];
	s0 =	simm.s32 @p1 $0x1  }
0x15: {  	[smem:$0x3F95] =	sst s0;
	s0 =	simm.s32 @!p2 $0x0  }
0x16: {  	s3 =	sld [smem:$0x3FDB];
	s0 =	simm.s32 @p2 $0x1  }
0x17: {  	s4 =	simm.s32 $0x1BF5;
	[smem:$0x3F97] =	sst s0  }
0x18: {  	s0 =	sld [smem:$0x3F7A];
	_ =	swait.ge [sflag:s4], $0x0  }
0x19: {  	s7 =	sld [smem:$0x3F7B]  }
0x1a: {  	s8 =	sadd.s32 $0xFFFFE003, lr  }
0x1b: {  	s9 =	sadd.s32 $0xFFFFFEF7, lr;
	s5 =	simm.s32 $0xFFFFFFFF;
	p2 =	slt.u32 s8, $0xFFFFF086  }
0x1c: {  	p1 =	slt.u32 s9, $0xF7A;
	s5 =	simm.s32 @!p2 $0x0  }
0x1d: {  	s5 =	simm.s32 @p1 $0x1;
	p0 =	seq.s32 s7, s2  }
0x1e: {  	s7 =	smul.u32 @!p0 $0xF7A, s2;
	p2 =	seq.s32 @!p0 s5, $0x0  }
0x1f: {  	s9 =	smul.u32 $0xF7A, s1;
	s8 =	simm.s32 @!p0 $0x1BF5;
	p2 =	por !p2, p0  }
0x20: {  	[sflag:s8] =	ssyncset.s32 @!p0 $0xFFFFF086;
	s6 =	sadd.s32 @!p0 s3, s7;
	s7 =	simm.s32 @!p0 $0x108  }
0x21: {  	s3 =	sadd.s32 s3, s9;
	s6 =	sadd.s32 @!p0 $0x88, s6;
	s7 =	simm.s32 @p2 $0x1082  }
0x22: {  	[simem:s7], [sflag:s8] =	dma.local @!p0 [hbm:s6], $0xF7A  }
0x23: {  	s9 =	sor.u32 $0xD0000000, s2;
	s6 =	simm.s32 $0x108;
	_ =	swait.ge @!p0 [sflag:s8], $0x0  }
0x24: {  	s3 =	sadd.s32 $0x88, s3;
	s6 =	simm.s32 @!p1 $0x1082;
	[sflag:s4] =	ssyncset.s32 $0xFFFFF086  }
0x25: {  	[simem:s6], [sflag:s4] =	dma.local [hbm:s3], $0xF7A  }
0x26: {  	[smem:$0x3F7B] =	sst s1;
	(tag) =	ssettag s2;
	_ =	strace s9  }
0x27: {  	s1 =	sld [smem:$0x3F8B]  }
0x28: {  	s2 =	sld [smem:$0x3F8C]  }
0x29: {  	s4 =	sld [smem:$0x3F8E]  }
0x2a: {  	p0 =	seq.s32 s5, $0x0;
	s5 =	sld [smem:$0x3F8F]  }
0x2b: {  	s6 =	sld [smem:$0x3F90]  }
0x2c: {  	s7 =	sld [smem:$0x3F91]  }
0x2d: {  	s3 =	simm.s32 $0x108;
	s8 =	sld [smem:$0x3F92]  }
0x2e: {  	s3 =	simm.s32 @!p0 $0x1082;
	s9 =	sld [smem:$0x3F93]  }
0x2f: {  	lr =	sadd.s32 s0, s3;
	s0 =	sld [smem:$0x3F8A]  }
0x30: {  	s3 =	sld [smem:$0x3F8D]  }
0x31: {  	[smem:$0x3F96] =	sst s10  }
0x32: {  	s10 =	sld [smem:$0x3F94];
	_ =	sdelay $0x3  }
0x33: {  	p0 =	seq.s32 s10, $0x1;
	s10 =	sld [smem:$0x3F96];
	_ =	sdelay $0x3  }
0x34: {  	[smem:$0x3F96] =	sst s10  }
0x35: {  	s10 =	sld [smem:$0x3F95];
	_ =	sdelay $0x3  }
0x36: {  	p1 =	seq.s32 s10, $0x1;
	s10 =	sld [smem:$0x3F96];
	_ =	sdelay $0x3  }
0x37: {  	[smem:$0x3F96] =	sst s10  }
0x38: {  	s10 =	sld [smem:$0x3F97]  }
0x39: {  	_ = 	snop;
	(pc) =	sbr.ind lr, $3  }
0x3a: {  	_ = 	snop  }
0x3b: {  	_ = 	snop  }
0x3c: {  	p2 =	seq.s32 s10, $0x1;
	s10 =	sld [smem:$0x3F96]  }
0x3d: {  	_ =	shalt  }
0x3e: {  	_ =	shalt  }
0x3f: {  	_ =	shalt  }
0x40: {  	_ =	shalt  }
0x41: {  	_ =	shalt  }
0x42: {  	_ =	shalt  }
0x43: {  	_ =	shalt  }
0x44: {  	_ =	shalt  }
0x45: {  	_ =	shalt  }
0x46: {  	_ =	shalt  }
0x47: {  	_ =	shalt  }
0x48: {  	_ =	shalt  }
0x49: {  	_ =	shalt  }
0x4a: {  	_ =	shalt  }
0x4b: {  	_ =	shalt  }
0x4c: {  	_ =	shalt  }
0x4d: {  	_ =	shalt  }
0x4e: {  	_ =	shalt  }
0x4f: {  	_ =	shalt  }
0x50: {  	_ =	shalt  }
0x51: {  	_ =	shalt  }
0x52: {  	_ =	shalt  }
0x53: {  	_ =	shalt  }
0x54: {  	_ =	shalt  }
0x55: {  	_ =	shalt  }
0x56: {  	_ =	shalt  }
0x57: {  	_ =	shalt  }
0x58: {  	_ =	shalt  }
0x59: {  	_ =	shalt  }
0x5a: {  	_ =	shalt  }
0x5b: {  	_ =	shalt  }
0x5c: {  	_ =	shalt  }
0x5d: {  	_ =	shalt  }
0x5e: {  	_ =	shalt  }
0x5f: {  	_ =	shalt  }
0x60: {  	_ =	shalt  }
0x61: {  	_ =	shalt  }
0x62: {  	_ =	shalt  }
0x63: {  	_ =	shalt  }
0x64: {  	_ =	shalt  }
0x65: {  	_ =	shalt  }
0x66: {  	_ =	shalt  }
0x67: {  	_ =	shalt  }
0x68: {  	_ =	shalt  }
0x69: {  	_ =	shalt  }
0x6a: {  	_ =	shalt  }
0x6b: {  	_ =	shalt  }
0x6c: {  	_ =	shalt  }
0x6d: {  	_ =	shalt  }
0x6e: {  	_ =	shalt  }
0x6f: {  	_ =	shalt  }
0x70: {  	_ =	shalt  }
0x71: {  	_ =	shalt  }
0x72: {  	_ =	shalt  }
0x73: {  	_ =	shalt  }
0x74: {  	_ =	shalt  }
0x75: {  	_ =	shalt  }
0x76: {  	_ =	shalt  }
0x77: {  	_ =	shalt  }
0x78: {  	_ =	shalt  }
0x79: {  	_ =	shalt  }
0x7a: {  	_ =	shalt  }
0x7b: {  	_ =	shalt  }
0x7c: {  	_ =	shalt  }
0x7d: {  	_ =	shalt  }
0x7e: {  	_ =	shalt  }
0x7f: {  	_ =	shalt  }
0x80: {  	_ =	shalt  }
0x81: {  	_ =	shalt  }
0x82: {  	_ =	shalt  }
0x83: {  	_ =	shalt  }
0x84: {  	_ =	shalt  }
0x85: {  	_ =	shalt  }
0x86: {  	_ =	shalt  }
0x87: {  	_ =	shalt  }
.Lfunc_end0:
.L_simem_size_0:
called_computation.3_lowered:
.L_overlay_start_0:
0x88: {  	s2 =	sld [smem:$0x3FD9]  }
0x89: {  	s3 =	sld [smem:$0x3FFE];
	_ =	sdelay $0x1  }
0x8a: {  	s1 =	srdreg.scid  }
0x8b: {  	s0 =	sand.u32 $0x1, s1  }
0x8c: {  	s16 =	sshll.u32 s0, $0xA;
	s2 =	sadd.s32 s3, s2  }
0x8d: {  	s2 =	sadd.s32 s2, s16  }
0x8e: {  	[smem:$0x3FA2] =	sst s2  }
0x8f: {  	_ = 	snop  }
0x90: {  	(tm) =	ssettm $0x1  }
0x91: {  	s17 =	sld [smem:$0x3FFB];
	_ =	sdelay $0x3  }
0x92: {  	_ =	strace s17  }
0x93: {  	s2 =	sld [smem:$0x3FFC];
	_ =	sdelay $0x3  }
0x94: {  	_ =	strace s2  }
0x95: {  	s2 =	sld [smem:$0x3FFD];
	_ =	sdelay $0x3  }
0x96: {  	_ =	strace s2  }
0x97: {  	_ =	strace $0x8FFFFFFF  }
0x98: {  	s18 =	sld [smem:$0x3FDB];
	_ =	sdelay $0x1  }
0x99: {  	s19 =	simm.s32 $_scs_section_size  }
0x9a: {  	s4 =	simm.s32 $_size__tile_overlayer_lowered;
	s5 =	simm.s32 $_tile_overlayer_lowered  }
0x9b: {  	s22 =	simm.s32 $0x1BFF;
	s21 =	sshll.u32 s5, $0x1;
	s2 =	sadd.s32 s19, s18  }
0x9c: {  	s6 =	simm.s32 $0x0;
	s20 =	sshll.u32 s4, $0x1;
	s4 =	sadd.s32 s21, s2  }
0x9d: {  	[timem:s6], [sflag:s22] =	dma.local [hbm:s4], s20  }
0x9e: {  	_ =	swait.ge [sflag:s22], s20  }
0x9f: {  	s3 =	ssub.s32 $0x0, s20;
	[sflag:s22] =	ssyncset.done $0x0  }
0xa0: {  	[sflag:s22] =	ssyncadd.s32 s3;
	_ =	sdelay $0x1  }
0xa1: {  	s23 =	simm.s32 $0x1B8B  }
0xa2: {  	_ =	swait.ge [sflag:s23], $0x1  }
0xa3: {  	[sflag:s23] =	ssyncset.done $0x0  }
0xa4: {  	s25 =	simm.s32 $0x1B8E;
	s24 =	sld [smem:$0x3FFE];
	[sflag:s23] =	ssyncadd.s32 $0xFFFFFFFF  }
0xa5: {  	s26 =	simm.s32 $execute0_lowered;
	[smem:$0x3FD2] =	sst s25  }
0xa6: {  	s4 =	sshll.u32 s26, $0x1;
	_ =	strace $0x8000004F;
	[dreg:$0x1] =	wrdreg $0xFFFFFFFF  }
0xa7: {  	s28 =	simm.s32 $_size_execute0_lowered;
	s2 =	sadd.s32 s2, s4;
	[dreg:$0x0] =	wrdreg $0x0  }
0xa8: {  	s4 =	sshll.u32 s28, $0x1;
	[dreg:$0x2] =	wrdreg s2  }
0xa9: {  	[dreg:$0x3] =	wrdreg s4  }
0xaa: {  	[dreg:$0x4] =	wrdreg $0xC0  }
0xab: {  	_ =	task [dreg:s6], $0x5FFFF  }
0xac: {  	[dreg:$0x1] =	wrdreg $0xFFFFFFFF  }
0xad: {  	[dreg:$0x0] =	wrdreg $0x60  }
0xae: {  	[dreg:$0x2] =	wrdreg s24  }
0xaf: {  	[dreg:$0x3] =	wrdreg $0x63000  }
0xb0: {  	[dreg:$0x4] =	wrdreg $0x9  }
0xb1: {  	_ =	task.clear_ibuf [dreg:s6], $0x5FFFF;
	_ =	strace $0x9000004F  }
0xb2: {  	s29 =	simm.s32 $0x9;
	_ =	strace $0x80000051  }
0xb3: {  	_ =	swait.ge [sflag:s29], $0x1  }
0xb4: {  	[sflag:s29] =	ssyncadd.s32 $0xFFFFFFFF  }
0xb5: {  	_ =	strace $0x90000051  }
0xb6: {  	_ =	sfence  }
0xb7: {  	s30 =	sld [smem:$0x0];
	_ =	sdelay $0x2  }
0xb8: {  	s31 =	sshll.u32 s1, $0xD;
	s1 =	sshrl.u32 s1, $0x2  }
0xb9: {  	s3 =	sand.u32 $0x4000, s31;
	s1 =	sadd.s32 s1, s30  }
0xba: {  	s0 =	sor.u32 s3, s0;
	s1 =	sshll.u32 s1, $0x11  }
0xbb: {  	s0 =	sor.u32 s1, s0  }
0xbc: {  	s0 =	sadd.s32 $0x8F2B, s0  }
0xbd: {  	[sflag:s0] =	ssyncadd.remote.s32 $0x1  }
0xbe: {  	_ =	sfence.sel $0xFFFF  }
0xbf: {  	[dreg:$0x0] =	wrdreg $0xFFFFFFFF;
	(pc) =	sbr.abs _section_cstart, $3  }
0xc0: {  	[dreg:$0x1] =	wrdreg $0xFFFFFFFF  }
0xc1: {  	_ =	task.clear_ibuf [dreg:s6], $0x2FFFF;
	_ =	strace $0x9FFFFFFF  }
0xc2: {  	(tm) =	ssettm $0x7FFFFFFF  }
0xc3: {  	_ =	shalt  }
tec
execute0_lowered:
.L_overlay_start_1:
0x0: {  	(tag) =	ssettag $0x1  }
0x1: {  	s0 =	rddreg [dreg:$0x0]  }
0x2: {  	s1 =	rddreg [dreg:$0x1]  }
0x3: {  	s2 =	simm.s32 $0x0;
	s3 =	srdreg.scid;
	s15 =	stileid.u32  }
0x4: {  	s28 =	simm.s32 $0x2180;
	s29 =	simm.s32 $0x2200;
	s30 =	simm.s32 $0x1  }
0x5: {  	s31 =	simm.s32 $0x2;
	[smem:$0x7FF] =	sst s2;
	s8 =	smul.u32 $0x4E000, s15  }
0x6: {  	s3 =	sand.u32 $0x1, s3;
	s4 =	sadd.s32 $0x17000, s0;
	s14 =	smul.u32 $0x2710, s15  }
0x7: {  	s22 =	smul.u32 $0x13800, s15;
	p0 =	sne.s32 s15, $0xF;
	_ =	strace $0x80000050  }
0x8: {  	s5 =	sshll.u32 s3, $0x4;
	s7 =	ssub.s32 $0x2, s3;
	s11 =	smul.u32 $0x138800, s3  }
0x9: {  	s3 =	smul.u32 $0x27100, s3;
	s6 =	sor.u32 s15, s5;
	s5 =	sadd.s32 $0xD200, s0  }
0xa: {  	s9 =	sshrl.u32 s7, $0x1;
	s19 =	sshrl.u32 s8, $0x2;
	s8 =	sadd.s32 $0x138000, s1  }
0xb: {  	s10 =	smul.u32 $0x2710, s6;
	s6 =	sadd.s32 $0x3400, s0;
	s0 =	sadd.s32 $0x3E200, s0  }
0xc: {  	s9 =	ssub.s32 s7, s9;
	s7 =	sadd.s32 s19, s1;
	s21 =	sshrl.u32 s11, $0x3  }
0xd: {  	s3 =	sadd.s32 s14, s3;
	s25 =	sadd.s32 s22, s11;
	s22 =	simm.s32 $0x3  }
0xe: {  	s11 =	simm.s32 $0x0;
	s9 =	smax.u32 s9, $0x1;
	s24 =	sadd.s32 $0x40, s3  }
0xf: {  	s17 =	sadd.s32 $0x80, s3;
	s26 =	sshrl.u32 s25, $0x3;
	s25 =	simm.s32 $0x100  }
0x10: {  	s3 =	simm.s32 $0x4280;
	s10 =	sshrl.u32 s10, $0x3;
	[dreg:$0x8] =	wrdreg s9  }
0x11: {  	s9 =	sshrl.u32 s24, $0x3;
	s24 =	simm.s32 $0x40;
	s12 =	sadd.s32 s5, s10  }
0x12: {  	s20 =	sadd.s32 s6, s10;
	s13 =	sadd.s32 $0x4E0, s10;
	s10 =	sadd.s32 $0x4D8, s10  }
0x13: {  	s18 =	sadd.s32 s9, s6;
	s19 =	sadd.s32 s9, s5;
	[dreg:$0x3] =	wrdreg s12  }
0x14: {  	s9 =	simm.s32 $0x10;
	[dreg:$0x4] =	wrdreg s20;
	s16 =	sadd.s32 s5, s13  }
0x15: {  	s12 =	sadd.s32 s0, s21;
	s13 =	sadd.s32 s6, s13;
	[dreg:$0x5] =	wrdreg s16  }
0x16: {  	s23 =	sadd.s32 s5, s10;
	s10 =	sadd.s32 s6, s10;
	[dreg:$0x6] =	wrdreg s13  }
0x17: {  	s20 =	sadd.s32 s26, s0;
	s21 =	simm.s32 $0x4300;
	[dreg:$0x9] =	wrdreg s23  }
0x18: {  	s26 =	simm.s32 $0x2100;
	s12 =	sadd.s32 $0x27000, s12;
	[dreg:$0xa] =	wrdreg s10  }
0x19: {  	v0 =	vimm.f32 $0.0e+00;
	s23 =	simm.s32 $0x80;
	s10 =	simm.s32 $0x4B00;
	[dreg:$0x7] =	wrdreg s12  }
.LBB2_1:
0x1a: {  	s12 =	simm.s32 $0x0;
	s13 =	simm.s32 $0x200  }
.LBB2_2:
0x1b: {  	p1 =	sne.s32 s13, $0x1E00;
	[tilespmem:s12+$0x4370] =	vst v0  }
0x1c: {  	[tilespmem:s12+$0x4300] =	vst v0  }
0x1d: {  	[tilespmem:s12+$0x4310] =	vst v0  }
.Ltmp0:
0x1e: {  	[tilespmem:s12+$0x4320] =	vst v0;
	(pc) =	sbr.rel @p1 .LBB2_2-.Ltmp0, $4  }
0x1f: {  	[tilespmem:s12+$0x4330] =	vst v0  }
0x20: {  	[tilespmem:s12+$0x4340] =	vst v0  }
0x21: {  	[tilespmem:s12+$0x4350] =	vst v0  }
0x22: {  	[tilespmem:s12+$0x4360] =	vst v0;
	s12 =	sshra.s32 s13, $0x2;
	s13 =	sadd.s32 $0x200, s13  }
0x23: {  	[tilespmem:s12+$0x4370] =	vst v0  }
0x24: {  	[tilespmem:s12+$0x4300] =	vst v0  }
0x25: {  	[tilespmem:s12+$0x4310] =	vst v0  }
0x26: {  	[tilespmem:s12+$0x4320] =	vst v0  }
0x27: {  	[tilespmem:s12+$0x4330] =	vst v0  }
0x28: {  	[tilespmem:s12+$0x4340] =	vst v0  }
0x29: {  	[tilespmem:s12+$0x4350] =	vst v0  }
0x2a: {  	[tilespmem:s12+$0x4360] =	vst v0;
	s16 =	sadd.s32 $0x0, s7  }
0x2b: {  	[spmem:s16] =	stream.linear.scatter [tilespmem:s21], [sflag:$0x3], $0x800, $0x38;
	[tilespmem:$0x19B80] =	vst v63  }
0x2c: {  	s12 =	simm.s32 $0x2000;
	_ =	swait.ge [sflag:s22], $0x800  }
.LBB2_4:
0x2d: {  	s13 =	sshra.s32 s12, $0x2;
	[sflag:s22] =	ssyncset.done $0x0;
	p1 =	sne.s32 s12, $0x4C000  }
.Ltmp1:
0x2e: {  	s13 =	sadd.s32 s13, s7;
	[sflag:s22] =	ssyncadd.s32 $0xFFFFF800;
	(pc) =	sbr.rel @p1 .LBB2_4-.Ltmp1, $3  }
0x2f: {  	[spmem:s13] =	stream.linear.scatter [tilespmem:s21], [sflag:$0x3], $0x800, $0x38;
	[tilespmem:$0x19B80] =	vst v63  }
0x30: {  	s12 =	sadd.s32 $0x2000, s12;
	_ =	sdelay $0x1  }
0x31: {  	_ =	swait.ge [sflag:s22], $0x800  }
0x32: {  	[sflag:s22] =	ssyncset.done $0x0  }
0x33: {  	s12 =	simm.s32 @!p0 $0x4300;
	[sflag:s22] =	ssyncadd.s32 $0xFFFFF800  }
0x34: {  	[spmem:s8] =	stream.linear.scatter @!p0 [tilespmem:s12], [sflag:$0x3], $0x800, $0x38;
	[tilespmem:$0x19B80] =	vst v63  }
0x35: {  	s12 =	simm.s32 @!p0 $0x3  }
0x36: {  	_ =	swait.ge @!p0 [sflag:s12], $0x800  }
0x37: {  	[sflag:s12] =	ssyncset.done @!p0 $0x0  }
0x38: {  	[sflag:s12] =	ssyncadd.s32 @!p0 $0xFFFFF800  }
0x39: {  	[bflag:$0x0] =	sbarrier.arrive $0xFFFF  }
0x3a: {  	s16 =	simm.s32 $0x0;
	s0 =	rddreg [dreg:$0x3]  }
0x3b: {  	[tilespmem:s16], [sflag:$0x3] =	stream.linear.gather [hbm4b:s0+s16], $0x40, $0x38;
	[tilespmem:$0x19B80] =	vst v63  }
0x3c: {  	_ =	swait.ge [sflag:s22], $0x40  }
0x3d: {  	[sflag:s22] =	ssyncset.done $0x0  }
0x3e: {  	s13 =	rddreg [dreg:$0x4];
	[sflag:s22] =	ssyncadd.s32 $0xFFFFFFC0  }
0x3f: {  	[tilespmem:s23], [sflag:$0x3] =	stream.linear.gather [hbm4b:s13+s16], $0x40, $0x38;
	[tilespmem:$0x19B80] =	vst v63  }
0x40: {  	_ =	swait.ge [sflag:s22], $0x40  }
0x41: {  	[sflag:s22] =	ssyncset.done $0x0  }
0x42: {  	[sflag:s22] =	ssyncadd.s32 $0xFFFFFFC0  }
0x43: {  	[tilespmem:s25], [sflag:$0x1] =	stream.indirect.gather [hbm4b:s4+s24], $0x80, s16, s24, $0xb8;
	[tilespmem:$0x19B80] =	vst v63  }
0x44: {  	s14 =	sadd.s32 $0x0, s19  }
0x45: {  	[tilespmem:s26], [sflag:$0x3] =	stream.linear.gather [hbm4b:s14+s2], $0x40, $0x38;
	[tilespmem:$0x19B80] =	vst v63  }
0x46: {  	_ =	swait.ge [sflag:s22], $0x40  }
0x47: {  	[sflag:s22] =	ssyncset.done $0x0  }
0x48: {  	s15 =	sadd.s32 $0x0, s18;
	[sflag:s22] =	ssyncadd.s32 $0xFFFFFFC0  }
0x49: {  	[tilespmem:s28], [sflag:$0x3] =	stream.linear.gather [hbm4b:s15+s2], $0x40, $0x38;
	[tilespmem:$0x19B80] =	vst v63  }
0x4a: {  	_ =	swait.ge [sflag:s22], $0x40  }
0x4b: {  	[sflag:s22] =	ssyncset.done $0x0  }
0x4c: {  	[sflag:s22] =	ssyncadd.s32 $0xFFFFFFC0  }
0x4d: {  	[tilespmem:s29], [sflag:$0x2] =	stream.indirect.gather [hbm4b:s4+s24], $0x80, s26, s24, $0xb8;
	[tilespmem:$0x19B80] =	vst v63  }
0x4e: {  	_ =	swait.ge [sflag:s30], $0x2000  }
0x4f: {  	[sflag:s30] =	ssyncset.done $0x0  }
0x50: {  	[sflag:s30] =	ssyncadd.s32 $0xFFFFE000  }
0x51: {  	[spmem:s1] =	stream.indirect.scatter.add.f32 [tilespmem:s25], [sflag:$0x3], $0x80, s23, s24, $0xb8;
	[tilespmem:$0x19B80] =	vst v63  }
0x52: {  	_ =	swait.ge [sflag:s22], $0x2000  }
0x53: {  	s16 =	sshrl.u32 s17, $0x3;
	[sflag:s22] =	ssyncset.done $0x0  }
0x54: {  	s13 =	sadd.s32 s5, s16;
	[sflag:s22] =	ssyncadd.s32 $0xFFFFE000  }
0x55: {  	[tilespmem:s2], [sflag:$0x3] =	stream.linear.gather [hbm4b:s13+s2], $0x40, $0x38;
	[tilespmem:$0x19B80] =	vst v63  }
0x56: {  	_ =	swait.ge [sflag:s22], $0x40  }
0x57: {  	[sflag:s22] =	ssyncset.done $0x0  }
0x58: {  	s12 =	sadd.s32 s6, s16;
	[sflag:s22] =	ssyncadd.s32 $0xFFFFFFC0  }
0x59: {  	[tilespmem:s23], [sflag:$0x3] =	stream.linear.gather [hbm4b:s12+s2], $0x40, $0x38;
	[tilespmem:$0x19B80] =	vst v63  }
0x5a: {  	_ =	swait.ge [sflag:s22], $0x40  }
0x5b: {  	[sflag:s22] =	ssyncset.done $0x0  }
0x5c: {  	[sflag:s22] =	ssyncadd.s32 $0xFFFFFFC0  }
0x5d: {  	[tilespmem:s25], [sflag:$0x1] =	stream.indirect.gather [hbm4b:s4+s24], $0x80, s2, s24, $0xb8;
	[tilespmem:$0x19B80] =	vst v63  }
0x5e: {  	_ =	swait.ge [sflag:s31], $0x2000  }
0x5f: {  	[sflag:s31] =	ssyncset.done $0x0  }
0x60: {  	[sflag:s31] =	ssyncadd.s32 $0xFFFFE000  }
0x61: {  	[spmem:s1] =	stream.indirect.scatter.add.f32 [tilespmem:s29], [sflag:$0x3], $0x80, s28, s24, $0xb8;
	[tilespmem:$0x19B80] =	vst v63  }
0x62: {  	s14 =	simm.s32 $0x20;
	_ =	swait.ge [sflag:s22], $0x2000  }
0x63: {  	s13 =	simm.s32 $0x10;
	s12 =	sadd.s32 $0x80, s17;
	[sflag:s22] =	ssyncset.done $0x0  }
.LBB2_6:
0x64: {  	s16 =	sadd.s32 s13, s19  }
0x65: {  	[sflag:s22] =	ssyncadd.s32 $0xFFFFE000;
	s0 =	smov.u32 s14;
	s15 =	sadd.s32 $0x10, s14  }
0x66: {  	[tilespmem:s26], [sflag:$0x3] =	stream.linear.gather [hbm4b:s16+s2], $0x40, $0x38;
	[tilespmem:$0x19B80] =	vst v63  }
0x67: {  	p1 =	sne.s32 s14, $0x4C0;
	_ =	swait.ge [sflag:s22], $0x40  }
0x68: {  	[sflag:s22] =	ssyncset.done $0x0  }
0x69: {  	s14 =	sadd.s32 s13, s18;
	s13 =	smov.u32 s0;
	[sflag:s22] =	ssyncadd.s32 $0xFFFFFFC0  }
0x6a: {  	[tilespmem:s28], [sflag:$0x3] =	stream.linear.gather [hbm4b:s14+s2], $0x40, $0x38;
	[tilespmem:$0x19B80] =	vst v63  }
0x6b: {  	_ =	swait.ge [sflag:s22], $0x40  }
0x6c: {  	[sflag:s22] =	ssyncset.done $0x0  }
0x6d: {  	[sflag:s22] =	ssyncadd.s32 $0xFFFFFFC0  }
0x6e: {  	[tilespmem:s29], [sflag:$0x2] =	stream.indirect.gather [hbm4b:s4+s24], $0x80, s26, s24, $0xb8;
	[tilespmem:$0x19B80] =	vst v63  }
0x6f: {  	_ =	swait.ge [sflag:s30], $0x2000  }
0x70: {  	[sflag:s30] =	ssyncset.done $0x0  }
0x71: {  	[sflag:s30] =	ssyncadd.s32 $0xFFFFE000  }
0x72: {  	[spmem:s1] =	stream.indirect.scatter.add.f32 [tilespmem:s25], [sflag:$0x3], $0x80, s23, s24, $0xb8;
	[tilespmem:$0x19B80] =	vst v63  }
0x73: {  	_ =	swait.ge [sflag:s22], $0x2000  }
0x74: {  	s0 =	sshrl.u32 s12, $0x3;
	[sflag:s22] =	ssyncset.done $0x0  }
0x75: {  	s14 =	sadd.s32 s5, s0;
	[sflag:s22] =	ssyncadd.s32 $0xFFFFE000  }
0x76: {  	[tilespmem:s2], [sflag:$0x3] =	stream.linear.gather [hbm4b:s14+s2], $0x40, $0x38;
	[tilespmem:$0x19B80] =	vst v63  }
0x77: {  	_ =	swait.ge [sflag:s22], $0x40  }
0x78: {  	[sflag:s22] =	ssyncset.done $0x0  }
0x79: {  	s0 =	sadd.s32 s6, s0;
	[sflag:s22] =	ssyncadd.s32 $0xFFFFFFC0  }
0x7a: {  	[tilespmem:s23], [sflag:$0x3] =	stream.linear.gather [hbm4b:s0+s2], $0x40, $0x38;
	[tilespmem:$0x19B80] =	vst v63  }
0x7b: {  	_ =	swait.ge [sflag:s22], $0x40  }
0x7c: {  	[sflag:s22] =	ssyncset.done $0x0  }
0x7d: {  	[sflag:s22] =	ssyncadd.s32 $0xFFFFFFC0  }
0x7e: {  	[tilespmem:s25], [sflag:$0x1] =	stream.indirect.gather [hbm4b:s4+s24], $0x80, s2, s24, $0xb8;
	[tilespmem:$0x19B80] =	vst v63  }
0x7f: {  	_ =	swait.ge [sflag:s31], $0x2000  }
.Ltmp2:
0x80: {  	[sflag:s31] =	ssyncset.done $0x0;
	(pc) =	sbr.rel @p1 .LBB2_6-.Ltmp2, $4  }
0x81: {  	[sflag:s31] =	ssyncadd.s32 $0xFFFFE000  }
0x82: {  	[spmem:s1] =	stream.indirect.scatter.add.f32 [tilespmem:s29], [sflag:$0x3], $0x80, s28, s24, $0xb8;
	[tilespmem:$0x19B80] =	vst v63  }
0x83: {  	_ =	swait.ge [sflag:s22], $0x2000  }
0x84: {  	s12 =	sadd.s32 $0x80, s12;
	s14 =	smov.u32 s15;
	[sflag:s22] =	ssyncset.done $0x0  }
0x85: {  	s0 =	sadd.s32 s13, s19;
	[sflag:s22] =	ssyncadd.s32 $0xFFFFE000  }
0x86: {  	[tilespmem:s26], [sflag:$0x3] =	stream.linear.gather [hbm4b:s0+s2], $0x40, $0x38;
	[tilespmem:$0x19B80] =	vst v63  }
0x87: {  	_ =	swait.ge [sflag:s22], $0x40  }
0x88: {  	[sflag:s22] =	ssyncset.done $0x0  }
0x89: {  	s13 =	sadd.s32 s13, s18;
	[sflag:s22] =	ssyncadd.s32 $0xFFFFFFC0  }
0x8a: {  	[tilespmem:s28], [sflag:$0x3] =	stream.linear.gather [hbm4b:s13+s2], $0x40, $0x38;
	[tilespmem:$0x19B80] =	vst v63  }
0x8b: {  	_ =	swait.ge [sflag:s22], $0x40  }
0x8c: {  	[sflag:s22] =	ssyncset.done $0x0  }
0x8d: {  	[sflag:s22] =	ssyncadd.s32 $0xFFFFFFC0  }
0x8e: {  	[tilespmem:s29], [sflag:$0x2] =	stream.indirect.gather [hbm4b:s4+s24], $0x80, s26, s24, $0xb8;
	[tilespmem:$0x19B80] =	vst v63  }
0x8f: {  	_ =	swait.ge [sflag:s30], $0x2000  }
0x90: {  	[sflag:s30] =	ssyncset.done $0x0  }
0x91: {  	[sflag:s30] =	ssyncadd.s32 $0xFFFFE000  }
0x92: {  	[spmem:s1] =	stream.indirect.scatter.add.f32 [tilespmem:s25], [sflag:$0x3], $0x80, s23, s24, $0xb8;
	[tilespmem:$0x19B80] =	vst v63  }
0x93: {  	_ =	swait.ge [sflag:s22], $0x2000  }
0x94: {  	s14 =	sshrl.u32 s12, $0x3;
	[sflag:s22] =	ssyncset.done $0x0  }
0x95: {  	s12 =	sadd.s32 s5, s14;
	[sflag:s22] =	ssyncadd.s32 $0xFFFFE000  }
0x96: {  	[tilespmem:s2], [sflag:$0x3] =	stream.linear.gather [hbm4b:s12+s2], $0x40, $0x38;
	[tilespmem:$0x19B80] =	vst v63  }
0x97: {  	_ =	swait.ge [sflag:s22], $0x40  }
0x98: {  	[sflag:s22] =	ssyncset.done $0x0  }
0x99: {  	s0 =	sadd.s32 s6, s14;
	[sflag:s22] =	ssyncadd.s32 $0xFFFFFFC0  }
0x9a: {  	[tilespmem:s23], [sflag:$0x3] =	stream.linear.gather [hbm4b:s0+s2], $0x40, $0x38;
	[tilespmem:$0x19B80] =	vst v63  }
0x9b: {  	_ =	swait.ge [sflag:s22], $0x40  }
0x9c: {  	[sflag:s22] =	ssyncset.done $0x0  }
0x9d: {  	[sflag:s22] =	ssyncadd.s32 $0xFFFFFFC0  }
0x9e: {  	[tilespmem:s25], [sflag:$0x1] =	stream.indirect.gather [hbm4b:s4+s24], $0x80, s2, s24, $0xb8;
	[tilespmem:$0x19B80] =	vst v63  }
0x9f: {  	_ =	swait.ge [sflag:s31], $0x2000  }
0xa0: {  	[sflag:s31] =	ssyncset.done $0x0  }
0xa1: {  	[sflag:s31] =	ssyncadd.s32 $0xFFFFE000  }
0xa2: {  	[spmem:s1] =	stream.indirect.scatter.add.f32 [tilespmem:s29], [sflag:$0x3], $0x80, s28, s24, $0xb8;
	[tilespmem:$0x19B80] =	vst v63  }
0xa3: {  	_ =	swait.ge [sflag:s22], $0x2000  }
0xa4: {  	[sflag:s22] =	ssyncset.done $0x0  }
0xa5: {  	s0 =	simm.s32 $0x0;
	s15 =	rddreg [dreg:$0x9];
	[sflag:s22] =	ssyncadd.s32 $0xFFFFE000  }
0xa6: {  	[tilespmem:s26], [sflag:$0x3] =	stream.linear.gather [hbm4b:s15+s0], $0x40, $0x38;
	[tilespmem:$0x19B80] =	vst v63  }
0xa7: {  	_ =	swait.ge [sflag:s22], $0x40  }
0xa8: {  	[sflag:s22] =	ssyncset.done $0x0  }
0xa9: {  	s16 =	rddreg [dreg:$0xa];
	[sflag:s22] =	ssyncadd.s32 $0xFFFFFFC0  }
0xaa: {  	[tilespmem:s28], [sflag:$0x3] =	stream.linear.gather [hbm4b:s16+s0], $0x40, $0x38;
	[tilespmem:$0x19B80] =	vst v63  }
0xab: {  	_ =	swait.ge [sflag:s22], $0x40  }
0xac: {  	[sflag:s22] =	ssyncset.done $0x0  }
0xad: {  	[sflag:s22] =	ssyncadd.s32 $0xFFFFFFC0  }
0xae: {  	[tilespmem:s29], [sflag:$0x2] =	stream.indirect.gather [hbm4b:s4+s24], $0x80, s26, s24, $0xb8;
	[tilespmem:$0x19B80] =	vst v63  }
0xaf: {  	_ =	swait.ge [sflag:s30], $0x2000  }
0xb0: {  	[sflag:s30] =	ssyncset.done $0x0  }
0xb1: {  	[sflag:s30] =	ssyncadd.s32 $0xFFFFE000  }
0xb2: {  	[spmem:s1] =	stream.indirect.scatter.add.f32 [tilespmem:s25], [sflag:$0x3], $0x80, s23, s24, $0xb8;
	[tilespmem:$0x19B80] =	vst v63  }
0xb3: {  	_ =	swait.ge [sflag:s22], $0x2000  }
0xb4: {  	[sflag:s22] =	ssyncset.done $0x0  }
0xb5: {  	[sflag:s22] =	ssyncadd.s32 $0xFFFFE000  }
0xb6: {  	_ =	swait.ge [sflag:s31], $0x2000  }
0xb7: {  	[sflag:s31] =	ssyncset.done $0x0  }
0xb8: {  	[sflag:s31] =	ssyncadd.s32 $0xFFFFE000  }
0xb9: {  	[spmem:s1] =	stream.indirect.scatter.add.f32 [tilespmem:s29], [sflag:$0x3], $0x80, s28, s24, $0xb8;
	[tilespmem:$0x19B80] =	vst v63  }
0xba: {  	_ =	swait.ge [sflag:s22], $0x2000  }
0xbb: {  	[sflag:s22] =	ssyncset.done $0x0  }
0xbc: {  	s14 =	simm.s32 $0x4200;
	s13 =	rddreg [dreg:$0x5];
	[sflag:s22] =	ssyncadd.s32 $0xFFFFE000  }
0xbd: {  	[tilespmem:s14], [sflag:$0x3] =	stream.linear.gather [hbm4b:s13+s0], $0x10, $0x38;
	[tilespmem:$0x19B80] =	vst v63  }
0xbe: {  	_ =	swait.ge [sflag:s22], $0x10  }
0xbf: {  	[sflag:s22] =	ssyncset.done $0x0  }
0xc0: {  	s15 =	rddreg [dreg:$0x6];
	[sflag:s22] =	ssyncadd.s32 $0xFFFFFFF0  }
0xc1: {  	[tilespmem:s3], [sflag:$0x3] =	stream.linear.gather [hbm4b:s15+s0], $0x10, $0x38;
	[tilespmem:$0x19B80] =	vst v63  }
0xc2: {  	_ =	swait.ge [sflag:s22], $0x10  }
0xc3: {  	[sflag:s22] =	ssyncset.done $0x0  }
0xc4: {  	[sflag:s22] =	ssyncadd.s32 $0xFFFFFFF0  }
0xc5: {  	[tilespmem:s21], [sflag:$0x1] =	stream.indirect.gather [hbm4b:s4+s9], $0x80, s14, s9, $0xb8;
	[tilespmem:$0x19B80] =	vst v63  }
0xc6: {  	_ =	swait.ge [sflag:s30], $0x800  }
0xc7: {  	[sflag:s30] =	ssyncset.done $0x0  }
0xc8: {  	[sflag:s30] =	ssyncadd.s32 $0xFFFFF800  }
0xc9: {  	[spmem:s1] =	stream.indirect.scatter.add.f32 [tilespmem:s21], [sflag:$0x3], $0x80, s3, s9, $0xb8;
	[tilespmem:$0x19B80] =	vst v63  }
0xca: {  	_ =	swait.ge [sflag:s22], $0x800  }
0xcb: {  	[sflag:s22] =	ssyncset.done $0x0  }
0xcc: {  	[sflag:s22] =	ssyncadd.s32 $0xFFFFF800  }
0xcd: {  	[bflag:$0x0] =	sbarrier.arrive $0xFFFF  }
0xce: {  	[tilespmem:s10], [sflag:$0x3] =	stream.linear.gather [spmem:s7], $0x1800, $0x38;
	[tilespmem:$0x19B80] =	vst v63  }
0xcf: {  	_ =	swait.ge [sflag:s22], $0x1800  }
0xd0: {  	[sflag:s22] =	ssyncset.done $0x0  }
0xd1: {  	s16 =	sadd.s32 $0x0, s20;
	[sflag:s22] =	ssyncadd.s32 $0xFFFFE800  }
0xd2: {  	[hbm4b:s16+s2] =	stream.linear.scatter [tilespmem:s10], [sflag:$0x3], $0x1800, $0x38;
	[tilespmem:$0x19B80] =	vst v63  }
0xd3: {  	_ =	swait.ge [sflag:s22], $0x1800  }
0xd4: {  	s12 =	simm.s32 $0x300;
	s13 =	smov.u32 s7;
	[sflag:s22] =	ssyncset.done $0x0  }
.LBB2_8:
0xd5: {  	p1 =	sne.s32 s12, $0x2400;
	[sflag:s22] =	ssyncadd.s32 $0xFFFFE800;
	s13 =	sadd.s32 $0x1800, s13  }
0xd6: {  	[tilespmem:s10], [sflag:$0x3] =	stream.linear.gather [spmem:s13], $0x1800, $0x38;
	[tilespmem:$0x19B80] =	vst v63  }
0xd7: {  	s0 =	smov.u32 s12;
	s12 =	sadd.s32 $0x300, s12;
	_ =	swait.ge [sflag:s22], $0x1800  }
.Ltmp3:
0xd8: {  	[sflag:s22] =	ssyncset.done $0x0;
	(pc) =	sbr.rel @p1 .LBB2_8-.Ltmp3, $4  }
0xd9: {  	s0 =	sadd.s32 s0, s20;
	[sflag:s22] =	ssyncadd.s32 $0xFFFFE800  }
0xda: {  	[hbm4b:s0+s2] =	stream.linear.scatter [tilespmem:s10], [sflag:$0x3], $0x1800, $0x38;
	[tilespmem:$0x19B80] =	vst v63  }
0xdb: {  	_ =	swait.ge [sflag:s22], $0x1800  }
0xdc: {  	[sflag:s22] =	ssyncset.done $0x0  }
0xdd: {  	[sflag:s22] =	ssyncadd.s32 $0xFFFFE800;
	s0 =	simm.s32 @!p0 $0x4300;
	s12 =	simm.s32 @!p0 $0x3  }
0xde: {  	[tilespmem:s0], [sflag:$0x3] =	stream.linear.gather @!p0 [spmem:s8], $0x800, $0x38;
	[tilespmem:$0x19B80] =	vst v63  }
0xdf: {  	_ =	swait.ge @!p0 [sflag:s12], $0x800  }
0xe0: {  	[sflag:s12] =	ssyncset.done @!p0 $0x0  }
0xe1: {  	s13 =	simm.s32 @!p0 $0x0;
	s14 =	rddreg [dreg:$0x7];
	[sflag:s12] =	ssyncadd.s32 @!p0 $0xFFFFF800  }
0xe2: {  	[hbm4b:s14+s13] =	stream.linear.scatter @!p0 [tilespmem:s0], [sflag:$0x3], $0x800, $0x38;
	[tilespmem:$0x19B80] =	vst v63  }
0xe3: {  	_ =	swait.ge @!p0 [sflag:s12], $0x800  }
0xe4: {  	s11 =	sadd.s32 $0x1, s11;
	s16 =	rddreg [dreg:$0x8]  }
0xe5: {  	p1 =	sne.s32 s11, s16  }
.Ltmp4:
0xe6: {  	_ = 	snop;
	(pc) =	sbr.rel @p1 .LBB2_1-.Ltmp4, $3  }
0xe7: {  	_ =	sdelay $0x1  }
0xe8: {  	[sflag:s12] =	ssyncset.done @!p0 $0x0  }
0xe9: {  	[sflag:s12] =	ssyncadd.s32 @!p0 $0xFFFFF800  }
0xea: {  	_ =	sfence.sel $0x180000  }
0xeb: {  	[bflag:$0x0] =	sbarrier.arrive $0xFFFF  }
0xec: {  	_ =	strace $0x90000050  }
0xed: {  	s0 =	stileid.u32;
	[bflag:$0x2] =	sbarrier.arrive $0xFFFF  }
0xee: {  	p0 =	sne.s32 s0, $0x0;
	s0 =	rddreg [dreg:$0x2]  }
0xef: {  	s0 =	sadd.s32 @!p0 $0x100000, s0  }
0xf0: {  	[sflag:s0] =	ssyncadd.tile.s32 @!p0 $0x1;
	_ =	shalt  }
.Lfunc_end2:
_tile_overlayer_lowered:
.L_overlay_start_2:
0xf1: {  	(tag) =	ssettag $0x2  }
0xf2: {  	s0 =	rddreg [dreg:$0x0];
	s2 =	stileid.u32  }
0xf3: {  	s1 =	rddreg [dreg:$0x1];
	p0 =	sne.s32 s2, $0x0  }
0xf4: {  	s3 =	rddreg [dreg:$0x2];
	[bflag:$0x3] =	sbarrier.arrive $0xFFFF;
	s2 =	simm.s32 @!p0 $0x1C03  }
0xf5: {  	[timem:s3], [sflag:s2] =	dma.local @!p0 [hbm:s0], s1  }
0xf6: {  	s0 =	simm.s32 @!p0 $0x3  }
0xf7: {  	_ =	swait.ge @!p0 [sflag:s0], s1  }
0xf8: {  	s1 =	ssub.s32 @!p0 $0x0, s1;
	[sflag:s0] =	ssyncset.done @!p0 $0x0  }
0xf9: {  	[sflag:s0] =	ssyncadd.s32 @!p0 s1  }
0xfa: {  	[bflag:$0x3] =	sbarrier.arrive $0xFFFF  }
0xfb: {  	_ =	shalt  }

</sc_bundles>
